<compile_context>
chip_gen: v7x
topology: tpu7x:2x2x1
jax: 0.10.2.dev20260603
libtpu: 0.0.44.dev20260713+nightly
codegen_flags: <defaults>
</compile_context>

<pallas_src>
import functools

import jax
import jax.numpy as jnp
from jax import lax
from jax.experimental import pallas as pl
from jax.experimental.pallas import tpu as pltpu
from jax.experimental.pallas import tpu_sc as plsc

_N = 10000
_E = 320000
_D = 128
_H = 4
_DH = _D // _H

_NC, _NS = 2, 16
_NW = _NC * _NS
_EPW = _E // _NW
_NPAD = 10240
_RPS = _NPAD // _NS


def _ln_rows(x, g, b):
    m = jnp.mean(x, axis=-1, keepdims=True)
    v = jnp.mean((x - m) * (x - m), axis=-1, keepdims=True)
    return (x - m) * lax.rsqrt(v + 1e-5) * g + b


def _node_prep_body(x_ref, g_ref, b_ref, wq_ref, wk_ref, wv_ref,
                    q_ref, k_ref, v_ref):
    h = _ln_rows(x_ref[...], g_ref[...], b_ref[...])
    q_ref[...] = jnp.dot(h, wq_ref[...], preferred_element_type=jnp.float32)
    k_ref[...] = jnp.dot(h, wk_ref[...], preferred_element_type=jnp.float32) * (_DH ** -0.5)
    v_ref[...] = jnp.dot(h, wv_ref[...], preferred_element_type=jnp.float32)


def _node_prep(x, g, b, wq, wk, wv):
    blk = 2000
    grid = _N // blk
    row = pl.BlockSpec((blk, _D), lambda i: (i, 0))
    full = pl.BlockSpec((_D, _D), lambda i: (0, 0))
    vec = pl.BlockSpec((1, _D), lambda i: (0, 0))
    out = jax.ShapeDtypeStruct((_N, _D), jnp.float32)
    return pl.pallas_call(
        _node_prep_body,
        grid=(grid,),
        in_specs=[row, vec, vec, full, full, full],
        out_specs=[row, row, row],
        out_shape=[out, out, out],
    )(x, g.reshape(1, _D), b.reshape(1, _D), wq, wk, wv)


def _edge_prep_body(x_ref, g_ref, b_ref, we_ref, pe_ref):
    e = _ln_rows(x_ref[...], g_ref[...], b_ref[...])
    pe_ref[...] = jnp.dot(e, we_ref[...], preferred_element_type=jnp.float32)


def _edge_prep(x, g, b, we):
    blk = 4000
    grid = _E // blk
    row = pl.BlockSpec((blk, _D), lambda i: (i, 0))
    full = pl.BlockSpec((_D, _D), lambda i: (0, 0))
    vec = pl.BlockSpec((1, _D), lambda i: (0, 0))
    return pl.pallas_call(
        _edge_prep_body,
        grid=(grid,),
        in_specs=[row, vec, vec, full],
        out_specs=row,
        out_shape=jax.ShapeDtypeStruct((_E, _D), jnp.float32),
    )(x, g.reshape(1, _D), b.reshape(1, _D), we)



_C = 64
_EPW2 = 10048
_NCHUNK2 = _EPW2 // _C
_EPAD = _NW * _EPW2
_ZROWS = _NPAD * _H // _D
_R = 10752
_RPS2 = _R // _NS
_CB = 32


def _sc_attn_body(q_hbm, k_hbm, v_hbm, pe_hbm, src_hbm, dst_hbm, out_hbm,
                  srcb, dstb, dstz, kb, qb, vb, peb, zb_wv, acc,
                  s0, s1, s2, s3):
    cid = lax.axis_index("c")
    sid = lax.axis_index("s")
    wid = sid * _NC + cid

    zeros16 = jnp.zeros((16,), jnp.float32)
    lanes = lax.broadcasted_iota(jnp.int32, (16,), 0)

    def zrow(r, c):
        for j in range(_D // 16):
            zb_wv[r, pl.ds(j * 16, 16)] = zeros16
        return c
    lax.fori_loop(0, _CB, zrow, 0)

    base_r = sid * _RPS2
    for c in range(_RPS2 // _CB):
        pltpu.sync_copy(zb_wv, acc.at[pl.ds(base_r + c * _CB, _CB)])
    plsc.subcore_barrier()

    bfly = [lanes ^ (1 << j) for j in range(4)]
    gdn = lax.GatherDimensionNumbers(
        offset_dims=(), collapsed_slice_dims=(0,), start_index_map=(0,))

    def lane_sum(t):
        for idx in bfly:
            t = t + lax.gather(t, idx[:, None], gdn, slice_sizes=(1,),
                               mode=lax.GatherScatterMode.PROMISE_IN_BOUNDS)
        return t

    ebase = wid * _EPW2

    def chunk(i, carry):
        b = ebase + i * _C
        @pl.when(i > 0)
        def _():
            pltpu.make_async_copy(qb, acc.at[dstb], s2).wait()
            pltpu.make_async_copy(kb, acc.at[dstz], s3).wait()
        pltpu.sync_copy(src_hbm.at[pl.ds(b, _C)], srcb)
        pltpu.sync_copy(dst_hbm.at[pl.ds(b, _C)], dstb)
        ck = pltpu.async_copy(k_hbm.at[srcb], kb, s0)
        cq = pltpu.async_copy(q_hbm.at[dstb], qb, s1)
        cv = pltpu.async_copy(v_hbm.at[srcb], vb, s2)
        cp = pltpu.async_copy(pe_hbm.at[pl.ds(b, _C)], peb, s3)
        ck.wait()
        cq.wait()
        cv.wait()
        cp.wait()

        def edge(e, c2):
            av = zeros16
            for h in range(_H):
                o0 = h * _DH
                o1 = o0 + 16
                t = (jnp.clip(kb[e, pl.ds(o0, 16)] * qb[e, pl.ds(o0, 16)],
                              -5.0, 5.0) * peb[e, pl.ds(o0, 16)]
                     + jnp.clip(kb[e, pl.ds(o1, 16)] * qb[e, pl.ds(o1, 16)],
                                -5.0, 5.0) * peb[e, pl.ds(o1, 16)])
                avec = jnp.exp(jnp.clip(lane_sum(t), -5.0, 5.0))
                qb[e, pl.ds(o0, 16)] = vb[e, pl.ds(o0, 16)] * avec
                qb[e, pl.ds(o1, 16)] = vb[e, pl.ds(o1, 16)] * avec
                av = jnp.where(lanes == h, avec, av)
            vb[e, pl.ds(0, 16)] = av
            return c2
        lax.fori_loop(0, _C, edge, 0, unroll=2)

        def zk(e, c2):
            for j in range(_D // 16):
                kb[e, pl.ds(j * 16, 16)] = zeros16
            return c2
        lax.fori_loop(0, _C, zk, 0)

        for j in range(_C // 16):
            d16 = dstb[pl.ds(j * 16, 16)]
            rows = lanes + (j * 16)
            dstz[pl.ds(j * 16, 16)] = _NPAD + lax.shift_right_logical(d16, 5)
            colb = lax.shift_left(jnp.bitwise_and(d16, 31), 2)
            for h in range(_H):
                vals = plsc.load_gather(
                    vb, [rows, jnp.full((16,), h, jnp.int32)])
                plsc.store_scatter(kb, [rows, colb + h], vals)

        pltpu.async_copy(qb, acc.at[dstb], s2, add=True)
        pltpu.async_copy(kb, acc.at[dstz], s3, add=True)
        return carry

    lax.fori_loop(0, _NCHUNK2, chunk, 0)
    pltpu.make_async_copy(qb, acc.at[dstb], s2).wait()
    pltpu.make_async_copy(kb, acc.at[dstz], s3).wait()
    plsc.subcore_barrier()

    for c in range(_RPS2 // _CB):
        pltpu.sync_copy(acc.at[pl.ds(base_r + c * _CB, _CB)], zb_wv)
        pltpu.sync_copy(
            zb_wv, out_hbm.at[pl.ds(cid * _R + base_r + c * _CB, _CB)])


def _sc_attn(q, k, v, pe, src, dst):
    mesh = plsc.VectorSubcoreMesh(core_axis_name="c", subcore_axis_name="s")
    f = functools.partial(
        pl.kernel,
        mesh=mesh,
        compiler_params=pltpu.CompilerParams(needs_layout_passes=False),
        out_type=jax.ShapeDtypeStruct((_NC * _R, _D), jnp.float32),
        scratch_types=[
            pltpu.VMEM((_C,), jnp.int32),
            pltpu.VMEM((_C,), jnp.int32),
            pltpu.VMEM((_C,), jnp.int32),
            pltpu.VMEM((_C, _D), jnp.float32),
            pltpu.VMEM((_C, _D), jnp.float32),
            pltpu.VMEM((_C, _D), jnp.float32),
            pltpu.VMEM((_C, _D), jnp.float32),
            pltpu.VMEM((_CB, _D), jnp.float32),
            pltpu.VMEM_SHARED((_R, _D), jnp.float32),
            pltpu.SemaphoreType.DMA,
            pltpu.SemaphoreType.DMA,
            pltpu.SemaphoreType.DMA,
            pltpu.SemaphoreType.DMA,
        ],
    )(_sc_attn_body)
    return f(q, k, v, pe, src, dst)


def _final_body(wv_ref, z_ref, x_ref, wo_ref, bo_ref, g2_ref, b2_ref,
                w1_ref, w2_ref, o_ref):
    wv = wv_ref[0] + wv_ref[1]
    z = z_ref[0] + z_ref[1]
    blk = wv.shape[0]
    zf = jnp.concatenate(
        [jnp.broadcast_to(z[:, h:h + 1], (blk, _DH)) for h in range(_H)],
        axis=1)
    h_out = wv / (zf + 1e-6)
    h2 = (jnp.dot(h_out, wo_ref[...], preferred_element_type=jnp.float32)
          + bo_ref[...] + x_ref[...])
    h3 = _ln_rows(h2, g2_ref[...], b2_ref[...])
    t = jnp.dot(h3, w1_ref[...], preferred_element_type=jnp.float32)
    t = t * jax.nn.sigmoid(t)
    o_ref[...] = h2 + jnp.dot(t, w2_ref[...], preferred_element_type=jnp.float32)


def _final(wv_p, z_p, x, wo, bo, g2, b2, w1, w2):
    blk = 2048
    grid = _NPAD // blk
    return pl.pallas_call(
        _final_body,
        grid=(grid,),
        in_specs=[
            pl.BlockSpec((_NC, blk, _D), lambda i: (0, i, 0)),
            pl.BlockSpec((_NC, blk, _H), lambda i: (0, i, 0)),
            pl.BlockSpec((blk, _D), lambda i: (i, 0)),
            pl.BlockSpec((_D, _D), lambda i: (0, 0)),
            pl.BlockSpec((1, _D), lambda i: (0, 0)),
            pl.BlockSpec((1, _D), lambda i: (0, 0)),
            pl.BlockSpec((1, _D), lambda i: (0, 0)),
            pl.BlockSpec((_D, 2 * _D), lambda i: (0, 0)),
            pl.BlockSpec((2 * _D, _D), lambda i: (0, 0)),
        ],
        out_specs=pl.BlockSpec((blk, _D), lambda i: (i, 0)),
        out_shape=jax.ShapeDtypeStruct((_NPAD, _D), jnp.float32),
    )(wv_p, z_p, x, wo, bo.reshape(1, _D), g2.reshape(1, _D),
      b2.reshape(1, _D), w1, w2)


def kernel(node_feats, edge_feats, edge_index, ln1n_g, ln1n_b, ln1e_g,
           ln1e_b, Wq, Wk, Wv, We, Wo, bo, ln2_g, ln2_b, W1, W2):
    npad_e = _EPAD - _E
    src = jnp.concatenate([edge_index[0], jnp.zeros((npad_e,), jnp.int32)])
    dst = jnp.concatenate([edge_index[1],
                           jnp.full((npad_e,), _N, jnp.int32)])
    q, k, v = _node_prep(node_feats, ln1n_g, ln1n_b, Wq, Wk, Wv)
    pe = _edge_prep(edge_feats, ln1e_g, ln1e_b, We)
    pe = jnp.pad(pe, ((0, npad_e), (0, 0)))
    acc = _sc_attn(q, k, v, pe, src, dst).reshape(_NC, _R, _D)
    wv_p = acc[:, :_NPAD, :]
    z_p = acc[:, _NPAD:_NPAD + _ZROWS, :].reshape(_NC, _NPAD, _H)
    xp = jnp.pad(node_feats, ((0, _NPAD - _N), (0, 0)))
    out = _final(wv_p, z_p, xp, Wo, bo, ln2_g, ln2_b, W1, W2)
    return out[:_N]

# --- scband reference (transcript-rebuilt; emitter-appended) ---
"""Pipeline reference for scband-final-graph-transformer-module-14508399526691 (READ-ONLY COPY).

The authoritative reference and input builder live on the scoring server;
editing this copy changes nothing except your own understanding.
"""

import jax, jax.numpy as jnp
import numpy as np

N_NODES = 10000
N_EDGES = 320000
D = 128
H = 4
DH = D // H


def _ln(x, g, b, eps=1e-5):
    m = jnp.mean(x, axis=-1, keepdims=True)
    v = jnp.var(x, axis=-1, keepdims=True)
    return (x - m) / jnp.sqrt(v + eps) * g + b


def setup_inputs(seed: int = 0) -> dict:
    key = jax.random.key(seed)
    ks = [jax.random.fold_in(key, i) for i in range(20)]
    inp = {}
    inp['node_feats'] = jax.random.normal(ks[0], (N_NODES, D), dtype=jnp.float32)
    inp['edge_feats'] = jax.random.normal(ks[1], (N_EDGES, D), dtype=jnp.float32)
    inp['edge_index'] = jax.random.randint(ks[2], (2, N_EDGES), 0, N_NODES, dtype=jnp.int64 if jax.config.jax_enable_x64 else jnp.int32).astype(jnp.int32)
    s = 1.0 / np.sqrt(D)
    inp['ln1n_g'] = jnp.ones((D,), jnp.float32)
    inp['ln1n_b'] = jnp.zeros((D,), jnp.float32)
    inp['ln1e_g'] = jnp.ones((D,), jnp.float32)
    inp['ln1e_b'] = jnp.zeros((D,), jnp.float32)
    inp['Wq'] = jax.random.normal(ks[3], (D, D), jnp.float32) * s
    inp['Wk'] = jax.random.normal(ks[4], (D, D), jnp.float32) * s
    inp['Wv'] = jax.random.normal(ks[5], (D, D), jnp.float32) * s
    inp['We'] = jax.random.normal(ks[6], (D, D), jnp.float32) * s
    inp['Wo'] = jax.random.normal(ks[7], (D, D), jnp.float32) * s
    inp['bo'] = jnp.zeros((D,), jnp.float32)
    inp['ln2_g'] = jnp.ones((D,), jnp.float32)
    inp['ln2_b'] = jnp.zeros((D,), jnp.float32)
    inp['W1'] = jax.random.normal(ks[8], (D, 2 * D), jnp.float32) * s
    inp['W2'] = jax.random.normal(ks[9], (2 * D, D), jnp.float32) * (1.0 / np.sqrt(2 * D))
    return inp


def reference(node_feats, edge_feats, edge_index, ln1n_g, ln1n_b, ln1e_g, ln1e_b, Wq, Wk, Wv, We, Wo, bo, ln2_g, ln2_b, W1, W2):
    n = node_feats.shape[0]
    src = edge_index[0]
    dst = edge_index[1]
    h_in1 = node_feats
    h = _ln(node_feats, ln1n_g, ln1n_b)
    e = _ln(edge_feats, ln1e_g, ln1e_b)
    Qh = (h @ Wq).reshape(n, H, DH)
    Kh = (h @ Wk).reshape(n, H, DH)
    Vh = (h @ Wv).reshape(n, H, DH)
    Pe = (e @ We).reshape(-1, H, DH)
    # edge attention scores (DGL: src K * dst Q)
    score = Kh[src] * Qh[dst]
    score = jnp.clip(score / jnp.sqrt(DH), -5.0, 5.0)
    score = score * Pe
    attn = jnp.exp(jnp.clip(jnp.sum(score, axis=-1, keepdims=True), -5.0, 5.0))
    wV = jax.ops.segment_sum(Vh[src] * attn, dst, num_segments=n)
    z = jax.ops.segment_sum(attn, dst, num_segments=n)
    h_out = wV / (z + 1e-6)
    h2 = h_out.reshape(n, H * DH)
    h2 = h2 @ Wo + bo
    h2 = h_in1 + h2
    h_in2 = h2
    h3 = _ln(h2, ln2_g, ln2_b)
    h3 = h3 @ W1
    h3 = h3 * jax.nn.sigmoid(h3)
    h3 = h3 @ W2
    out = h_in2 + h3
    return out

if __name__ == "__main__":
    import jax
    _d = setup_inputs()
    print(jax.jit(kernel)(*tuple(_d.values())))

</pallas_src>

<mosaic_0001>
#map = affine_map<(d0, d1) -> (0, 0)>
#map1 = affine_map<(d0, d1) -> (0)>
module attributes {stable_mosaic.version = 14 : i64} {
  func.func @_sc_attn_body(%arg0: i32, %arg1: i32, %arg2: memref<10000x128xf32, #tpu.memory_space<hbm>>, %arg3: memref<10000x128xf32, #tpu.memory_space<hbm>>, %arg4: memref<10000x128xf32, #tpu.memory_space<hbm>>, %arg5: memref<321536x128xf32, #tpu.memory_space<hbm>>, %arg6: memref<321536xi32, #tpu.memory_space<hbm>>, %arg7: memref<321536xi32, #tpu.memory_space<hbm>>, %arg8: memref<21504x128xf32, #tpu.memory_space<hbm>>, %arg9: memref<64xi32, #tpu.memory_space<vmem>>, %arg10: memref<64xi32, #tpu.memory_space<vmem>>, %arg11: memref<64xi32, #tpu.memory_space<vmem>>, %arg12: memref<64x128xf32, #tpu.memory_space<vmem>>, %arg13: memref<64x128xf32, #tpu.memory_space<vmem>>, %arg14: memref<64x128xf32, #tpu.memory_space<vmem>>, %arg15: memref<64x128xf32, #tpu.memory_space<vmem>>, %arg16: memref<32x128xf32, #tpu.memory_space<vmem>>, %arg17: memref<10752x128xf32, #tpu.memory_space<vmem_shared>>, %arg18: memref<!tpu.dma_semaphore, #tpu.memory_space<semaphore_mem>>, %arg19: memref<!tpu.dma_semaphore, #tpu.memory_space<semaphore_mem>>, %arg20: memref<!tpu.dma_semaphore, #tpu.memory_space<semaphore_mem>>, %arg21: memref<!tpu.dma_semaphore, #tpu.memory_space<semaphore_mem>>) attributes {dimension_semantics = [#tpu.dimension_semantics<core_parallel>, #tpu.dimension_semantics<subcore_parallel>], iteration_bounds = array<i64: 2, 16>, scalar_prefetch = 0 : i64, scratch_operands = 13 : i64, tpu.core_type = #tpu.core_type<sc_vector_subcore>, window_params = [{transform_indices = #map}, {transform_indices = #map}, {transform_indices = #map}, {transform_indices = #map}, {transform_indices = #map1}, {transform_indices = #map1}, {transform_indices = #map}]} {
    %mul3A = arith.constant 2 : i32
    %mul3A_0 = arith.muli %arg1, %mul3A : i32
    %add3A = arith.addi %mul3A_0, %arg0 : i32
    %broadcast_in_dim3A = arith.constant 0.000000e+00 : f32
    %broadcast_in_dim3A_1 = vector.broadcast %broadcast_in_dim3A : f32 to vector<16xf32>
    %iota3A = tpu.iota {dimensions = array<i32: 0>} : vector<16xi32>
    %scan3A = arith.constant 0 : i32
    %scan3A_2 = arith.constant 0 : i32
    %scan3A_3 = arith.constant 32 : i32
    %scan3A_4 = arith.addi %scan3A_2, %scan3A_3 : i32
    %scan3A_5 = arith.constant 1 : i32
    scf.for %scan3A_223 = %scan3A_2 to %scan3A_4 step %scan3A_5  : i32 {
      %swap3A = arith.index_cast %scan3A_223 : i32 to index
      %swap3A_224 = arith.constant 0 : index
      %swap3A_225 = tpu.vector_load %arg16[%swap3A, %swap3A_224] {strides = array<i32>} : memref<32x128xf32, #tpu.memory_space<vmem>>, vector<16xf32>,
      tpu.vector_store %arg16[%swap3A, %swap3A_224], %broadcast_in_dim3A_1 {strides = array<i32>} : memref<32x128xf32, #tpu.memory_space<vmem>>, vector<16xf32>,
      %swap3A_226 = arith.index_cast %scan3A_223 : i32 to index
      %swap3A_227 = arith.constant 16 : index
      %swap3A_228 = tpu.vector_load %arg16[%swap3A_226, %swap3A_227] {strides = array<i32>} : memref<32x128xf32, #tpu.memory_space<vmem>>, vector<16xf32>,
      tpu.vector_store %arg16[%swap3A_226, %swap3A_227], %broadcast_in_dim3A_1 {strides = array<i32>} : memref<32x128xf32, #tpu.memory_space<vmem>>, vector<16xf32>,
      %swap3A_229 = arith.index_cast %scan3A_223 : i32 to index
      %swap3A_230 = arith.constant 32 : index
      %swap3A_231 = tpu.vector_load %arg16[%swap3A_229, %swap3A_230] {strides = array<i32>} : memref<32x128xf32, #tpu.memory_space<vmem>>, vector<16xf32>,
      tpu.vector_store %arg16[%swap3A_229, %swap3A_230], %broadcast_in_dim3A_1 {strides = array<i32>} : memref<32x128xf32, #tpu.memory_space<vmem>>, vector<16xf32>,
      %swap3A_232 = arith.index_cast %scan3A_223 : i32 to index
      %swap3A_233 = arith.constant 48 : index
      %swap3A_234 = tpu.vector_load %arg16[%swap3A_232, %swap3A_233] {strides = array<i32>} : memref<32x128xf32, #tpu.memory_space<vmem>>, vector<16xf32>,
      tpu.vector_store %arg16[%swap3A_232, %swap3A_233], %broadcast_in_dim3A_1 {strides = array<i32>} : memref<32x128xf32, #tpu.memory_space<vmem>>, vector<16xf32>,
      %swap3A_235 = arith.index_cast %scan3A_223 : i32 to index
      %swap3A_236 = arith.constant 64 : index
      %swap3A_237 = tpu.vector_load %arg16[%swap3A_235, %swap3A_236] {strides = array<i32>} : memref<32x128xf32, #tpu.memory_space<vmem>>, vector<16xf32>,
      tpu.vector_store %arg16[%swap3A_235, %swap3A_236], %broadcast_in_dim3A_1 {strides = array<i32>} : memref<32x128xf32, #tpu.memory_space<vmem>>, vector<16xf32>,
      %swap3A_238 = arith.index_cast %scan3A_223 : i32 to index
      %swap3A_239 = arith.constant 80 : index
      %swap3A_240 = tpu.vector_load %arg16[%swap3A_238, %swap3A_239] {strides = array<i32>} : memref<32x128xf32, #tpu.memory_space<vmem>>, vector<16xf32>,
      tpu.vector_store %arg16[%swap3A_238, %swap3A_239], %broadcast_in_dim3A_1 {strides = array<i32>} : memref<32x128xf32, #tpu.memory_space<vmem>>, vector<16xf32>,
      %swap3A_241 = arith.index_cast %scan3A_223 : i32 to index
      %swap3A_242 = arith.constant 96 : index
      %swap3A_243 = tpu.vector_load %arg16[%swap3A_241, %swap3A_242] {strides = array<i32>} : memref<32x128xf32, #tpu.memory_space<vmem>>, vector<16xf32>,
      tpu.vector_store %arg16[%swap3A_241, %swap3A_242], %broadcast_in_dim3A_1 {strides = array<i32>} : memref<32x128xf32, #tpu.memory_space<vmem>>, vector<16xf32>,
      %swap3A_244 = arith.index_cast %scan3A_223 : i32 to index
      %swap3A_245 = arith.constant 112 : index
      %swap3A_246 = tpu.vector_load %arg16[%swap3A_244, %swap3A_245] {strides = array<i32>} : memref<32x128xf32, #tpu.memory_space<vmem>>, vector<16xf32>,
      tpu.vector_store %arg16[%swap3A_244, %swap3A_245], %broadcast_in_dim3A_1 {strides = array<i32>} : memref<32x128xf32, #tpu.memory_space<vmem>>, vector<16xf32>,
    }
    %scan3A_6 = arith.constant 32 : i32
    %mul3A_7 = arith.constant 672 : i32
    %mul3A_8 = arith.muli %arg1, %mul3A_7 : i32
    %add3A_9 = arith.constant 0 : i32
    %add3A_10 = arith.addi %mul3A_8, %add3A_9 : i32
    "tpu.region"() ({
      %run_scoped3A = tpu.sem_alloc : memref<!tpu.dma_semaphore, #tpu.memory_space<semaphore_mem>>
      %dma_start3A = arith.constant 0 : i32
      %dma_start3A_223 = tpu.memref_slice %arg17[%add3A_10, %dma_start3A] : memref<10752x128xf32, #tpu.memory_space<vmem_shared>> -> memref<32x128xf32, #tpu.memory_space<vmem_shared>>
      %dma_start3A_224 = arith.constant 0 : i32
      %dma_start3A_225 = tpu.memref_slice %arg17[%add3A_10, %dma_start3A_224] : memref<10752x128xf32, #tpu.memory_space<vmem_shared>> -> memref<32x128xf32, #tpu.memory_space<vmem_shared>>
      tpu.enqueue_dma source(%arg16 : memref<32x128xf32, #tpu.memory_space<vmem>>) target(%dma_start3A_225 : memref<32x128xf32, #tpu.memory_space<vmem_shared>>) target_semaphore(%run_scoped3A : memref<!tpu.dma_semaphore, #tpu.memory_space<semaphore_mem>>)
      %dma_wait3A_226 = arith.constant 0 : i32
      %dma_wait3A_227 = tpu.memref_slice %arg17[%add3A_10, %dma_wait3A_226] : memref<10752x128xf32, #tpu.memory_space<vmem_shared>> -> memref<32x128xf32, #tpu.memory_space<vmem_shared>>
      %dma_wait3A_228 = arith.constant 0 : i32
      %dma_wait3A_229 = tpu.memref_slice %arg17[%add3A_10, %dma_wait3A_228] : memref<10752x128xf32, #tpu.memory_space<vmem_shared>> -> memref<32x128xf32, #tpu.memory_space<vmem_shared>>
      tpu.wait_dma2 semaphore(%run_scoped3A : memref<!tpu.dma_semaphore, #tpu.memory_space<semaphore_mem>>) src(%arg16 : memref<32x128xf32, #tpu.memory_space<vmem>>) dst(%dma_wait3A_229 : memref<32x128xf32, #tpu.memory_space<vmem_shared>>)
      tpu.yield
    }) : () -> ()
    %add3A_11 = arith.constant 32 : i32
    %add3A_12 = arith.addi %mul3A_8, %add3A_11 : i32
    "tpu.region"() ({
      %run_scoped3A = tpu.sem_alloc : memref<!tpu.dma_semaphore, #tpu.memory_space<semaphore_mem>>
      %dma_start3A = arith.constant 0 : i32
      %dma_start3A_223 = tpu.memref_slice %arg17[%add3A_12, %dma_start3A] : memref<10752x128xf32, #tpu.memory_space<vmem_shared>> -> memref<32x128xf32, #tpu.memory_space<vmem_shared>>
      %dma_start3A_224 = arith.constant 0 : i32
      %dma_start3A_225 = tpu.memref_slice %arg17[%add3A_12, %dma_start3A_224] : memref<10752x128xf32, #tpu.memory_space<vmem_shared>> -> memref<32x128xf32, #tpu.memory_space<vmem_shared>>
      tpu.enqueue_dma source(%arg16 : memref<32x128xf32, #tpu.memory_space<vmem>>) target(%dma_start3A_225 : memref<32x128xf32, #tpu.memory_space<vmem_shared>>) target_semaphore(%run_scoped3A : memref<!tpu.dma_semaphore, #tpu.memory_space<semaphore_mem>>)
      %dma_wait3A_226 = arith.constant 0 : i32
      %dma_wait3A_227 = tpu.memref_slice %arg17[%add3A_12, %dma_wait3A_226] : memref<10752x128xf32, #tpu.memory_space<vmem_shared>> -> memref<32x128xf32, #tpu.memory_space<vmem_shared>>
      %dma_wait3A_228 = arith.constant 0 : i32
      %dma_wait3A_229 = tpu.memref_slice %arg17[%add3A_12, %dma_wait3A_228] : memref<10752x128xf32, #tpu.memory_space<vmem_shared>> -> memref<32x128xf32, #tpu.memory_space<vmem_shared>>
      tpu.wait_dma2 semaphore(%run_scoped3A : memref<!tpu.dma_semaphore, #tpu.memory_space<semaphore_mem>>) src(%arg16 : memref<32x128xf32, #tpu.memory_space<vmem>>) dst(%dma_wait3A_229 : memref<32x128xf32, #tpu.memory_space<vmem_shared>>)
      tpu.yield
    }) : () -> ()
    %add3A_13 = arith.constant 64 : i32
    %add3A_14 = arith.addi %mul3A_8, %add3A_13 : i32
    "tpu.region"() ({
      %run_scoped3A = tpu.sem_alloc : memref<!tpu.dma_semaphore, #tpu.memory_space<semaphore_mem>>
      %dma_start3A = arith.constant 0 : i32
      %dma_start3A_223 = tpu.memref_slice %arg17[%add3A_14, %dma_start3A] : memref<10752x128xf32, #tpu.memory_space<vmem_shared>> -> memref<32x128xf32, #tpu.memory_space<vmem_shared>>
      %dma_start3A_224 = arith.constant 0 : i32
      %dma_start3A_225 = tpu.memref_slice %arg17[%add3A_14, %dma_start3A_224] : memref<10752x128xf32, #tpu.memory_space<vmem_shared>> -> memref<32x128xf32, #tpu.memory_space<vmem_shared>>
      tpu.enqueue_dma source(%arg16 : memref<32x128xf32, #tpu.memory_space<vmem>>) target(%dma_start3A_225 : memref<32x128xf32, #tpu.memory_space<vmem_shared>>) target_semaphore(%run_scoped3A : memref<!tpu.dma_semaphore, #tpu.memory_space<semaphore_mem>>)
      %dma_wait3A_226 = arith.constant 0 : i32
      %dma_wait3A_227 = tpu.memref_slice %arg17[%add3A_14, %dma_wait3A_226] : memref<10752x128xf32, #tpu.memory_space<vmem_shared>> -> memref<32x128xf32, #tpu.memory_space<vmem_shared>>
      %dma_wait3A_228 = arith.constant 0 : i32
      %dma_wait3A_229 = tpu.memref_slice %arg17[%add3A_14, %dma_wait3A_228] : memref<10752x128xf32, #tpu.memory_space<vmem_shared>> -> memref<32x128xf32, #tpu.memory_space<vmem_shared>>
      tpu.wait_dma2 semaphore(%run_scoped3A : memref<!tpu.dma_semaphore, #tpu.memory_space<semaphore_mem>>) src(%arg16 : memref<32x128xf32, #tpu.memory_space<vmem>>) dst(%dma_wait3A_229 : memref<32x128xf32, #tpu.memory_space<vmem_shared>>)
      tpu.yield
    }) : () -> ()
    %add3A_15 = arith.constant 96 : i32
    %add3A_16 = arith.addi %mul3A_8, %add3A_15 : i32
    "tpu.region"() ({
      %run_scoped3A = tpu.sem_alloc : memref<!tpu.dma_semaphore, #tpu.memory_space<semaphore_mem>>
      %dma_start3A = arith.constant 0 : i32
      %dma_start3A_223 = tpu.memref_slice %arg17[%add3A_16, %dma_start3A] : memref<10752x128xf32, #tpu.memory_space<vmem_shared>> -> memref<32x128xf32, #tpu.memory_space<vmem_shared>>
      %dma_start3A_224 = arith.constant 0 : i32
      %dma_start3A_225 = tpu.memref_slice %arg17[%add3A_16, %dma_start3A_224] : memref<10752x128xf32, #tpu.memory_space<vmem_shared>> -> memref<32x128xf32, #tpu.memory_space<vmem_shared>>
      tpu.enqueue_dma source(%arg16 : memref<32x128xf32, #tpu.memory_space<vmem>>) target(%dma_start3A_225 : memref<32x128xf32, #tpu.memory_space<vmem_shared>>) target_semaphore(%run_scoped3A : memref<!tpu.dma_semaphore, #tpu.memory_space<semaphore_mem>>)
      %dma_wait3A_226 = arith.constant 0 : i32
      %dma_wait3A_227 = tpu.memref_slice %arg17[%add3A_16, %dma_wait3A_226] : memref<10752x128xf32, #tpu.memory_space<vmem_shared>> -> memref<32x128xf32, #tpu.memory_space<vmem_shared>>
      %dma_wait3A_228 = arith.constant 0 : i32
      %dma_wait3A_229 = tpu.memref_slice %arg17[%add3A_16, %dma_wait3A_228] : memref<10752x128xf32, #tpu.memory_space<vmem_shared>> -> memref<32x128xf32, #tpu.memory_space<vmem_shared>>
      tpu.wait_dma2 semaphore(%run_scoped3A : memref<!tpu.dma_semaphore, #tpu.memory_space<semaphore_mem>>) src(%arg16 : memref<32x128xf32, #tpu.memory_space<vmem>>) dst(%dma_wait3A_229 : memref<32x128xf32, #tpu.memory_space<vmem_shared>>)
      tpu.yield
    }) : () -> ()
    %add3A_17 = arith.constant 128 : i32
    %add3A_18 = arith.addi %mul3A_8, %add3A_17 : i32
    "tpu.region"() ({
      %run_scoped3A = tpu.sem_alloc : memref<!tpu.dma_semaphore, #tpu.memory_space<semaphore_mem>>
      %dma_start3A = arith.constant 0 : i32
      %dma_start3A_223 = tpu.memref_slice %arg17[%add3A_18, %dma_start3A] : memref<10752x128xf32, #tpu.memory_space<vmem_shared>> -> memref<32x128xf32, #tpu.memory_space<vmem_shared>>
      %dma_start3A_224 = arith.constant 0 : i32
      %dma_start3A_225 = tpu.memref_slice %arg17[%add3A_18, %dma_start3A_224] : memref<10752x128xf32, #tpu.memory_space<vmem_shared>> -> memref<32x128xf32, #tpu.memory_space<vmem_shared>>
      tpu.enqueue_dma source(%arg16 : memref<32x128xf32, #tpu.memory_space<vmem>>) target(%dma_start3A_225 : memref<32x128xf32, #tpu.memory_space<vmem_shared>>) target_semaphore(%run_scoped3A : memref<!tpu.dma_semaphore, #tpu.memory_space<semaphore_mem>>)
      %dma_wait3A_226 = arith.constant 0 : i32
      %dma_wait3A_227 = tpu.memref_slice %arg17[%add3A_18, %dma_wait3A_226] : memref<10752x128xf32, #tpu.memory_space<vmem_shared>> -> memref<32x128xf32, #tpu.memory_space<vmem_shared>>
      %dma_wait3A_228 = arith.constant 0 : i32
      %dma_wait3A_229 = tpu.memref_slice %arg17[%add3A_18, %dma_wait3A_228] : memref<10752x128xf32, #tpu.memory_space<vmem_shared>> -> memref<32x128xf32, #tpu.memory_space<vmem_shared>>
      tpu.wait_dma2 semaphore(%run_scoped3A : memref<!tpu.dma_semaphore, #tpu.memory_space<semaphore_mem>>) src(%arg16 : memref<32x128xf32, #tpu.memory_space<vmem>>) dst(%dma_wait3A_229 : memref<32x128xf32, #tpu.memory_space<vmem_shared>>)
      tpu.yield
    }) : () -> ()
    %add3A_19 = arith.constant 160 : i32
    %add3A_20 = arith.addi %mul3A_8, %add3A_19 : i32
    "tpu.region"() ({
      %run_scoped3A = tpu.sem_alloc : memref<!tpu.dma_semaphore, #tpu.memory_space<semaphore_mem>>
      %dma_start3A = arith.constant 0 : i32
      %dma_start3A_223 = tpu.memref_slice %arg17[%add3A_20, %dma_start3A] : memref<10752x128xf32, #tpu.memory_space<vmem_shared>> -> memref<32x128xf32, #tpu.memory_space<vmem_shared>>
      %dma_start3A_224 = arith.constant 0 : i32
      %dma_start3A_225 = tpu.memref_slice %arg17[%add3A_20, %dma_start3A_224] : memref<10752x128xf32, #tpu.memory_space<vmem_shared>> -> memref<32x128xf32, #tpu.memory_space<vmem_shared>>
      tpu.enqueue_dma source(%arg16 : memref<32x128xf32, #tpu.memory_space<vmem>>) target(%dma_start3A_225 : memref<32x128xf32, #tpu.memory_space<vmem_shared>>) target_semaphore(%run_scoped3A : memref<!tpu.dma_semaphore, #tpu.memory_space<semaphore_mem>>)
      %dma_wait3A_226 = arith.constant 0 : i32
      %dma_wait3A_227 = tpu.memref_slice %arg17[%add3A_20, %dma_wait3A_226] : memref<10752x128xf32, #tpu.memory_space<vmem_shared>> -> memref<32x128xf32, #tpu.memory_space<vmem_shared>>
      %dma_wait3A_228 = arith.constant 0 : i32
      %dma_wait3A_229 = tpu.memref_slice %arg17[%add3A_20, %dma_wait3A_228] : memref<10752x128xf32, #tpu.memory_space<vmem_shared>> -> memref<32x128xf32, #tpu.memory_space<vmem_shared>>
      tpu.wait_dma2 semaphore(%run_scoped3A : memref<!tpu.dma_semaphore, #tpu.memory_space<semaphore_mem>>) src(%arg16 : memref<32x128xf32, #tpu.memory_space<vmem>>) dst(%dma_wait3A_229 : memref<32x128xf32, #tpu.memory_space<vmem_shared>>)
      tpu.yield
    }) : () -> ()
    %add3A_21 = arith.constant 192 : i32
    %add3A_22 = arith.addi %mul3A_8, %add3A_21 : i32
    "tpu.region"() ({
      %run_scoped3A = tpu.sem_alloc : memref<!tpu.dma_semaphore, #tpu.memory_space<semaphore_mem>>
      %dma_start3A = arith.constant 0 : i32
      %dma_start3A_223 = tpu.memref_slice %arg17[%add3A_22, %dma_start3A] : memref<10752x128xf32, #tpu.memory_space<vmem_shared>> -> memref<32x128xf32, #tpu.memory_space<vmem_shared>>
      %dma_start3A_224 = arith.constant 0 : i32
      %dma_start3A_225 = tpu.memref_slice %arg17[%add3A_22, %dma_start3A_224] : memref<10752x128xf32, #tpu.memory_space<vmem_shared>> -> memref<32x128xf32, #tpu.memory_space<vmem_shared>>
      tpu.enqueue_dma source(%arg16 : memref<32x128xf32, #tpu.memory_space<vmem>>) target(%dma_start3A_225 : memref<32x128xf32, #tpu.memory_space<vmem_shared>>) target_semaphore(%run_scoped3A : memref<!tpu.dma_semaphore, #tpu.memory_space<semaphore_mem>>)
      %dma_wait3A_226 = arith.constant 0 : i32
      %dma_wait3A_227 = tpu.memref_slice %arg17[%add3A_22, %dma_wait3A_226] : memref<10752x128xf32, #tpu.memory_space<vmem_shared>> -> memref<32x128xf32, #tpu.memory_space<vmem_shared>>
      %dma_wait3A_228 = arith.constant 0 : i32
      %dma_wait3A_229 = tpu.memref_slice %arg17[%add3A_22, %dma_wait3A_228] : memref<10752x128xf32, #tpu.memory_space<vmem_shared>> -> memref<32x128xf32, #tpu.memory_space<vmem_shared>>
      tpu.wait_dma2 semaphore(%run_scoped3A : memref<!tpu.dma_semaphore, #tpu.memory_space<semaphore_mem>>) src(%arg16 : memref<32x128xf32, #tpu.memory_space<vmem>>) dst(%dma_wait3A_229 : memref<32x128xf32, #tpu.memory_space<vmem_shared>>)
      tpu.yield
    }) : () -> ()
    %add3A_23 = arith.constant 224 : i32
    %add3A_24 = arith.addi %mul3A_8, %add3A_23 : i32
    "tpu.region"() ({
      %run_scoped3A = tpu.sem_alloc : memref<!tpu.dma_semaphore, #tpu.memory_space<semaphore_mem>>
      %dma_start3A = arith.constant 0 : i32
      %dma_start3A_223 = tpu.memref_slice %arg17[%add3A_24, %dma_start3A] : memref<10752x128xf32, #tpu.memory_space<vmem_shared>> -> memref<32x128xf32, #tpu.memory_space<vmem_shared>>
      %dma_start3A_224 = arith.constant 0 : i32
      %dma_start3A_225 = tpu.memref_slice %arg17[%add3A_24, %dma_start3A_224] : memref<10752x128xf32, #tpu.memory_space<vmem_shared>> -> memref<32x128xf32, #tpu.memory_space<vmem_shared>>
      tpu.enqueue_dma source(%arg16 : memref<32x128xf32, #tpu.memory_space<vmem>>) target(%dma_start3A_225 : memref<32x128xf32, #tpu.memory_space<vmem_shared>>) target_semaphore(%run_scoped3A : memref<!tpu.dma_semaphore, #tpu.memory_space<semaphore_mem>>)
      %dma_wait3A_226 = arith.constant 0 : i32
      %dma_wait3A_227 = tpu.memref_slice %arg17[%add3A_24, %dma_wait3A_226] : memref<10752x128xf32, #tpu.memory_space<vmem_shared>> -> memref<32x128xf32, #tpu.memory_space<vmem_shared>>
      %dma_wait3A_228 = arith.constant 0 : i32
      %dma_wait3A_229 = tpu.memref_slice %arg17[%add3A_24, %dma_wait3A_228] : memref<10752x128xf32, #tpu.memory_space<vmem_shared>> -> memref<32x128xf32, #tpu.memory_space<vmem_shared>>
      tpu.wait_dma2 semaphore(%run_scoped3A : memref<!tpu.dma_semaphore, #tpu.memory_space<semaphore_mem>>) src(%arg16 : memref<32x128xf32, #tpu.memory_space<vmem>>) dst(%dma_wait3A_229 : memref<32x128xf32, #tpu.memory_space<vmem_shared>>)
      tpu.yield
    }) : () -> ()
    %add3A_25 = arith.constant 256 : i32
    %add3A_26 = arith.addi %mul3A_8, %add3A_25 : i32
    "tpu.region"() ({
      %run_scoped3A = tpu.sem_alloc : memref<!tpu.dma_semaphore, #tpu.memory_space<semaphore_mem>>
      %dma_start3A = arith.constant 0 : i32
      %dma_start3A_223 = tpu.memref_slice %arg17[%add3A_26, %dma_start3A] : memref<10752x128xf32, #tpu.memory_space<vmem_shared>> -> memref<32x128xf32, #tpu.memory_space<vmem_shared>>
      %dma_start3A_224 = arith.constant 0 : i32
      %dma_start3A_225 = tpu.memref_slice %arg17[%add3A_26, %dma_start3A_224] : memref<10752x128xf32, #tpu.memory_space<vmem_shared>> -> memref<32x128xf32, #tpu.memory_space<vmem_shared>>
      tpu.enqueue_dma source(%arg16 : memref<32x128xf32, #tpu.memory_space<vmem>>) target(%dma_start3A_225 : memref<32x128xf32, #tpu.memory_space<vmem_shared>>) target_semaphore(%run_scoped3A : memref<!tpu.dma_semaphore, #tpu.memory_space<semaphore_mem>>)
      %dma_wait3A_226 = arith.constant 0 : i32
      %dma_wait3A_227 = tpu.memref_slice %arg17[%add3A_26, %dma_wait3A_226] : memref<10752x128xf32, #tpu.memory_space<vmem_shared>> -> memref<32x128xf32, #tpu.memory_space<vmem_shared>>
      %dma_wait3A_228 = arith.constant 0 : i32
      %dma_wait3A_229 = tpu.memref_slice %arg17[%add3A_26, %dma_wait3A_228] : memref<10752x128xf32, #tpu.memory_space<vmem_shared>> -> memref<32x128xf32, #tpu.memory_space<vmem_shared>>
      tpu.wait_dma2 semaphore(%run_scoped3A : memref<!tpu.dma_semaphore, #tpu.memory_space<semaphore_mem>>) src(%arg16 : memref<32x128xf32, #tpu.memory_space<vmem>>) dst(%dma_wait3A_229 : memref<32x128xf32, #tpu.memory_space<vmem_shared>>)
      tpu.yield
    }) : () -> ()
    %add3A_27 = arith.constant 288 : i32
    %add3A_28 = arith.addi %mul3A_8, %add3A_27 : i32
    "tpu.region"() ({
      %run_scoped3A = tpu.sem_alloc : memref<!tpu.dma_semaphore, #tpu.memory_space<semaphore_mem>>
      %dma_start3A = arith.constant 0 : i32
      %dma_start3A_223 = tpu.memref_slice %arg17[%add3A_28, %dma_start3A] : memref<10752x128xf32, #tpu.memory_space<vmem_shared>> -> memref<32x128xf32, #tpu.memory_space<vmem_shared>>
      %dma_start3A_224 = arith.constant 0 : i32
      %dma_start3A_225 = tpu.memref_slice %arg17[%add3A_28, %dma_start3A_224] : memref<10752x128xf32, #tpu.memory_space<vmem_shared>> -> memref<32x128xf32, #tpu.memory_space<vmem_shared>>
      tpu.enqueue_dma source(%arg16 : memref<32x128xf32, #tpu.memory_space<vmem>>) target(%dma_start3A_225 : memref<32x128xf32, #tpu.memory_space<vmem_shared>>) target_semaphore(%run_scoped3A : memref<!tpu.dma_semaphore, #tpu.memory_space<semaphore_mem>>)
      %dma_wait3A_226 = arith.constant 0 : i32
      %dma_wait3A_227 = tpu.memref_slice %arg17[%add3A_28, %dma_wait3A_226] : memref<10752x128xf32, #tpu.memory_space<vmem_shared>> -> memref<32x128xf32, #tpu.memory_space<vmem_shared>>
      %dma_wait3A_228 = arith.constant 0 : i32
      %dma_wait3A_229 = tpu.memref_slice %arg17[%add3A_28, %dma_wait3A_228] : memref<10752x128xf32, #tpu.memory_space<vmem_shared>> -> memref<32x128xf32, #tpu.memory_space<vmem_shared>>
      tpu.wait_dma2 semaphore(%run_scoped3A : memref<!tpu.dma_semaphore, #tpu.memory_space<semaphore_mem>>) src(%arg16 : memref<32x128xf32, #tpu.memory_space<vmem>>) dst(%dma_wait3A_229 : memref<32x128xf32, #tpu.memory_space<vmem_shared>>)
      tpu.yield
    }) : () -> ()
    %add3A_29 = arith.constant 320 : i32
    %add3A_30 = arith.addi %mul3A_8, %add3A_29 : i32
    "tpu.region"() ({
      %run_scoped3A = tpu.sem_alloc : memref<!tpu.dma_semaphore, #tpu.memory_space<semaphore_mem>>
      %dma_start3A = arith.constant 0 : i32
      %dma_start3A_223 = tpu.memref_slice %arg17[%add3A_30, %dma_start3A] : memref<10752x128xf32, #tpu.memory_space<vmem_shared>> -> memref<32x128xf32, #tpu.memory_space<vmem_shared>>
      %dma_start3A_224 = arith.constant 0 : i32
      %dma_start3A_225 = tpu.memref_slice %arg17[%add3A_30, %dma_start3A_224] : memref<10752x128xf32, #tpu.memory_space<vmem_shared>> -> memref<32x128xf32, #tpu.memory_space<vmem_shared>>
      tpu.enqueue_dma source(%arg16 : memref<32x128xf32, #tpu.memory_space<vmem>>) target(%dma_start3A_225 : memref<32x128xf32, #tpu.memory_space<vmem_shared>>) target_semaphore(%run_scoped3A : memref<!tpu.dma_semaphore, #tpu.memory_space<semaphore_mem>>)
      %dma_wait3A_226 = arith.constant 0 : i32
      %dma_wait3A_227 = tpu.memref_slice %arg17[%add3A_30, %dma_wait3A_226] : memref<10752x128xf32, #tpu.memory_space<vmem_shared>> -> memref<32x128xf32, #tpu.memory_space<vmem_shared>>
      %dma_wait3A_228 = arith.constant 0 : i32
      %dma_wait3A_229 = tpu.memref_slice %arg17[%add3A_30, %dma_wait3A_228] : memref<10752x128xf32, #tpu.memory_space<vmem_shared>> -> memref<32x128xf32, #tpu.memory_space<vmem_shared>>
      tpu.wait_dma2 semaphore(%run_scoped3A : memref<!tpu.dma_semaphore, #tpu.memory_space<semaphore_mem>>) src(%arg16 : memref<32x128xf32, #tpu.memory_space<vmem>>) dst(%dma_wait3A_229 : memref<32x128xf32, #tpu.memory_space<vmem_shared>>)
      tpu.yield
    }) : () -> ()
    %add3A_31 = arith.constant 352 : i32
    %add3A_32 = arith.addi %mul3A_8, %add3A_31 : i32
    "tpu.region"() ({
      %run_scoped3A = tpu.sem_alloc : memref<!tpu.dma_semaphore, #tpu.memory_space<semaphore_mem>>
      %dma_start3A = arith.constant 0 : i32
      %dma_start3A_223 = tpu.memref_slice %arg17[%add3A_32, %dma_start3A] : memref<10752x128xf32, #tpu.memory_space<vmem_shared>> -> memref<32x128xf32, #tpu.memory_space<vmem_shared>>
      %dma_start3A_224 = arith.constant 0 : i32
      %dma_start3A_225 = tpu.memref_slice %arg17[%add3A_32, %dma_start3A_224] : memref<10752x128xf32, #tpu.memory_space<vmem_shared>> -> memref<32x128xf32, #tpu.memory_space<vmem_shared>>
      tpu.enqueue_dma source(%arg16 : memref<32x128xf32, #tpu.memory_space<vmem>>) target(%dma_start3A_225 : memref<32x128xf32, #tpu.memory_space<vmem_shared>>) target_semaphore(%run_scoped3A : memref<!tpu.dma_semaphore, #tpu.memory_space<semaphore_mem>>)
      %dma_wait3A_226 = arith.constant 0 : i32
      %dma_wait3A_227 = tpu.memref_slice %arg17[%add3A_32, %dma_wait3A_226] : memref<10752x128xf32, #tpu.memory_space<vmem_shared>> -> memref<32x128xf32, #tpu.memory_space<vmem_shared>>
      %dma_wait3A_228 = arith.constant 0 : i32
      %dma_wait3A_229 = tpu.memref_slice %arg17[%add3A_32, %dma_wait3A_228] : memref<10752x128xf32, #tpu.memory_space<vmem_shared>> -> memref<32x128xf32, #tpu.memory_space<vmem_shared>>
      tpu.wait_dma2 semaphore(%run_scoped3A : memref<!tpu.dma_semaphore, #tpu.memory_space<semaphore_mem>>) src(%arg16 : memref<32x128xf32, #tpu.memory_space<vmem>>) dst(%dma_wait3A_229 : memref<32x128xf32, #tpu.memory_space<vmem_shared>>)
      tpu.yield
    }) : () -> ()
    %add3A_33 = arith.constant 384 : i32
    %add3A_34 = arith.addi %mul3A_8, %add3A_33 : i32
    "tpu.region"() ({
      %run_scoped3A = tpu.sem_alloc : memref<!tpu.dma_semaphore, #tpu.memory_space<semaphore_mem>>
      %dma_start3A = arith.constant 0 : i32
      %dma_start3A_223 = tpu.memref_slice %arg17[%add3A_34, %dma_start3A] : memref<10752x128xf32, #tpu.memory_space<vmem_shared>> -> memref<32x128xf32, #tpu.memory_space<vmem_shared>>
      %dma_start3A_224 = arith.constant 0 : i32
      %dma_start3A_225 = tpu.memref_slice %arg17[%add3A_34, %dma_start3A_224] : memref<10752x128xf32, #tpu.memory_space<vmem_shared>> -> memref<32x128xf32, #tpu.memory_space<vmem_shared>>
      tpu.enqueue_dma source(%arg16 : memref<32x128xf32, #tpu.memory_space<vmem>>) target(%dma_start3A_225 : memref<32x128xf32, #tpu.memory_space<vmem_shared>>) target_semaphore(%run_scoped3A : memref<!tpu.dma_semaphore, #tpu.memory_space<semaphore_mem>>)
      %dma_wait3A_226 = arith.constant 0 : i32
      %dma_wait3A_227 = tpu.memref_slice %arg17[%add3A_34, %dma_wait3A_226] : memref<10752x128xf32, #tpu.memory_space<vmem_shared>> -> memref<32x128xf32, #tpu.memory_space<vmem_shared>>
      %dma_wait3A_228 = arith.constant 0 : i32
      %dma_wait3A_229 = tpu.memref_slice %arg17[%add3A_34, %dma_wait3A_228] : memref<10752x128xf32, #tpu.memory_space<vmem_shared>> -> memref<32x128xf32, #tpu.memory_space<vmem_shared>>
      tpu.wait_dma2 semaphore(%run_scoped3A : memref<!tpu.dma_semaphore, #tpu.memory_space<semaphore_mem>>) src(%arg16 : memref<32x128xf32, #tpu.memory_space<vmem>>) dst(%dma_wait3A_229 : memref<32x128xf32, #tpu.memory_space<vmem_shared>>)
      tpu.yield
    }) : () -> ()
    %add3A_35 = arith.constant 416 : i32
    %add3A_36 = arith.addi %mul3A_8, %add3A_35 : i32
    "tpu.region"() ({
      %run_scoped3A = tpu.sem_alloc : memref<!tpu.dma_semaphore, #tpu.memory_space<semaphore_mem>>
      %dma_start3A = arith.constant 0 : i32
      %dma_start3A_223 = tpu.memref_slice %arg17[%add3A_36, %dma_start3A] : memref<10752x128xf32, #tpu.memory_space<vmem_shared>> -> memref<32x128xf32, #tpu.memory_space<vmem_shared>>
      %dma_start3A_224 = arith.constant 0 : i32
      %dma_start3A_225 = tpu.memref_slice %arg17[%add3A_36, %dma_start3A_224] : memref<10752x128xf32, #tpu.memory_space<vmem_shared>> -> memref<32x128xf32, #tpu.memory_space<vmem_shared>>
      tpu.enqueue_dma source(%arg16 : memref<32x128xf32, #tpu.memory_space<vmem>>) target(%dma_start3A_225 : memref<32x128xf32, #tpu.memory_space<vmem_shared>>) target_semaphore(%run_scoped3A : memref<!tpu.dma_semaphore, #tpu.memory_space<semaphore_mem>>)
      %dma_wait3A_226 = arith.constant 0 : i32
      %dma_wait3A_227 = tpu.memref_slice %arg17[%add3A_36, %dma_wait3A_226] : memref<10752x128xf32, #tpu.memory_space<vmem_shared>> -> memref<32x128xf32, #tpu.memory_space<vmem_shared>>
      %dma_wait3A_228 = arith.constant 0 : i32
      %dma_wait3A_229 = tpu.memref_slice %arg17[%add3A_36, %dma_wait3A_228] : memref<10752x128xf32, #tpu.memory_space<vmem_shared>> -> memref<32x128xf32, #tpu.memory_space<vmem_shared>>
      tpu.wait_dma2 semaphore(%run_scoped3A : memref<!tpu.dma_semaphore, #tpu.memory_space<semaphore_mem>>) src(%arg16 : memref<32x128xf32, #tpu.memory_space<vmem>>) dst(%dma_wait3A_229 : memref<32x128xf32, #tpu.memory_space<vmem_shared>>)
      tpu.yield
    }) : () -> ()
    %add3A_37 = arith.constant 448 : i32
    %add3A_38 = arith.addi %mul3A_8, %add3A_37 : i32
    "tpu.region"() ({
      %run_scoped3A = tpu.sem_alloc : memref<!tpu.dma_semaphore, #tpu.memory_space<semaphore_mem>>
      %dma_start3A = arith.constant 0 : i32
      %dma_start3A_223 = tpu.memref_slice %arg17[%add3A_38, %dma_start3A] : memref<10752x128xf32, #tpu.memory_space<vmem_shared>> -> memref<32x128xf32, #tpu.memory_space<vmem_shared>>
      %dma_start3A_224 = arith.constant 0 : i32
      %dma_start3A_225 = tpu.memref_slice %arg17[%add3A_38, %dma_start3A_224] : memref<10752x128xf32, #tpu.memory_space<vmem_shared>> -> memref<32x128xf32, #tpu.memory_space<vmem_shared>>
      tpu.enqueue_dma source(%arg16 : memref<32x128xf32, #tpu.memory_space<vmem>>) target(%dma_start3A_225 : memref<32x128xf32, #tpu.memory_space<vmem_shared>>) target_semaphore(%run_scoped3A : memref<!tpu.dma_semaphore, #tpu.memory_space<semaphore_mem>>)
      %dma_wait3A_226 = arith.constant 0 : i32
      %dma_wait3A_227 = tpu.memref_slice %arg17[%add3A_38, %dma_wait3A_226] : memref<10752x128xf32, #tpu.memory_space<vmem_shared>> -> memref<32x128xf32, #tpu.memory_space<vmem_shared>>
      %dma_wait3A_228 = arith.constant 0 : i32
      %dma_wait3A_229 = tpu.memref_slice %arg17[%add3A_38, %dma_wait3A_228] : memref<10752x128xf32, #tpu.memory_space<vmem_shared>> -> memref<32x128xf32, #tpu.memory_space<vmem_shared>>
      tpu.wait_dma2 semaphore(%run_scoped3A : memref<!tpu.dma_semaphore, #tpu.memory_space<semaphore_mem>>) src(%arg16 : memref<32x128xf32, #tpu.memory_space<vmem>>) dst(%dma_wait3A_229 : memref<32x128xf32, #tpu.memory_space<vmem_shared>>)
      tpu.yield
    }) : () -> ()
    %add3A_39 = arith.constant 480 : i32
    %add3A_40 = arith.addi %mul3A_8, %add3A_39 : i32
    "tpu.region"() ({
      %run_scoped3A = tpu.sem_alloc : memref<!tpu.dma_semaphore, #tpu.memory_space<semaphore_mem>>
      %dma_start3A = arith.constant 0 : i32
      %dma_start3A_223 = tpu.memref_slice %arg17[%add3A_40, %dma_start3A] : memref<10752x128xf32, #tpu.memory_space<vmem_shared>> -> memref<32x128xf32, #tpu.memory_space<vmem_shared>>
      %dma_start3A_224 = arith.constant 0 : i32
      %dma_start3A_225 = tpu.memref_slice %arg17[%add3A_40, %dma_start3A_224] : memref<10752x128xf32, #tpu.memory_space<vmem_shared>> -> memref<32x128xf32, #tpu.memory_space<vmem_shared>>
      tpu.enqueue_dma source(%arg16 : memref<32x128xf32, #tpu.memory_space<vmem>>) target(%dma_start3A_225 : memref<32x128xf32, #tpu.memory_space<vmem_shared>>) target_semaphore(%run_scoped3A : memref<!tpu.dma_semaphore, #tpu.memory_space<semaphore_mem>>)
      %dma_wait3A_226 = arith.constant 0 : i32
      %dma_wait3A_227 = tpu.memref_slice %arg17[%add3A_40, %dma_wait3A_226] : memref<10752x128xf32, #tpu.memory_space<vmem_shared>> -> memref<32x128xf32, #tpu.memory_space<vmem_shared>>
      %dma_wait3A_228 = arith.constant 0 : i32
      %dma_wait3A_229 = tpu.memref_slice %arg17[%add3A_40, %dma_wait3A_228] : memref<10752x128xf32, #tpu.memory_space<vmem_shared>> -> memref<32x128xf32, #tpu.memory_space<vmem_shared>>
      tpu.wait_dma2 semaphore(%run_scoped3A : memref<!tpu.dma_semaphore, #tpu.memory_space<semaphore_mem>>) src(%arg16 : memref<32x128xf32, #tpu.memory_space<vmem>>) dst(%dma_wait3A_229 : memref<32x128xf32, #tpu.memory_space<vmem_shared>>)
      tpu.yield
    }) : () -> ()
    %add3A_41 = arith.constant 512 : i32
    %add3A_42 = arith.addi %mul3A_8, %add3A_41 : i32
    "tpu.region"() ({
      %run_scoped3A = tpu.sem_alloc : memref<!tpu.dma_semaphore, #tpu.memory_space<semaphore_mem>>
      %dma_start3A = arith.constant 0 : i32
      %dma_start3A_223 = tpu.memref_slice %arg17[%add3A_42, %dma_start3A] : memref<10752x128xf32, #tpu.memory_space<vmem_shared>> -> memref<32x128xf32, #tpu.memory_space<vmem_shared>>
      %dma_start3A_224 = arith.constant 0 : i32
      %dma_start3A_225 = tpu.memref_slice %arg17[%add3A_42, %dma_start3A_224] : memref<10752x128xf32, #tpu.memory_space<vmem_shared>> -> memref<32x128xf32, #tpu.memory_space<vmem_shared>>
      tpu.enqueue_dma source(%arg16 : memref<32x128xf32, #tpu.memory_space<vmem>>) target(%dma_start3A_225 : memref<32x128xf32, #tpu.memory_space<vmem_shared>>) target_semaphore(%run_scoped3A : memref<!tpu.dma_semaphore, #tpu.memory_space<semaphore_mem>>)
      %dma_wait3A_226 = arith.constant 0 : i32
      %dma_wait3A_227 = tpu.memref_slice %arg17[%add3A_42, %dma_wait3A_226] : memref<10752x128xf32, #tpu.memory_space<vmem_shared>> -> memref<32x128xf32, #tpu.memory_space<vmem_shared>>
      %dma_wait3A_228 = arith.constant 0 : i32
      %dma_wait3A_229 = tpu.memref_slice %arg17[%add3A_42, %dma_wait3A_228] : memref<10752x128xf32, #tpu.memory_space<vmem_shared>> -> memref<32x128xf32, #tpu.memory_space<vmem_shared>>
      tpu.wait_dma2 semaphore(%run_scoped3A : memref<!tpu.dma_semaphore, #tpu.memory_space<semaphore_mem>>) src(%arg16 : memref<32x128xf32, #tpu.memory_space<vmem>>) dst(%dma_wait3A_229 : memref<32x128xf32, #tpu.memory_space<vmem_shared>>)
      tpu.yield
    }) : () -> ()
    %add3A_43 = arith.constant 544 : i32
    %add3A_44 = arith.addi %mul3A_8, %add3A_43 : i32
    "tpu.region"() ({
      %run_scoped3A = tpu.sem_alloc : memref<!tpu.dma_semaphore, #tpu.memory_space<semaphore_mem>>
      %dma_start3A = arith.constant 0 : i32
      %dma_start3A_223 = tpu.memref_slice %arg17[%add3A_44, %dma_start3A] : memref<10752x128xf32, #tpu.memory_space<vmem_shared>> -> memref<32x128xf32, #tpu.memory_space<vmem_shared>>
      %dma_start3A_224 = arith.constant 0 : i32
      %dma_start3A_225 = tpu.memref_slice %arg17[%add3A_44, %dma_start3A_224] : memref<10752x128xf32, #tpu.memory_space<vmem_shared>> -> memref<32x128xf32, #tpu.memory_space<vmem_shared>>
      tpu.enqueue_dma source(%arg16 : memref<32x128xf32, #tpu.memory_space<vmem>>) target(%dma_start3A_225 : memref<32x128xf32, #tpu.memory_space<vmem_shared>>) target_semaphore(%run_scoped3A : memref<!tpu.dma_semaphore, #tpu.memory_space<semaphore_mem>>)
      %dma_wait3A_226 = arith.constant 0 : i32
      %dma_wait3A_227 = tpu.memref_slice %arg17[%add3A_44, %dma_wait3A_226] : memref<10752x128xf32, #tpu.memory_space<vmem_shared>> -> memref<32x128xf32, #tpu.memory_space<vmem_shared>>
      %dma_wait3A_228 = arith.constant 0 : i32
      %dma_wait3A_229 = tpu.memref_slice %arg17[%add3A_44, %dma_wait3A_228] : memref<10752x128xf32, #tpu.memory_space<vmem_shared>> -> memref<32x128xf32, #tpu.memory_space<vmem_shared>>
      tpu.wait_dma2 semaphore(%run_scoped3A : memref<!tpu.dma_semaphore, #tpu.memory_space<semaphore_mem>>) src(%arg16 : memref<32x128xf32, #tpu.memory_space<vmem>>) dst(%dma_wait3A_229 : memref<32x128xf32, #tpu.memory_space<vmem_shared>>)
      tpu.yield
    }) : () -> ()
    %add3A_45 = arith.constant 576 : i32
    %add3A_46 = arith.addi %mul3A_8, %add3A_45 : i32
    "tpu.region"() ({
      %run_scoped3A = tpu.sem_alloc : memref<!tpu.dma_semaphore, #tpu.memory_space<semaphore_mem>>
      %dma_start3A = arith.constant 0 : i32
      %dma_start3A_223 = tpu.memref_slice %arg17[%add3A_46, %dma_start3A] : memref<10752x128xf32, #tpu.memory_space<vmem_shared>> -> memref<32x128xf32, #tpu.memory_space<vmem_shared>>
      %dma_start3A_224 = arith.constant 0 : i32
      %dma_start3A_225 = tpu.memref_slice %arg17[%add3A_46, %dma_start3A_224] : memref<10752x128xf32, #tpu.memory_space<vmem_shared>> -> memref<32x128xf32, #tpu.memory_space<vmem_shared>>
      tpu.enqueue_dma source(%arg16 : memref<32x128xf32, #tpu.memory_space<vmem>>) target(%dma_start3A_225 : memref<32x128xf32, #tpu.memory_space<vmem_shared>>) target_semaphore(%run_scoped3A : memref<!tpu.dma_semaphore, #tpu.memory_space<semaphore_mem>>)
      %dma_wait3A_226 = arith.constant 0 : i32
      %dma_wait3A_227 = tpu.memref_slice %arg17[%add3A_46, %dma_wait3A_226] : memref<10752x128xf32, #tpu.memory_space<vmem_shared>> -> memref<32x128xf32, #tpu.memory_space<vmem_shared>>
      %dma_wait3A_228 = arith.constant 0 : i32
      %dma_wait3A_229 = tpu.memref_slice %arg17[%add3A_46, %dma_wait3A_228] : memref<10752x128xf32, #tpu.memory_space<vmem_shared>> -> memref<32x128xf32, #tpu.memory_space<vmem_shared>>
      tpu.wait_dma2 semaphore(%run_scoped3A : memref<!tpu.dma_semaphore, #tpu.memory_space<semaphore_mem>>) src(%arg16 : memref<32x128xf32, #tpu.memory_space<vmem>>) dst(%dma_wait3A_229 : memref<32x128xf32, #tpu.memory_space<vmem_shared>>)
      tpu.yield
    }) : () -> ()
    %add3A_47 = arith.constant 608 : i32
    %add3A_48 = arith.addi %mul3A_8, %add3A_47 : i32
    "tpu.region"() ({
      %run_scoped3A = tpu.sem_alloc : memref<!tpu.dma_semaphore, #tpu.memory_space<semaphore_mem>>
      %dma_start3A = arith.constant 0 : i32
      %dma_start3A_223 = tpu.memref_slice %arg17[%add3A_48, %dma_start3A] : memref<10752x128xf32, #tpu.memory_space<vmem_shared>> -> memref<32x128xf32, #tpu.memory_space<vmem_shared>>
      %dma_start3A_224 = arith.constant 0 : i32
      %dma_start3A_225 = tpu.memref_slice %arg17[%add3A_48, %dma_start3A_224] : memref<10752x128xf32, #tpu.memory_space<vmem_shared>> -> memref<32x128xf32, #tpu.memory_space<vmem_shared>>
      tpu.enqueue_dma source(%arg16 : memref<32x128xf32, #tpu.memory_space<vmem>>) target(%dma_start3A_225 : memref<32x128xf32, #tpu.memory_space<vmem_shared>>) target_semaphore(%run_scoped3A : memref<!tpu.dma_semaphore, #tpu.memory_space<semaphore_mem>>)
      %dma_wait3A_226 = arith.constant 0 : i32
      %dma_wait3A_227 = tpu.memref_slice %arg17[%add3A_48, %dma_wait3A_226] : memref<10752x128xf32, #tpu.memory_space<vmem_shared>> -> memref<32x128xf32, #tpu.memory_space<vmem_shared>>
      %dma_wait3A_228 = arith.constant 0 : i32
      %dma_wait3A_229 = tpu.memref_slice %arg17[%add3A_48, %dma_wait3A_228] : memref<10752x128xf32, #tpu.memory_space<vmem_shared>> -> memref<32x128xf32, #tpu.memory_space<vmem_shared>>
      tpu.wait_dma2 semaphore(%run_scoped3A : memref<!tpu.dma_semaphore, #tpu.memory_space<semaphore_mem>>) src(%arg16 : memref<32x128xf32, #tpu.memory_space<vmem>>) dst(%dma_wait3A_229 : memref<32x128xf32, #tpu.memory_space<vmem_shared>>)
      tpu.yield
    }) : () -> ()
    %add3A_49 = arith.constant 640 : i32
    %add3A_50 = arith.addi %mul3A_8, %add3A_49 : i32
    "tpu.region"() ({
      %run_scoped3A = tpu.sem_alloc : memref<!tpu.dma_semaphore, #tpu.memory_space<semaphore_mem>>
      %dma_start3A = arith.constant 0 : i32
      %dma_start3A_223 = tpu.memref_slice %arg17[%add3A_50, %dma_start3A] : memref<10752x128xf32, #tpu.memory_space<vmem_shared>> -> memref<32x128xf32, #tpu.memory_space<vmem_shared>>
      %dma_start3A_224 = arith.constant 0 : i32
      %dma_start3A_225 = tpu.memref_slice %arg17[%add3A_50, %dma_start3A_224] : memref<10752x128xf32, #tpu.memory_space<vmem_shared>> -> memref<32x128xf32, #tpu.memory_space<vmem_shared>>
      tpu.enqueue_dma source(%arg16 : memref<32x128xf32, #tpu.memory_space<vmem>>) target(%dma_start3A_225 : memref<32x128xf32, #tpu.memory_space<vmem_shared>>) target_semaphore(%run_scoped3A : memref<!tpu.dma_semaphore, #tpu.memory_space<semaphore_mem>>)
      %dma_wait3A_226 = arith.constant 0 : i32
      %dma_wait3A_227 = tpu.memref_slice %arg17[%add3A_50, %dma_wait3A_226] : memref<10752x128xf32, #tpu.memory_space<vmem_shared>> -> memref<32x128xf32, #tpu.memory_space<vmem_shared>>
      %dma_wait3A_228 = arith.constant 0 : i32
      %dma_wait3A_229 = tpu.memref_slice %arg17[%add3A_50, %dma_wait3A_228] : memref<10752x128xf32, #tpu.memory_space<vmem_shared>> -> memref<32x128xf32, #tpu.memory_space<vmem_shared>>
      tpu.wait_dma2 semaphore(%run_scoped3A : memref<!tpu.dma_semaphore, #tpu.memory_space<semaphore_mem>>) src(%arg16 : memref<32x128xf32, #tpu.memory_space<vmem>>) dst(%dma_wait3A_229 : memref<32x128xf32, #tpu.memory_space<vmem_shared>>)
      tpu.yield
    }) : () -> ()
    %barrier3A = arith.constant 0 : index
    tpu.barrier barrier_id(%barrier3A)
    %xor3A = arith.constant 1 : i32
    %xor3A_51 = vector.broadcast %xor3A : i32 to vector<16xi32>
    %xor3A_52 = arith.xori %iota3A, %xor3A_51 : vector<16xi32>
    %xor3A_53 = arith.constant 2 : i32
    %xor3A_54 = vector.broadcast %xor3A_53 : i32 to vector<16xi32>
    %xor3A_55 = arith.xori %iota3A, %xor3A_54 : vector<16xi32>
    %xor3A_56 = arith.constant 4 : i32
    %xor3A_57 = vector.broadcast %xor3A_56 : i32 to vector<16xi32>
    %xor3A_58 = arith.xori %iota3A, %xor3A_57 : vector<16xi32>
    %xor3A_59 = arith.constant 8 : i32
    %xor3A_60 = vector.broadcast %xor3A_59 : i32 to vector<16xi32>
    %xor3A_61 = arith.xori %iota3A, %xor3A_60 : vector<16xi32>
    %mul3A_62 = arith.constant 10048 : i32
    %mul3A_63 = arith.muli %add3A, %mul3A_62 : i32
    %scan3A_64 = arith.constant 0 : i32
    %scan3A_65 = arith.constant 0 : i32
    %scan3A_66 = arith.constant 157 : i32
    %scan3A_67 = arith.addi %scan3A_65, %scan3A_66 : i32
    %scan3A_68 = arith.constant 1 : i32
    scf.for %scan3A_223 = %scan3A_65 to %scan3A_67 step %scan3A_68  : i32 {
      %mul3A_224 = arith.constant 64 : i32
      %mul3A_225 = arith.muli %scan3A_223, %mul3A_224 : i32
      %add3A_226 = arith.addi %mul3A_63, %mul3A_225 : i32
      %gt3A = arith.constant 0 : i32
      %gt3A_227 = arith.cmpi sgt, %scan3A_223, %gt3A : i32
      %convert_element_type3A = arith.extui %gt3A_227 : i1 to i32
      %cond3A = arith.constant 0 : i32
      %cond3A_228 = arith.cmpi ne, %convert_element_type3A, %cond3A : i32
      scf.if %cond3A_228 {
        %dma_wait3A_438 = arith.constant 0 : i32
        %dma_wait3A_439 = arith.constant 0 : i32
        %dma_wait3A_440 = tpu.memref_slice %arg17[%dma_wait3A_438, %dma_wait3A_439] : memref<10752x128xf32, #tpu.memory_space<vmem_shared>> -> memref<10752x128xf32, #tpu.memory_space<vmem_shared>>
        tpu.wait_indirect_dma semaphore(%arg20 : memref<!tpu.dma_semaphore, #tpu.memory_space<semaphore_mem>>) src(%arg13 : memref<64x128xf32, #tpu.memory_space<vmem>>) dst(%dma_wait3A_440 : memref<10752x128xf32, #tpu.memory_space<vmem_shared>>)
        %dma_wait3A_441 = arith.constant 0 : i32
        %dma_wait3A_442 = arith.constant 0 : i32
        %dma_wait3A_443 = tpu.memref_slice %arg17[%dma_wait3A_441, %dma_wait3A_442] : memref<10752x128xf32, #tpu.memory_space<vmem_shared>> -> memref<10752x128xf32, #tpu.memory_space<vmem_shared>>
        tpu.wait_indirect_dma semaphore(%arg21 : memref<!tpu.dma_semaphore, #tpu.memory_space<semaphore_mem>>) src(%arg12 : memref<64x128xf32, #tpu.memory_space<vmem>>) dst(%dma_wait3A_443 : memref<10752x128xf32, #tpu.memory_space<vmem_shared>>)
      } else {
      }
      "tpu.region"() ({
        %run_scoped3A = tpu.sem_alloc : memref<!tpu.dma_semaphore, #tpu.memory_space<semaphore_mem>>
        %dma_start3A_438 = tpu.memref_slice %arg6[%add3A_226] : memref<321536xi32, #tpu.memory_space<hbm>> -> memref<64xi32, #tpu.memory_space<hbm>>
        %dma_start3A_439 = tpu.memref_slice %arg6[%add3A_226] : memref<321536xi32, #tpu.memory_space<hbm>> -> memref<64xi32, #tpu.memory_space<hbm>>
        tpu.enqueue_dma source(%dma_start3A_439 : memref<64xi32, #tpu.memory_space<hbm>>) target(%arg9 : memref<64xi32, #tpu.memory_space<vmem>>) target_semaphore(%run_scoped3A : memref<!tpu.dma_semaphore, #tpu.memory_space<semaphore_mem>>)
        %dma_wait3A_440 = tpu.memref_slice %arg6[%add3A_226] : memref<321536xi32, #tpu.memory_space<hbm>> -> memref<64xi32, #tpu.memory_space<hbm>>
        %dma_wait3A_441 = tpu.memref_slice %arg6[%add3A_226] : memref<321536xi32, #tpu.memory_space<hbm>> -> memref<64xi32, #tpu.memory_space<hbm>>
        tpu.wait_dma2 semaphore(%run_scoped3A : memref<!tpu.dma_semaphore, #tpu.memory_space<semaphore_mem>>) src(%dma_wait3A_441 : memref<64xi32, #tpu.memory_space<hbm>>) dst(%arg9 : memref<64xi32, #tpu.memory_space<vmem>>)
        tpu.yield
      }) : () -> ()
      "tpu.region"() ({
        %run_scoped3A = tpu.sem_alloc : memref<!tpu.dma_semaphore, #tpu.memory_space<semaphore_mem>>
        %dma_start3A_438 = tpu.memref_slice %arg7[%add3A_226] : memref<321536xi32, #tpu.memory_space<hbm>> -> memref<64xi32, #tpu.memory_space<hbm>>
        %dma_start3A_439 = tpu.memref_slice %arg7[%add3A_226] : memref<321536xi32, #tpu.memory_space<hbm>> -> memref<64xi32, #tpu.memory_space<hbm>>
        tpu.enqueue_dma source(%dma_start3A_439 : memref<64xi32, #tpu.memory_space<hbm>>) target(%arg10 : memref<64xi32, #tpu.memory_space<vmem>>) target_semaphore(%run_scoped3A : memref<!tpu.dma_semaphore, #tpu.memory_space<semaphore_mem>>)
        %dma_wait3A_440 = tpu.memref_slice %arg7[%add3A_226] : memref<321536xi32, #tpu.memory_space<hbm>> -> memref<64xi32, #tpu.memory_space<hbm>>
        %dma_wait3A_441 = tpu.memref_slice %arg7[%add3A_226] : memref<321536xi32, #tpu.memory_space<hbm>> -> memref<64xi32, #tpu.memory_space<hbm>>
        tpu.wait_dma2 semaphore(%run_scoped3A : memref<!tpu.dma_semaphore, #tpu.memory_space<semaphore_mem>>) src(%dma_wait3A_441 : memref<64xi32, #tpu.memory_space<hbm>>) dst(%arg10 : memref<64xi32, #tpu.memory_space<vmem>>)
        tpu.yield
      }) : () -> ()
      %dma_start3A = arith.constant 0 : i32
      %dma_start3A_229 = arith.constant 0 : i32
      %dma_start3A_230 = tpu.memref_slice %arg3[%dma_start3A, %dma_start3A_229] : memref<10000x128xf32, #tpu.memory_space<hbm>> -> memref<10000x128xf32, #tpu.memory_space<hbm>>
      tpu.enqueue_indirect_dma source(%dma_start3A_230 : memref<10000x128xf32, #tpu.memory_space<hbm>>) target(%arg12 : memref<64x128xf32, #tpu.memory_space<vmem>>) offsets(%arg9 : memref<64xi32, #tpu.memory_space<vmem>>) semaphore(%arg18 : memref<!tpu.dma_semaphore, #tpu.memory_space<semaphore_mem>>)
      %dma_start3A_231 = arith.constant 0 : i32
      %dma_start3A_232 = arith.constant 0 : i32
      %dma_start3A_233 = tpu.memref_slice %arg2[%dma_start3A_231, %dma_start3A_232] : memref<10000x128xf32, #tpu.memory_space<hbm>> -> memref<10000x128xf32, #tpu.memory_space<hbm>>
      tpu.enqueue_indirect_dma source(%dma_start3A_233 : memref<10000x128xf32, #tpu.memory_space<hbm>>) target(%arg13 : memref<64x128xf32, #tpu.memory_space<vmem>>) offsets(%arg10 : memref<64xi32, #tpu.memory_space<vmem>>) semaphore(%arg19 : memref<!tpu.dma_semaphore, #tpu.memory_space<semaphore_mem>>)
      %dma_start3A_234 = arith.constant 0 : i32
      %dma_start3A_235 = arith.constant 0 : i32
      %dma_start3A_236 = tpu.memref_slice %arg4[%dma_start3A_234, %dma_start3A_235] : memref<10000x128xf32, #tpu.memory_space<hbm>> -> memref<10000x128xf32, #tpu.memory_space<hbm>>
      tpu.enqueue_indirect_dma source(%dma_start3A_236 : memref<10000x128xf32, #tpu.memory_space<hbm>>) target(%arg14 : memref<64x128xf32, #tpu.memory_space<vmem>>) offsets(%arg9 : memref<64xi32, #tpu.memory_space<vmem>>) semaphore(%arg20 : memref<!tpu.dma_semaphore, #tpu.memory_space<semaphore_mem>>)
      %dma_start3A_237 = arith.constant 0 : i32
      %dma_start3A_238 = tpu.memref_slice %arg5[%add3A_226, %dma_start3A_237] : memref<321536x128xf32, #tpu.memory_space<hbm>> -> memref<64x128xf32, #tpu.memory_space<hbm>>
      %dma_start3A_239 = arith.constant 0 : i32
      %dma_start3A_240 = tpu.memref_slice %arg5[%add3A_226, %dma_start3A_239] : memref<321536x128xf32, #tpu.memory_space<hbm>> -> memref<64x128xf32, #tpu.memory_space<hbm>>
      tpu.enqueue_dma source(%dma_start3A_240 : memref<64x128xf32, #tpu.memory_space<hbm>>) target(%arg15 : memref<64x128xf32, #tpu.memory_space<vmem>>) target_semaphore(%arg21 : memref<!tpu.dma_semaphore, #tpu.memory_space<semaphore_mem>>)
      %dma_wait3A_241 = arith.constant 0 : i32
      %dma_wait3A_242 = arith.constant 0 : i32
      %dma_wait3A_243 = tpu.memref_slice %arg3[%dma_wait3A_241, %dma_wait3A_242] : memref<10000x128xf32, #tpu.memory_space<hbm>> -> memref<10000x128xf32, #tpu.memory_space<hbm>>
      tpu.wait_indirect_dma semaphore(%arg18 : memref<!tpu.dma_semaphore, #tpu.memory_space<semaphore_mem>>) src(%dma_wait3A_243 : memref<10000x128xf32, #tpu.memory_space<hbm>>) dst(%arg12 : memref<64x128xf32, #tpu.memory_space<vmem>>)
      %dma_wait3A_244 = arith.constant 0 : i32
      %dma_wait3A_245 = arith.constant 0 : i32
      %dma_wait3A_246 = tpu.memref_slice %arg2[%dma_wait3A_244, %dma_wait3A_245] : memref<10000x128xf32, #tpu.memory_space<hbm>> -> memref<10000x128xf32, #tpu.memory_space<hbm>>
      tpu.wait_indirect_dma semaphore(%arg19 : memref<!tpu.dma_semaphore, #tpu.memory_space<semaphore_mem>>) src(%dma_wait3A_246 : memref<10000x128xf32, #tpu.memory_space<hbm>>) dst(%arg13 : memref<64x128xf32, #tpu.memory_space<vmem>>)
      %dma_wait3A_247 = arith.constant 0 : i32
      %dma_wait3A_248 = arith.constant 0 : i32
      %dma_wait3A_249 = tpu.memref_slice %arg4[%dma_wait3A_247, %dma_wait3A_248] : memref<10000x128xf32, #tpu.memory_space<hbm>> -> memref<10000x128xf32, #tpu.memory_space<hbm>>
      tpu.wait_indirect_dma semaphore(%arg20 : memref<!tpu.dma_semaphore, #tpu.memory_space<semaphore_mem>>) src(%dma_wait3A_249 : memref<10000x128xf32, #tpu.memory_space<hbm>>) dst(%arg14 : memref<64x128xf32, #tpu.memory_space<vmem>>)
      %dma_wait3A_250 = arith.constant 0 : i32
      %dma_wait3A_251 = tpu.memref_slice %arg5[%add3A_226, %dma_wait3A_250] : memref<321536x128xf32, #tpu.memory_space<hbm>> -> memref<64x128xf32, #tpu.memory_space<hbm>>
      %dma_wait3A_252 = arith.constant 0 : i32
      %dma_wait3A_253 = tpu.memref_slice %arg5[%add3A_226, %dma_wait3A_252] : memref<321536x128xf32, #tpu.memory_space<hbm>> -> memref<64x128xf32, #tpu.memory_space<hbm>>
      tpu.wait_dma2 semaphore(%arg21 : memref<!tpu.dma_semaphore, #tpu.memory_space<semaphore_mem>>) src(%dma_wait3A_253 : memref<64x128xf32, #tpu.memory_space<hbm>>) dst(%arg15 : memref<64x128xf32, #tpu.memory_space<vmem>>)
      %scan3A_254 = arith.constant 0 : i32
      %scan3A_255 = arith.constant 0 : i32
      %scan3A_256 = arith.constant 64 : i32
      %scan3A_257 = arith.addi %scan3A_255, %scan3A_256 : i32
      %scan3A_258 = arith.constant 2 : i32
      scf.for %scan3A_438 = %scan3A_255 to %scan3A_257 step %scan3A_258  : i32 {
        %get3A_439 = arith.index_cast %scan3A_438 : i32 to index
        %get3A_440 = arith.constant 0 : index
        %get3A_441 = tpu.vector_load %arg12[%get3A_439, %get3A_440] {strides = array<i32>} : memref<64x128xf32, #tpu.memory_space<vmem>>, vector<16xf32>,
        %get3A_442 = arith.index_cast %scan3A_438 : i32 to index
        %get3A_443 = arith.constant 0 : index
        %get3A_444 = tpu.vector_load %arg13[%get3A_442, %get3A_443] {strides = array<i32>} : memref<64x128xf32, #tpu.memory_space<vmem>>, vector<16xf32>,
        %mul3A_445 = arith.mulf %get3A_441, %get3A_444 : vector<16xf32>
        %jit3A = arith.constant -5.000000e+00 : f32
        %jit3A_446 = arith.constant 5.000000e+00 : f32
        %max3A = vector.broadcast %jit3A : f32 to vector<16xf32>
        %max3A_447 = arith.maximumf %max3A, %mul3A_445 : vector<16xf32>
        %min3A = vector.broadcast %jit3A_446 : f32 to vector<16xf32>
        %min3A_448 = arith.minimumf %min3A, %max3A_447 : vector<16xf32>
        %get3A_449 = arith.index_cast %scan3A_438 : i32 to index
        %get3A_450 = arith.constant 0 : index
        %get3A_451 = tpu.vector_load %arg15[%get3A_449, %get3A_450] {strides = array<i32>} : memref<64x128xf32, #tpu.memory_space<vmem>>, vector<16xf32>,
        %mul3A_452 = arith.mulf %min3A_448, %get3A_451 : vector<16xf32>
        %get3A_453 = arith.index_cast %scan3A_438 : i32 to index
        %get3A_454 = arith.constant 16 : index
        %get3A_455 = tpu.vector_load %arg12[%get3A_453, %get3A_454] {strides = array<i32>} : memref<64x128xf32, #tpu.memory_space<vmem>>, vector<16xf32>,
        %get3A_456 = arith.index_cast %scan3A_438 : i32 to index
        %get3A_457 = arith.constant 16 : index
        %get3A_458 = tpu.vector_load %arg13[%get3A_456, %get3A_457] {strides = array<i32>} : memref<64x128xf32, #tpu.memory_space<vmem>>, vector<16xf32>,
        %mul3A_459 = arith.mulf %get3A_455, %get3A_458 : vector<16xf32>
        %jit3A_460 = arith.constant -5.000000e+00 : f32
        %jit3A_461 = arith.constant 5.000000e+00 : f32
        %max3A_462 = vector.broadcast %jit3A_460 : f32 to vector<16xf32>
        %max3A_463 = arith.maximumf %max3A_462, %mul3A_459 : vector<16xf32>
        %min3A_464 = vector.broadcast %jit3A_461 : f32 to vector<16xf32>
        %min3A_465 = arith.minimumf %min3A_464, %max3A_463 : vector<16xf32>
        %get3A_466 = arith.index_cast %scan3A_438 : i32 to index
        %get3A_467 = arith.constant 16 : index
        %get3A_468 = tpu.vector_load %arg15[%get3A_466, %get3A_467] {strides = array<i32>} : memref<64x128xf32, #tpu.memory_space<vmem>>, vector<16xf32>,
        %mul3A_469 = arith.mulf %min3A_465, %get3A_468 : vector<16xf32>
        %add3A_470 = arith.addf %mul3A_452, %mul3A_469 : vector<16xf32>
        %broadcast_in_dim3A_471 = vector.shape_cast %xor3A_52 : vector<16xi32> to vector<16x1xi32>
        %gather3A_472 = vector.shape_cast %broadcast_in_dim3A_471 : vector<16x1xi32> to vector<16xi32>
        %gather3A_473 = tpu.dynamic_gather %add3A_470[%gather3A_472] in [0] : vector<16xf32>, vector<16xi32> -> vector<16xf32>
        %add3A_474 = arith.addf %add3A_470, %gather3A_473 : vector<16xf32>
        %broadcast_in_dim3A_475 = vector.shape_cast %xor3A_55 : vector<16xi32> to vector<16x1xi32>
        %gather3A_476 = vector.shape_cast %broadcast_in_dim3A_475 : vector<16x1xi32> to vector<16xi32>
        %gather3A_477 = tpu.dynamic_gather %add3A_474[%gather3A_476] in [0] : vector<16xf32>, vector<16xi32> -> vector<16xf32>
        %add3A_478 = arith.addf %add3A_474, %gather3A_477 : vector<16xf32>
        %broadcast_in_dim3A_479 = vector.shape_cast %xor3A_58 : vector<16xi32> to vector<16x1xi32>
        %gather3A_480 = vector.shape_cast %broadcast_in_dim3A_479 : vector<16x1xi32> to vector<16xi32>
        %gather3A_481 = tpu.dynamic_gather %add3A_478[%gather3A_480] in [0] : vector<16xf32>, vector<16xi32> -> vector<16xf32>
        %add3A_482 = arith.addf %add3A_478, %gather3A_481 : vector<16xf32>
        %broadcast_in_dim3A_483 = vector.shape_cast %xor3A_61 : vector<16xi32> to vector<16x1xi32>
        %gather3A_484 = vector.shape_cast %broadcast_in_dim3A_483 : vector<16x1xi32> to vector<16xi32>
        %gather3A_485 = tpu.dynamic_gather %add3A_482[%gather3A_484] in [0] : vector<16xf32>, vector<16xi32> -> vector<16xf32>
        %add3A_486 = arith.addf %add3A_482, %gather3A_485 : vector<16xf32>
        %jit3A_487 = arith.constant -5.000000e+00 : f32
        %jit3A_488 = arith.constant 5.000000e+00 : f32
        %max3A_489 = vector.broadcast %jit3A_487 : f32 to vector<16xf32>
        %max3A_490 = arith.maximumf %max3A_489, %add3A_486 : vector<16xf32>
        %min3A_491 = vector.broadcast %jit3A_488 : f32 to vector<16xf32>
        %min3A_492 = arith.minimumf %min3A_491, %max3A_490 : vector<16xf32>
        %exp3A = math.exp %min3A_492 : vector<16xf32>
        %get3A_493 = arith.index_cast %scan3A_438 : i32 to index
        %get3A_494 = arith.constant 0 : index
        %get3A_495 = tpu.vector_load %arg14[%get3A_493, %get3A_494] {strides = array<i32>} : memref<64x128xf32, #tpu.memory_space<vmem>>, vector<16xf32>,
        %mul3A_496 = arith.mulf %get3A_495, %exp3A : vector<16xf32>
        %swap3A_497 = arith.index_cast %scan3A_438 : i32 to index
        %swap3A_498 = arith.constant 0 : index
        %swap3A_499 = tpu.vector_load %arg13[%swap3A_497, %swap3A_498] {strides = array<i32>} : memref<64x128xf32, #tpu.memory_space<vmem>>, vector<16xf32>,
        tpu.vector_store %arg13[%swap3A_497, %swap3A_498], %mul3A_496 {strides = array<i32>} : memref<64x128xf32, #tpu.memory_space<vmem>>, vector<16xf32>,
        %get3A_500 = arith.index_cast %scan3A_438 : i32 to index
        %get3A_501 = arith.constant 16 : index
        %get3A_502 = tpu.vector_load %arg14[%get3A_500, %get3A_501] {strides = array<i32>} : memref<64x128xf32, #tpu.memory_space<vmem>>, vector<16xf32>,
        %mul3A_503 = arith.mulf %get3A_502, %exp3A : vector<16xf32>
        %swap3A_504 = arith.index_cast %scan3A_438 : i32 to index
        %swap3A_505 = arith.constant 16 : index
        %swap3A_506 = tpu.vector_load %arg13[%swap3A_504, %swap3A_505] {strides = array<i32>} : memref<64x128xf32, #tpu.memory_space<vmem>>, vector<16xf32>,
        tpu.vector_store %arg13[%swap3A_504, %swap3A_505], %mul3A_503 {strides = array<i32>} : memref<64x128xf32, #tpu.memory_space<vmem>>, vector<16xf32>,
        %eq3A = arith.constant 0 : i32
        %eq3A_507 = vector.broadcast %eq3A : i32 to vector<16xi32>
        %eq3A_508 = arith.cmpi eq, %iota3A, %eq3A_507 : vector<16xi32>
        %select_n3A = arith.select %eq3A_508, %exp3A, %broadcast_in_dim3A_1 : vector<16xi1>, vector<16xf32>
        %get3A_509 = arith.index_cast %scan3A_438 : i32 to index
        %get3A_510 = arith.constant 32 : index
        %get3A_511 = tpu.vector_load %arg12[%get3A_509, %get3A_510] {strides = array<i32>} : memref<64x128xf32, #tpu.memory_space<vmem>>, vector<16xf32>,
        %get3A_512 = arith.index_cast %scan3A_438 : i32 to index
        %get3A_513 = arith.constant 32 : index
        %get3A_514 = tpu.vector_load %arg13[%get3A_512, %get3A_513] {strides = array<i32>} : memref<64x128xf32, #tpu.memory_space<vmem>>, vector<16xf32>,
        %mul3A_515 = arith.mulf %get3A_511, %get3A_514 : vector<16xf32>
        %jit3A_516 = arith.constant -5.000000e+00 : f32
        %jit3A_517 = arith.constant 5.000000e+00 : f32
        %max3A_518 = vector.broadcast %jit3A_516 : f32 to vector<16xf32>
        %max3A_519 = arith.maximumf %max3A_518, %mul3A_515 : vector<16xf32>
        %min3A_520 = vector.broadcast %jit3A_517 : f32 to vector<16xf32>
        %min3A_521 = arith.minimumf %min3A_520, %max3A_519 : vector<16xf32>
        %get3A_522 = arith.index_cast %scan3A_438 : i32 to index
        %get3A_523 = arith.constant 32 : index
        %get3A_524 = tpu.vector_load %arg15[%get3A_522, %get3A_523] {strides = array<i32>} : memref<64x128xf32, #tpu.memory_space<vmem>>, vector<16xf32>,
        %mul3A_525 = arith.mulf %min3A_521, %get3A_524 : vector<16xf32>
        %get3A_526 = arith.index_cast %scan3A_438 : i32 to index
        %get3A_527 = arith.constant 48 : index
        %get3A_528 = tpu.vector_load %arg12[%get3A_526, %get3A_527] {strides = array<i32>} : memref<64x128xf32, #tpu.memory_space<vmem>>, vector<16xf32>,
        %get3A_529 = arith.index_cast %scan3A_438 : i32 to index
        %get3A_530 = arith.constant 48 : index
        %get3A_531 = tpu.vector_load %arg13[%get3A_529, %get3A_530] {strides = array<i32>} : memref<64x128xf32, #tpu.memory_space<vmem>>, vector<16xf32>,
        %mul3A_532 = arith.mulf %get3A_528, %get3A_531 : vector<16xf32>
        %jit3A_533 = arith.constant -5.000000e+00 : f32
        %jit3A_534 = arith.constant 5.000000e+00 : f32
        %max3A_535 = vector.broadcast %jit3A_533 : f32 to vector<16xf32>
        %max3A_536 = arith.maximumf %max3A_535, %mul3A_532 : vector<16xf32>
        %min3A_537 = vector.broadcast %jit3A_534 : f32 to vector<16xf32>
        %min3A_538 = arith.minimumf %min3A_537, %max3A_536 : vector<16xf32>
        %get3A_539 = arith.index_cast %scan3A_438 : i32 to index
        %get3A_540 = arith.constant 48 : index
        %get3A_541 = tpu.vector_load %arg15[%get3A_539, %get3A_540] {strides = array<i32>} : memref<64x128xf32, #tpu.memory_space<vmem>>, vector<16xf32>,
        %mul3A_542 = arith.mulf %min3A_538, %get3A_541 : vector<16xf32>
        %add3A_543 = arith.addf %mul3A_525, %mul3A_542 : vector<16xf32>
        %broadcast_in_dim3A_544 = vector.shape_cast %xor3A_52 : vector<16xi32> to vector<16x1xi32>
        %gather3A_545 = vector.shape_cast %broadcast_in_dim3A_544 : vector<16x1xi32> to vector<16xi32>
        %gather3A_546 = tpu.dynamic_gather %add3A_543[%gather3A_545] in [0] : vector<16xf32>, vector<16xi32> -> vector<16xf32>
        %add3A_547 = arith.addf %add3A_543, %gather3A_546 : vector<16xf32>
        %broadcast_in_dim3A_548 = vector.shape_cast %xor3A_55 : vector<16xi32> to vector<16x1xi32>
        %gather3A_549 = vector.shape_cast %broadcast_in_dim3A_548 : vector<16x1xi32> to vector<16xi32>
        %gather3A_550 = tpu.dynamic_gather %add3A_547[%gather3A_549] in [0] : vector<16xf32>, vector<16xi32> -> vector<16xf32>
        %add3A_551 = arith.addf %add3A_547, %gather3A_550 : vector<16xf32>
        %broadcast_in_dim3A_552 = vector.shape_cast %xor3A_58 : vector<16xi32> to vector<16x1xi32>
        %gather3A_553 = vector.shape_cast %broadcast_in_dim3A_552 : vector<16x1xi32> to vector<16xi32>
        %gather3A_554 = tpu.dynamic_gather %add3A_551[%gather3A_553] in [0] : vector<16xf32>, vector<16xi32> -> vector<16xf32>
        %add3A_555 = arith.addf %add3A_551, %gather3A_554 : vector<16xf32>
        %broadcast_in_dim3A_556 = vector.shape_cast %xor3A_61 : vector<16xi32> to vector<16x1xi32>
        %gather3A_557 = vector.shape_cast %broadcast_in_dim3A_556 : vector<16x1xi32> to vector<16xi32>
        %gather3A_558 = tpu.dynamic_gather %add3A_555[%gather3A_557] in [0] : vector<16xf32>, vector<16xi32> -> vector<16xf32>
        %add3A_559 = arith.addf %add3A_555, %gather3A_558 : vector<16xf32>
        %jit3A_560 = arith.constant -5.000000e+00 : f32
        %jit3A_561 = arith.constant 5.000000e+00 : f32
        %max3A_562 = vector.broadcast %jit3A_560 : f32 to vector<16xf32>
        %max3A_563 = arith.maximumf %max3A_562, %add3A_559 : vector<16xf32>
        %min3A_564 = vector.broadcast %jit3A_561 : f32 to vector<16xf32>
        %min3A_565 = arith.minimumf %min3A_564, %max3A_563 : vector<16xf32>
        %exp3A_566 = math.exp %min3A_565 : vector<16xf32>
        %get3A_567 = arith.index_cast %scan3A_438 : i32 to index
        %get3A_568 = arith.constant 32 : index
        %get3A_569 = tpu.vector_load %arg14[%get3A_567, %get3A_568] {strides = array<i32>} : memref<64x128xf32, #tpu.memory_space<vmem>>, vector<16xf32>,
        %mul3A_570 = arith.mulf %get3A_569, %exp3A_566 : vector<16xf32>
        %swap3A_571 = arith.index_cast %scan3A_438 : i32 to index
        %swap3A_572 = arith.constant 32 : index
        %swap3A_573 = tpu.vector_load %arg13[%swap3A_571, %swap3A_572] {strides = array<i32>} : memref<64x128xf32, #tpu.memory_space<vmem>>, vector<16xf32>,
        tpu.vector_store %arg13[%swap3A_571, %swap3A_572], %mul3A_570 {strides = array<i32>} : memref<64x128xf32, #tpu.memory_space<vmem>>, vector<16xf32>,
        %get3A_574 = arith.index_cast %scan3A_438 : i32 to index
        %get3A_575 = arith.constant 48 : index
        %get3A_576 = tpu.vector_load %arg14[%get3A_574, %get3A_575] {strides = array<i32>} : memref<64x128xf32, #tpu.memory_space<vmem>>, vector<16xf32>,
        %mul3A_577 = arith.mulf %get3A_576, %exp3A_566 : vector<16xf32>
        %swap3A_578 = arith.index_cast %scan3A_438 : i32 to index
        %swap3A_579 = arith.constant 48 : index
        %swap3A_580 = tpu.vector_load %arg13[%swap3A_578, %swap3A_579] {strides = array<i32>} : memref<64x128xf32, #tpu.memory_space<vmem>>, vector<16xf32>,
        tpu.vector_store %arg13[%swap3A_578, %swap3A_579], %mul3A_577 {strides = array<i32>} : memref<64x128xf32, #tpu.memory_space<vmem>>, vector<16xf32>,
        %eq3A_581 = arith.constant 1 : i32
        %eq3A_582 = vector.broadcast %eq3A_581 : i32 to vector<16xi32>
        %eq3A_583 = arith.cmpi eq, %iota3A, %eq3A_582 : vector<16xi32>
        %select_n3A_584 = arith.select %eq3A_583, %exp3A_566, %select_n3A : vector<16xi1>, vector<16xf32>
        %get3A_585 = arith.index_cast %scan3A_438 : i32 to index
        %get3A_586 = arith.constant 64 : index
        %get3A_587 = tpu.vector_load %arg12[%get3A_585, %get3A_586] {strides = array<i32>} : memref<64x128xf32, #tpu.memory_space<vmem>>, vector<16xf32>,
        %get3A_588 = arith.index_cast %scan3A_438 : i32 to index
        %get3A_589 = arith.constant 64 : index
        %get3A_590 = tpu.vector_load %arg13[%get3A_588, %get3A_589] {strides = array<i32>} : memref<64x128xf32, #tpu.memory_space<vmem>>, vector<16xf32>,
        %mul3A_591 = arith.mulf %get3A_587, %get3A_590 : vector<16xf32>
        %jit3A_592 = arith.constant -5.000000e+00 : f32
        %jit3A_593 = arith.constant 5.000000e+00 : f32
        %max3A_594 = vector.broadcast %jit3A_592 : f32 to vector<16xf32>
        %max3A_595 = arith.maximumf %max3A_594, %mul3A_591 : vector<16xf32>
        %min3A_596 = vector.broadcast %jit3A_593 : f32 to vector<16xf32>
        %min3A_597 = arith.minimumf %min3A_596, %max3A_595 : vector<16xf32>
        %get3A_598 = arith.index_cast %scan3A_438 : i32 to index
        %get3A_599 = arith.constant 64 : index
        %get3A_600 = tpu.vector_load %arg15[%get3A_598, %get3A_599] {strides = array<i32>} : memref<64x128xf32, #tpu.memory_space<vmem>>, vector<16xf32>,
        %mul3A_601 = arith.mulf %min3A_597, %get3A_600 : vector<16xf32>
        %get3A_602 = arith.index_cast %scan3A_438 : i32 to index
        %get3A_603 = arith.constant 80 : index
        %get3A_604 = tpu.vector_load %arg12[%get3A_602, %get3A_603] {strides = array<i32>} : memref<64x128xf32, #tpu.memory_space<vmem>>, vector<16xf32>,
        %get3A_605 = arith.index_cast %scan3A_438 : i32 to index
        %get3A_606 = arith.constant 80 : index
        %get3A_607 = tpu.vector_load %arg13[%get3A_605, %get3A_606] {strides = array<i32>} : memref<64x128xf32, #tpu.memory_space<vmem>>, vector<16xf32>,
        %mul3A_608 = arith.mulf %get3A_604, %get3A_607 : vector<16xf32>
        %jit3A_609 = arith.constant -5.000000e+00 : f32
        %jit3A_610 = arith.constant 5.000000e+00 : f32
        %max3A_611 = vector.broadcast %jit3A_609 : f32 to vector<16xf32>
        %max3A_612 = arith.maximumf %max3A_611, %mul3A_608 : vector<16xf32>
        %min3A_613 = vector.broadcast %jit3A_610 : f32 to vector<16xf32>
        %min3A_614 = arith.minimumf %min3A_613, %max3A_612 : vector<16xf32>
        %get3A_615 = arith.index_cast %scan3A_438 : i32 to index
        %get3A_616 = arith.constant 80 : index
        %get3A_617 = tpu.vector_load %arg15[%get3A_615, %get3A_616] {strides = array<i32>} : memref<64x128xf32, #tpu.memory_space<vmem>>, vector<16xf32>,
        %mul3A_618 = arith.mulf %min3A_614, %get3A_617 : vector<16xf32>
        %add3A_619 = arith.addf %mul3A_601, %mul3A_618 : vector<16xf32>
        %broadcast_in_dim3A_620 = vector.shape_cast %xor3A_52 : vector<16xi32> to vector<16x1xi32>
        %gather3A_621 = vector.shape_cast %broadcast_in_dim3A_620 : vector<16x1xi32> to vector<16xi32>
        %gather3A_622 = tpu.dynamic_gather %add3A_619[%gather3A_621] in [0] : vector<16xf32>, vector<16xi32> -> vector<16xf32>
        %add3A_623 = arith.addf %add3A_619, %gather3A_622 : vector<16xf32>
        %broadcast_in_dim3A_624 = vector.shape_cast %xor3A_55 : vector<16xi32> to vector<16x1xi32>
        %gather3A_625 = vector.shape_cast %broadcast_in_dim3A_624 : vector<16x1xi32> to vector<16xi32>
        %gather3A_626 = tpu.dynamic_gather %add3A_623[%gather3A_625] in [0] : vector<16xf32>, vector<16xi32> -> vector<16xf32>
        %add3A_627 = arith.addf %add3A_623, %gather3A_626 : vector<16xf32>
        %broadcast_in_dim3A_628 = vector.shape_cast %xor3A_58 : vector<16xi32> to vector<16x1xi32>
        %gather3A_629 = vector.shape_cast %broadcast_in_dim3A_628 : vector<16x1xi32> to vector<16xi32>
        %gather3A_630 = tpu.dynamic_gather %add3A_627[%gather3A_629] in [0] : vector<16xf32>, vector<16xi32> -> vector<16xf32>
        %add3A_631 = arith.addf %add3A_627, %gather3A_630 : vector<16xf32>
        %broadcast_in_dim3A_632 = vector.shape_cast %xor3A_61 : vector<16xi32> to vector<16x1xi32>
        %gather3A_633 = vector.shape_cast %broadcast_in_dim3A_632 : vector<16x1xi32> to vector<16xi32>
        %gather3A_634 = tpu.dynamic_gather %add3A_631[%gather3A_633] in [0] : vector<16xf32>, vector<16xi32> -> vector<16xf32>
        %add3A_635 = arith.addf %add3A_631, %gather3A_634 : vector<16xf32>
        %jit3A_636 = arith.constant -5.000000e+00 : f32
        %jit3A_637 = arith.constant 5.000000e+00 : f32
        %max3A_638 = vector.broadcast %jit3A_636 : f32 to vector<16xf32>
        %max3A_639 = arith.maximumf %max3A_638, %add3A_635 : vector<16xf32>
        %min3A_640 = vector.broadcast %jit3A_637 : f32 to vector<16xf32>
        %min3A_641 = arith.minimumf %min3A_640, %max3A_639 : vector<16xf32>
        %exp3A_642 = math.exp %min3A_641 : vector<16xf32>
        %get3A_643 = arith.index_cast %scan3A_438 : i32 to index
        %get3A_644 = arith.constant 64 : index
        %get3A_645 = tpu.vector_load %arg14[%get3A_643, %get3A_644] {strides = array<i32>} : memref<64x128xf32, #tpu.memory_space<vmem>>, vector<16xf32>,
        %mul3A_646 = arith.mulf %get3A_645, %exp3A_642 : vector<16xf32>
        %swap3A_647 = arith.index_cast %scan3A_438 : i32 to index
        %swap3A_648 = arith.constant 64 : index
        %swap3A_649 = tpu.vector_load %arg13[%swap3A_647, %swap3A_648] {strides = array<i32>} : memref<64x128xf32, #tpu.memory_space<vmem>>, vector<16xf32>,
        tpu.vector_store %arg13[%swap3A_647, %swap3A_648], %mul3A_646 {strides = array<i32>} : memref<64x128xf32, #tpu.memory_space<vmem>>, vector<16xf32>,
        %get3A_650 = arith.index_cast %scan3A_438 : i32 to index
        %get3A_651 = arith.constant 80 : index
        %get3A_652 = tpu.vector_load %arg14[%get3A_650, %get3A_651] {strides = array<i32>} : memref<64x128xf32, #tpu.memory_space<vmem>>, vector<16xf32>,
        %mul3A_653 = arith.mulf %get3A_652, %exp3A_642 : vector<16xf32>
        %swap3A_654 = arith.index_cast %scan3A_438 : i32 to index
        %swap3A_655 = arith.constant 80 : index
        %swap3A_656 = tpu.vector_load %arg13[%swap3A_654, %swap3A_655] {strides = array<i32>} : memref<64x128xf32, #tpu.memory_space<vmem>>, vector<16xf32>,
        tpu.vector_store %arg13[%swap3A_654, %swap3A_655], %mul3A_653 {strides = array<i32>} : memref<64x128xf32, #tpu.memory_space<vmem>>, vector<16xf32>,
        %eq3A_657 = arith.constant 2 : i32
        %eq3A_658 = vector.broadcast %eq3A_657 : i32 to vector<16xi32>
        %eq3A_659 = arith.cmpi eq, %iota3A, %eq3A_658 : vector<16xi32>
        %select_n3A_660 = arith.select %eq3A_659, %exp3A_642, %select_n3A_584 : vector<16xi1>, vector<16xf32>
        %get3A_661 = arith.index_cast %scan3A_438 : i32 to index
        %get3A_662 = arith.constant 96 : index
        %get3A_663 = tpu.vector_load %arg12[%get3A_661, %get3A_662] {strides = array<i32>} : memref<64x128xf32, #tpu.memory_space<vmem>>, vector<16xf32>,
        %get3A_664 = arith.index_cast %scan3A_438 : i32 to index
        %get3A_665 = arith.constant 96 : index
        %get3A_666 = tpu.vector_load %arg13[%get3A_664, %get3A_665] {strides = array<i32>} : memref<64x128xf32, #tpu.memory_space<vmem>>, vector<16xf32>,
        %mul3A_667 = arith.mulf %get3A_663, %get3A_666 : vector<16xf32>
        %jit3A_668 = arith.constant -5.000000e+00 : f32
        %jit3A_669 = arith.constant 5.000000e+00 : f32
        %max3A_670 = vector.broadcast %jit3A_668 : f32 to vector<16xf32>
        %max3A_671 = arith.maximumf %max3A_670, %mul3A_667 : vector<16xf32>
        %min3A_672 = vector.broadcast %jit3A_669 : f32 to vector<16xf32>
        %min3A_673 = arith.minimumf %min3A_672, %max3A_671 : vector<16xf32>
        %get3A_674 = arith.index_cast %scan3A_438 : i32 to index
        %get3A_675 = arith.constant 96 : index
        %get3A_676 = tpu.vector_load %arg15[%get3A_674, %get3A_675] {strides = array<i32>} : memref<64x128xf32, #tpu.memory_space<vmem>>, vector<16xf32>,
        %mul3A_677 = arith.mulf %min3A_673, %get3A_676 : vector<16xf32>
        %get3A_678 = arith.index_cast %scan3A_438 : i32 to index
        %get3A_679 = arith.constant 112 : index
        %get3A_680 = tpu.vector_load %arg12[%get3A_678, %get3A_679] {strides = array<i32>} : memref<64x128xf32, #tpu.memory_space<vmem>>, vector<16xf32>,
        %get3A_681 = arith.index_cast %scan3A_438 : i32 to index
        %get3A_682 = arith.constant 112 : index
        %get3A_683 = tpu.vector_load %arg13[%get3A_681, %get3A_682] {strides = array<i32>} : memref<64x128xf32, #tpu.memory_space<vmem>>, vector<16xf32>,
        %mul3A_684 = arith.mulf %get3A_680, %get3A_683 : vector<16xf32>
        %jit3A_685 = arith.constant -5.000000e+00 : f32
        %jit3A_686 = arith.constant 5.000000e+00 : f32
        %max3A_687 = vector.broadcast %jit3A_685 : f32 to vector<16xf32>
        %max3A_688 = arith.maximumf %max3A_687, %mul3A_684 : vector<16xf32>
        %min3A_689 = vector.broadcast %jit3A_686 : f32 to vector<16xf32>
        %min3A_690 = arith.minimumf %min3A_689, %max3A_688 : vector<16xf32>
        %get3A_691 = arith.index_cast %scan3A_438 : i32 to index
        %get3A_692 = arith.constant 112 : index
        %get3A_693 = tpu.vector_load %arg15[%get3A_691, %get3A_692] {strides = array<i32>} : memref<64x128xf32, #tpu.memory_space<vmem>>, vector<16xf32>,
        %mul3A_694 = arith.mulf %min3A_690, %get3A_693 : vector<16xf32>
        %add3A_695 = arith.addf %mul3A_677, %mul3A_694 : vector<16xf32>
        %broadcast_in_dim3A_696 = vector.shape_cast %xor3A_52 : vector<16xi32> to vector<16x1xi32>
        %gather3A_697 = vector.shape_cast %broadcast_in_dim3A_696 : vector<16x1xi32> to vector<16xi32>
        %gather3A_698 = tpu.dynamic_gather %add3A_695[%gather3A_697] in [0] : vector<16xf32>, vector<16xi32> -> vector<16xf32>
        %add3A_699 = arith.addf %add3A_695, %gather3A_698 : vector<16xf32>
        %broadcast_in_dim3A_700 = vector.shape_cast %xor3A_55 : vector<16xi32> to vector<16x1xi32>
        %gather3A_701 = vector.shape_cast %broadcast_in_dim3A_700 : vector<16x1xi32> to vector<16xi32>
        %gather3A_702 = tpu.dynamic_gather %add3A_699[%gather3A_701] in [0] : vector<16xf32>, vector<16xi32> -> vector<16xf32>
        %add3A_703 = arith.addf %add3A_699, %gather3A_702 : vector<16xf32>
        %broadcast_in_dim3A_704 = vector.shape_cast %xor3A_58 : vector<16xi32> to vector<16x1xi32>
        %gather3A_705 = vector.shape_cast %broadcast_in_dim3A_704 : vector<16x1xi32> to vector<16xi32>
        %gather3A_706 = tpu.dynamic_gather %add3A_703[%gather3A_705] in [0] : vector<16xf32>, vector<16xi32> -> vector<16xf32>
        %add3A_707 = arith.addf %add3A_703, %gather3A_706 : vector<16xf32>
        %broadcast_in_dim3A_708 = vector.shape_cast %xor3A_61 : vector<16xi32> to vector<16x1xi32>
        %gather3A_709 = vector.shape_cast %broadcast_in_dim3A_708 : vector<16x1xi32> to vector<16xi32>
        %gather3A_710 = tpu.dynamic_gather %add3A_707[%gather3A_709] in [0] : vector<16xf32>, vector<16xi32> -> vector<16xf32>
        %add3A_711 = arith.addf %add3A_707, %gather3A_710 : vector<16xf32>
        %jit3A_712 = arith.constant -5.000000e+00 : f32
        %jit3A_713 = arith.constant 5.000000e+00 : f32
        %max3A_714 = vector.broadcast %jit3A_712 : f32 to vector<16xf32>
        %max3A_715 = arith.maximumf %max3A_714, %add3A_711 : vector<16xf32>
        %min3A_716 = vector.broadcast %jit3A_713 : f32 to vector<16xf32>
        %min3A_717 = arith.minimumf %min3A_716, %max3A_715 : vector<16xf32>
        %exp3A_718 = math.exp %min3A_717 : vector<16xf32>
        %get3A_719 = arith.index_cast %scan3A_438 : i32 to index
        %get3A_720 = arith.constant 96 : index
        %get3A_721 = tpu.vector_load %arg14[%get3A_719, %get3A_720] {strides = array<i32>} : memref<64x128xf32, #tpu.memory_space<vmem>>, vector<16xf32>,
        %mul3A_722 = arith.mulf %get3A_721, %exp3A_718 : vector<16xf32>
        %swap3A_723 = arith.index_cast %scan3A_438 : i32 to index
        %swap3A_724 = arith.constant 96 : index
        %swap3A_725 = tpu.vector_load %arg13[%swap3A_723, %swap3A_724] {strides = array<i32>} : memref<64x128xf32, #tpu.memory_space<vmem>>, vector<16xf32>,
        tpu.vector_store %arg13[%swap3A_723, %swap3A_724], %mul3A_722 {strides = array<i32>} : memref<64x128xf32, #tpu.memory_space<vmem>>, vector<16xf32>,
        %get3A_726 = arith.index_cast %scan3A_438 : i32 to index
        %get3A_727 = arith.constant 112 : index
        %get3A_728 = tpu.vector_load %arg14[%get3A_726, %get3A_727] {strides = array<i32>} : memref<64x128xf32, #tpu.memory_space<vmem>>, vector<16xf32>,
        %mul3A_729 = arith.mulf %get3A_728, %exp3A_718 : vector<16xf32>
        %swap3A_730 = arith.index_cast %scan3A_438 : i32 to index
        %swap3A_731 = arith.constant 112 : index
        %swap3A_732 = tpu.vector_load %arg13[%swap3A_730, %swap3A_731] {strides = array<i32>} : memref<64x128xf32, #tpu.memory_space<vmem>>, vector<16xf32>,
        tpu.vector_store %arg13[%swap3A_730, %swap3A_731], %mul3A_729 {strides = array<i32>} : memref<64x128xf32, #tpu.memory_space<vmem>>, vector<16xf32>,
        %eq3A_733 = arith.constant 3 : i32
        %eq3A_734 = vector.broadcast %eq3A_733 : i32 to vector<16xi32>
        %eq3A_735 = arith.cmpi eq, %iota3A, %eq3A_734 : vector<16xi32>
        %select_n3A_736 = arith.select %eq3A_735, %exp3A_718, %select_n3A_660 : vector<16xi1>, vector<16xf32>
        %swap3A_737 = arith.index_cast %scan3A_438 : i32 to index
        %swap3A_738 = arith.constant 0 : index
        %swap3A_739 = tpu.vector_load %arg14[%swap3A_737, %swap3A_738] {strides = array<i32>} : memref<64x128xf32, #tpu.memory_space<vmem>>, vector<16xf32>,
        tpu.vector_store %arg14[%swap3A_737, %swap3A_738], %select_n3A_736 {strides = array<i32>} : memref<64x128xf32, #tpu.memory_space<vmem>>, vector<16xf32>,
        %scan3A_740 = arith.constant 1 : i32
        %scan3A_741 = arith.addi %scan3A_438, %scan3A_740 : i32
        %get3A_742 = arith.index_cast %scan3A_741 : i32 to index
        %get3A_743 = arith.constant 0 : index
        %get3A_744 = tpu.vector_load %arg12[%get3A_742, %get3A_743] {strides = array<i32>} : memref<64x128xf32, #tpu.memory_space<vmem>>, vector<16xf32>,
        %get3A_745 = arith.index_cast %scan3A_741 : i32 to index
        %get3A_746 = arith.constant 0 : index
        %get3A_747 = tpu.vector_load %arg13[%get3A_745, %get3A_746] {strides = array<i32>} : memref<64x128xf32, #tpu.memory_space<vmem>>, vector<16xf32>,
        %mul3A_748 = arith.mulf %get3A_744, %get3A_747 : vector<16xf32>
        %jit3A_749 = arith.constant -5.000000e+00 : f32
        %jit3A_750 = arith.constant 5.000000e+00 : f32
        %max3A_751 = vector.broadcast %jit3A_749 : f32 to vector<16xf32>
        %max3A_752 = arith.maximumf %max3A_751, %mul3A_748 : vector<16xf32>
        %min3A_753 = vector.broadcast %jit3A_750 : f32 to vector<16xf32>
        %min3A_754 = arith.minimumf %min3A_753, %max3A_752 : vector<16xf32>
        %get3A_755 = arith.index_cast %scan3A_741 : i32 to index
        %get3A_756 = arith.constant 0 : index
        %get3A_757 = tpu.vector_load %arg15[%get3A_755, %get3A_756] {strides = array<i32>} : memref<64x128xf32, #tpu.memory_space<vmem>>, vector<16xf32>,
        %mul3A_758 = arith.mulf %min3A_754, %get3A_757 : vector<16xf32>
        %get3A_759 = arith.index_cast %scan3A_741 : i32 to index
        %get3A_760 = arith.constant 16 : index
        %get3A_761 = tpu.vector_load %arg12[%get3A_759, %get3A_760] {strides = array<i32>} : memref<64x128xf32, #tpu.memory_space<vmem>>, vector<16xf32>,
        %get3A_762 = arith.index_cast %scan3A_741 : i32 to index
        %get3A_763 = arith.constant 16 : index
        %get3A_764 = tpu.vector_load %arg13[%get3A_762, %get3A_763] {strides = array<i32>} : memref<64x128xf32, #tpu.memory_space<vmem>>, vector<16xf32>,
        %mul3A_765 = arith.mulf %get3A_761, %get3A_764 : vector<16xf32>
        %jit3A_766 = arith.constant -5.000000e+00 : f32
        %jit3A_767 = arith.constant 5.000000e+00 : f32
        %max3A_768 = vector.broadcast %jit3A_766 : f32 to vector<16xf32>
        %max3A_769 = arith.maximumf %max3A_768, %mul3A_765 : vector<16xf32>
        %min3A_770 = vector.broadcast %jit3A_767 : f32 to vector<16xf32>
        %min3A_771 = arith.minimumf %min3A_770, %max3A_769 : vector<16xf32>
        %get3A_772 = arith.index_cast %scan3A_741 : i32 to index
        %get3A_773 = arith.constant 16 : index
        %get3A_774 = tpu.vector_load %arg15[%get3A_772, %get3A_773] {strides = array<i32>} : memref<64x128xf32, #tpu.memory_space<vmem>>, vector<16xf32>,
        %mul3A_775 = arith.mulf %min3A_771, %get3A_774 : vector<16xf32>
        %add3A_776 = arith.addf %mul3A_758, %mul3A_775 : vector<16xf32>
        %broadcast_in_dim3A_777 = vector.shape_cast %xor3A_52 : vector<16xi32> to vector<16x1xi32>
        %gather3A_778 = vector.shape_cast %broadcast_in_dim3A_777 : vector<16x1xi32> to vector<16xi32>
        %gather3A_779 = tpu.dynamic_gather %add3A_776[%gather3A_778] in [0] : vector<16xf32>, vector<16xi32> -> vector<16xf32>
        %add3A_780 = arith.addf %add3A_776, %gather3A_779 : vector<16xf32>
        %broadcast_in_dim3A_781 = vector.shape_cast %xor3A_55 : vector<16xi32> to vector<16x1xi32>
        %gather3A_782 = vector.shape_cast %broadcast_in_dim3A_781 : vector<16x1xi32> to vector<16xi32>
        %gather3A_783 = tpu.dynamic_gather %add3A_780[%gather3A_782] in [0] : vector<16xf32>, vector<16xi32> -> vector<16xf32>
        %add3A_784 = arith.addf %add3A_780, %gather3A_783 : vector<16xf32>
        %broadcast_in_dim3A_785 = vector.shape_cast %xor3A_58 : vector<16xi32> to vector<16x1xi32>
        %gather3A_786 = vector.shape_cast %broadcast_in_dim3A_785 : vector<16x1xi32> to vector<16xi32>
        %gather3A_787 = tpu.dynamic_gather %add3A_784[%gather3A_786] in [0] : vector<16xf32>, vector<16xi32> -> vector<16xf32>
        %add3A_788 = arith.addf %add3A_784, %gather3A_787 : vector<16xf32>
        %broadcast_in_dim3A_789 = vector.shape_cast %xor3A_61 : vector<16xi32> to vector<16x1xi32>
        %gather3A_790 = vector.shape_cast %broadcast_in_dim3A_789 : vector<16x1xi32> to vector<16xi32>
        %gather3A_791 = tpu.dynamic_gather %add3A_788[%gather3A_790] in [0] : vector<16xf32>, vector<16xi32> -> vector<16xf32>
        %add3A_792 = arith.addf %add3A_788, %gather3A_791 : vector<16xf32>
        %jit3A_793 = arith.constant -5.000000e+00 : f32
        %jit3A_794 = arith.constant 5.000000e+00 : f32
        %max3A_795 = vector.broadcast %jit3A_793 : f32 to vector<16xf32>
        %max3A_796 = arith.maximumf %max3A_795, %add3A_792 : vector<16xf32>
        %min3A_797 = vector.broadcast %jit3A_794 : f32 to vector<16xf32>
        %min3A_798 = arith.minimumf %min3A_797, %max3A_796 : vector<16xf32>
        %exp3A_799 = math.exp %min3A_798 : vector<16xf32>
        %get3A_800 = arith.index_cast %scan3A_741 : i32 to index
        %get3A_801 = arith.constant 0 : index
        %get3A_802 = tpu.vector_load %arg14[%get3A_800, %get3A_801] {strides = array<i32>} : memref<64x128xf32, #tpu.memory_space<vmem>>, vector<16xf32>,
        %mul3A_803 = arith.mulf %get3A_802, %exp3A_799 : vector<16xf32>
        %swap3A_804 = arith.index_cast %scan3A_741 : i32 to index
        %swap3A_805 = arith.constant 0 : index
        %swap3A_806 = tpu.vector_load %arg13[%swap3A_804, %swap3A_805] {strides = array<i32>} : memref<64x128xf32, #tpu.memory_space<vmem>>, vector<16xf32>,
        tpu.vector_store %arg13[%swap3A_804, %swap3A_805], %mul3A_803 {strides = array<i32>} : memref<64x128xf32, #tpu.memory_space<vmem>>, vector<16xf32>,
        %get3A_807 = arith.index_cast %scan3A_741 : i32 to index
        %get3A_808 = arith.constant 16 : index
        %get3A_809 = tpu.vector_load %arg14[%get3A_807, %get3A_808] {strides = array<i32>} : memref<64x128xf32, #tpu.memory_space<vmem>>, vector<16xf32>,
        %mul3A_810 = arith.mulf %get3A_809, %exp3A_799 : vector<16xf32>
        %swap3A_811 = arith.index_cast %scan3A_741 : i32 to index
        %swap3A_812 = arith.constant 16 : index
        %swap3A_813 = tpu.vector_load %arg13[%swap3A_811, %swap3A_812] {strides = array<i32>} : memref<64x128xf32, #tpu.memory_space<vmem>>, vector<16xf32>,
        tpu.vector_store %arg13[%swap3A_811, %swap3A_812], %mul3A_810 {strides = array<i32>} : memref<64x128xf32, #tpu.memory_space<vmem>>, vector<16xf32>,
        %eq3A_814 = arith.constant 0 : i32
        %eq3A_815 = vector.broadcast %eq3A_814 : i32 to vector<16xi32>
        %eq3A_816 = arith.cmpi eq, %iota3A, %eq3A_815 : vector<16xi32>
        %select_n3A_817 = arith.select %eq3A_816, %exp3A_799, %broadcast_in_dim3A_1 : vector<16xi1>, vector<16xf32>
        %get3A_818 = arith.index_cast %scan3A_741 : i32 to index
        %get3A_819 = arith.constant 32 : index
        %get3A_820 = tpu.vector_load %arg12[%get3A_818, %get3A_819] {strides = array<i32>} : memref<64x128xf32, #tpu.memory_space<vmem>>, vector<16xf32>,
        %get3A_821 = arith.index_cast %scan3A_741 : i32 to index
        %get3A_822 = arith.constant 32 : index
        %get3A_823 = tpu.vector_load %arg13[%get3A_821, %get3A_822] {strides = array<i32>} : memref<64x128xf32, #tpu.memory_space<vmem>>, vector<16xf32>,
        %mul3A_824 = arith.mulf %get3A_820, %get3A_823 : vector<16xf32>
        %jit3A_825 = arith.constant -5.000000e+00 : f32
        %jit3A_826 = arith.constant 5.000000e+00 : f32
        %max3A_827 = vector.broadcast %jit3A_825 : f32 to vector<16xf32>
        %max3A_828 = arith.maximumf %max3A_827, %mul3A_824 : vector<16xf32>
        %min3A_829 = vector.broadcast %jit3A_826 : f32 to vector<16xf32>
        %min3A_830 = arith.minimumf %min3A_829, %max3A_828 : vector<16xf32>
        %get3A_831 = arith.index_cast %scan3A_741 : i32 to index
        %get3A_832 = arith.constant 32 : index
        %get3A_833 = tpu.vector_load %arg15[%get3A_831, %get3A_832] {strides = array<i32>} : memref<64x128xf32, #tpu.memory_space<vmem>>, vector<16xf32>,
        %mul3A_834 = arith.mulf %min3A_830, %get3A_833 : vector<16xf32>
        %get3A_835 = arith.index_cast %scan3A_741 : i32 to index
        %get3A_836 = arith.constant 48 : index
        %get3A_837 = tpu.vector_load %arg12[%get3A_835, %get3A_836] {strides = array<i32>} : memref<64x128xf32, #tpu.memory_space<vmem>>, vector<16xf32>,
        %get3A_838 = arith.index_cast %scan3A_741 : i32 to index
        %get3A_839 = arith.constant 48 : index
        %get3A_840 = tpu.vector_load %arg13[%get3A_838, %get3A_839] {strides = array<i32>} : memref<64x128xf32, #tpu.memory_space<vmem>>, vector<16xf32>,
        %mul3A_841 = arith.mulf %get3A_837, %get3A_840 : vector<16xf32>
        %jit3A_842 = arith.constant -5.000000e+00 : f32
        %jit3A_843 = arith.constant 5.000000e+00 : f32
        %max3A_844 = vector.broadcast %jit3A_842 : f32 to vector<16xf32>
        %max3A_845 = arith.maximumf %max3A_844, %mul3A_841 : vector<16xf32>
        %min3A_846 = vector.broadcast %jit3A_843 : f32 to vector<16xf32>
        %min3A_847 = arith.minimumf %min3A_846, %max3A_845 : vector<16xf32>
        %get3A_848 = arith.index_cast %scan3A_741 : i32 to index
        %get3A_849 = arith.constant 48 : index
        %get3A_850 = tpu.vector_load %arg15[%get3A_848, %get3A_849] {strides = array<i32>} : memref<64x128xf32, #tpu.memory_space<vmem>>, vector<16xf32>,
        %mul3A_851 = arith.mulf %min3A_847, %get3A_850 : vector<16xf32>
        %add3A_852 = arith.addf %mul3A_834, %mul3A_851 : vector<16xf32>
        %broadcast_in_dim3A_853 = vector.shape_cast %xor3A_52 : vector<16xi32> to vector<16x1xi32>
        %gather3A_854 = vector.shape_cast %broadcast_in_dim3A_853 : vector<16x1xi32> to vector<16xi32>
        %gather3A_855 = tpu.dynamic_gather %add3A_852[%gather3A_854] in [0] : vector<16xf32>, vector<16xi32> -> vector<16xf32>
        %add3A_856 = arith.addf %add3A_852, %gather3A_855 : vector<16xf32>
        %broadcast_in_dim3A_857 = vector.shape_cast %xor3A_55 : vector<16xi32> to vector<16x1xi32>
        %gather3A_858 = vector.shape_cast %broadcast_in_dim3A_857 : vector<16x1xi32> to vector<16xi32>
        %gather3A_859 = tpu.dynamic_gather %add3A_856[%gather3A_858] in [0] : vector<16xf32>, vector<16xi32> -> vector<16xf32>
        %add3A_860 = arith.addf %add3A_856, %gather3A_859 : vector<16xf32>
        %broadcast_in_dim3A_861 = vector.shape_cast %xor3A_58 : vector<16xi32> to vector<16x1xi32>
        %gather3A_862 = vector.shape_cast %broadcast_in_dim3A_861 : vector<16x1xi32> to vector<16xi32>
        %gather3A_863 = tpu.dynamic_gather %add3A_860[%gather3A_862] in [0] : vector<16xf32>, vector<16xi32> -> vector<16xf32>
        %add3A_864 = arith.addf %add3A_860, %gather3A_863 : vector<16xf32>
        %broadcast_in_dim3A_865 = vector.shape_cast %xor3A_61 : vector<16xi32> to vector<16x1xi32>
        %gather3A_866 = vector.shape_cast %broadcast_in_dim3A_865 : vector<16x1xi32> to vector<16xi32>
        %gather3A_867 = tpu.dynamic_gather %add3A_864[%gather3A_866] in [0] : vector<16xf32>, vector<16xi32> -> vector<16xf32>
        %add3A_868 = arith.addf %add3A_864, %gather3A_867 : vector<16xf32>
        %jit3A_869 = arith.constant -5.000000e+00 : f32
        %jit3A_870 = arith.constant 5.000000e+00 : f32
        %max3A_871 = vector.broadcast %jit3A_869 : f32 to vector<16xf32>
        %max3A_872 = arith.maximumf %max3A_871, %add3A_868 : vector<16xf32>
        %min3A_873 = vector.broadcast %jit3A_870 : f32 to vector<16xf32>
        %min3A_874 = arith.minimumf %min3A_873, %max3A_872 : vector<16xf32>
        %exp3A_875 = math.exp %min3A_874 : vector<16xf32>
        %get3A_876 = arith.index_cast %scan3A_741 : i32 to index
        %get3A_877 = arith.constant 32 : index
        %get3A_878 = tpu.vector_load %arg14[%get3A_876, %get3A_877] {strides = array<i32>} : memref<64x128xf32, #tpu.memory_space<vmem>>, vector<16xf32>,
        %mul3A_879 = arith.mulf %get3A_878, %exp3A_875 : vector<16xf32>
        %swap3A_880 = arith.index_cast %scan3A_741 : i32 to index
        %swap3A_881 = arith.constant 32 : index
        %swap3A_882 = tpu.vector_load %arg13[%swap3A_880, %swap3A_881] {strides = array<i32>} : memref<64x128xf32, #tpu.memory_space<vmem>>, vector<16xf32>,
        tpu.vector_store %arg13[%swap3A_880, %swap3A_881], %mul3A_879 {strides = array<i32>} : memref<64x128xf32, #tpu.memory_space<vmem>>, vector<16xf32>,
        %get3A_883 = arith.index_cast %scan3A_741 : i32 to index
        %get3A_884 = arith.constant 48 : index
        %get3A_885 = tpu.vector_load %arg14[%get3A_883, %get3A_884] {strides = array<i32>} : memref<64x128xf32, #tpu.memory_space<vmem>>, vector<16xf32>,
        %mul3A_886 = arith.mulf %get3A_885, %exp3A_875 : vector<16xf32>
        %swap3A_887 = arith.index_cast %scan3A_741 : i32 to index
        %swap3A_888 = arith.constant 48 : index
        %swap3A_889 = tpu.vector_load %arg13[%swap3A_887, %swap3A_888] {strides = array<i32>} : memref<64x128xf32, #tpu.memory_space<vmem>>, vector<16xf32>,
        tpu.vector_store %arg13[%swap3A_887, %swap3A_888], %mul3A_886 {strides = array<i32>} : memref<64x128xf32, #tpu.memory_space<vmem>>, vector<16xf32>,
        %eq3A_890 = arith.constant 1 : i32
        %eq3A_891 = vector.broadcast %eq3A_890 : i32 to vector<16xi32>
        %eq3A_892 = arith.cmpi eq, %iota3A, %eq3A_891 : vector<16xi32>
        %select_n3A_893 = arith.select %eq3A_892, %exp3A_875, %select_n3A_817 : vector<16xi1>, vector<16xf32>
        %get3A_894 = arith.index_cast %scan3A_741 : i32 to index
        %get3A_895 = arith.constant 64 : index
        %get3A_896 = tpu.vector_load %arg12[%get3A_894, %get3A_895] {strides = array<i32>} : memref<64x128xf32, #tpu.memory_space<vmem>>, vector<16xf32>,
        %get3A_897 = arith.index_cast %scan3A_741 : i32 to index
        %get3A_898 = arith.constant 64 : index
        %get3A_899 = tpu.vector_load %arg13[%get3A_897, %get3A_898] {strides = array<i32>} : memref<64x128xf32, #tpu.memory_space<vmem>>, vector<16xf32>,
        %mul3A_900 = arith.mulf %get3A_896, %get3A_899 : vector<16xf32>
        %jit3A_901 = arith.constant -5.000000e+00 : f32
        %jit3A_902 = arith.constant 5.000000e+00 : f32
        %max3A_903 = vector.broadcast %jit3A_901 : f32 to vector<16xf32>
        %max3A_904 = arith.maximumf %max3A_903, %mul3A_900 : vector<16xf32>
        %min3A_905 = vector.broadcast %jit3A_902 : f32 to vector<16xf32>
        %min3A_906 = arith.minimumf %min3A_905, %max3A_904 : vector<16xf32>
        %get3A_907 = arith.index_cast %scan3A_741 : i32 to index
        %get3A_908 = arith.constant 64 : index
        %get3A_909 = tpu.vector_load %arg15[%get3A_907, %get3A_908] {strides = array<i32>} : memref<64x128xf32, #tpu.memory_space<vmem>>, vector<16xf32>,
        %mul3A_910 = arith.mulf %min3A_906, %get3A_909 : vector<16xf32>
        %get3A_911 = arith.index_cast %scan3A_741 : i32 to index
        %get3A_912 = arith.constant 80 : index
        %get3A_913 = tpu.vector_load %arg12[%get3A_911, %get3A_912] {strides = array<i32>} : memref<64x128xf32, #tpu.memory_space<vmem>>, vector<16xf32>,
        %get3A_914 = arith.index_cast %scan3A_741 : i32 to index
        %get3A_915 = arith.constant 80 : index
        %get3A_916 = tpu.vector_load %arg13[%get3A_914, %get3A_915] {strides = array<i32>} : memref<64x128xf32, #tpu.memory_space<vmem>>, vector<16xf32>,
        %mul3A_917 = arith.mulf %get3A_913, %get3A_916 : vector<16xf32>
        %jit3A_918 = arith.constant -5.000000e+00 : f32
        %jit3A_919 = arith.constant 5.000000e+00 : f32
        %max3A_920 = vector.broadcast %jit3A_918 : f32 to vector<16xf32>
        %max3A_921 = arith.maximumf %max3A_920, %mul3A_917 : vector<16xf32>
        %min3A_922 = vector.broadcast %jit3A_919 : f32 to vector<16xf32>
        %min3A_923 = arith.minimumf %min3A_922, %max3A_921 : vector<16xf32>
        %get3A_924 = arith.index_cast %scan3A_741 : i32 to index
        %get3A_925 = arith.constant 80 : index
        %get3A_926 = tpu.vector_load %arg15[%get3A_924, %get3A_925] {strides = array<i32>} : memref<64x128xf32, #tpu.memory_space<vmem>>, vector<16xf32>,
        %mul3A_927 = arith.mulf %min3A_923, %get3A_926 : vector<16xf32>
        %add3A_928 = arith.addf %mul3A_910, %mul3A_927 : vector<16xf32>
        %broadcast_in_dim3A_929 = vector.shape_cast %xor3A_52 : vector<16xi32> to vector<16x1xi32>
        %gather3A_930 = vector.shape_cast %broadcast_in_dim3A_929 : vector<16x1xi32> to vector<16xi32>
        %gather3A_931 = tpu.dynamic_gather %add3A_928[%gather3A_930] in [0] : vector<16xf32>, vector<16xi32> -> vector<16xf32>
        %add3A_932 = arith.addf %add3A_928, %gather3A_931 : vector<16xf32>
        %broadcast_in_dim3A_933 = vector.shape_cast %xor3A_55 : vector<16xi32> to vector<16x1xi32>
        %gather3A_934 = vector.shape_cast %broadcast_in_dim3A_933 : vector<16x1xi32> to vector<16xi32>
        %gather3A_935 = tpu.dynamic_gather %add3A_932[%gather3A_934] in [0] : vector<16xf32>, vector<16xi32> -> vector<16xf32>
        %add3A_936 = arith.addf %add3A_932, %gather3A_935 : vector<16xf32>
        %broadcast_in_dim3A_937 = vector.shape_cast %xor3A_58 : vector<16xi32> to vector<16x1xi32>
        %gather3A_938 = vector.shape_cast %broadcast_in_dim3A_937 : vector<16x1xi32> to vector<16xi32>
        %gather3A_939 = tpu.dynamic_gather %add3A_936[%gather3A_938] in [0] : vector<16xf32>, vector<16xi32> -> vector<16xf32>
        %add3A_940 = arith.addf %add3A_936, %gather3A_939 : vector<16xf32>
        %broadcast_in_dim3A_941 = vector.shape_cast %xor3A_61 : vector<16xi32> to vector<16x1xi32>
        %gather3A_942 = vector.shape_cast %broadcast_in_dim3A_941 : vector<16x1xi32> to vector<16xi32>
        %gather3A_943 = tpu.dynamic_gather %add3A_940[%gather3A_942] in [0] : vector<16xf32>, vector<16xi32> -> vector<16xf32>
        %add3A_944 = arith.addf %add3A_940, %gather3A_943 : vector<16xf32>
        %jit3A_945 = arith.constant -5.000000e+00 : f32
        %jit3A_946 = arith.constant 5.000000e+00 : f32
        %max3A_947 = vector.broadcast %jit3A_945 : f32 to vector<16xf32>
        %max3A_948 = arith.maximumf %max3A_947, %add3A_944 : vector<16xf32>
        %min3A_949 = vector.broadcast %jit3A_946 : f32 to vector<16xf32>
        %min3A_950 = arith.minimumf %min3A_949, %max3A_948 : vector<16xf32>
        %exp3A_951 = math.exp %min3A_950 : vector<16xf32>
        %get3A_952 = arith.index_cast %scan3A_741 : i32 to index
        %get3A_953 = arith.constant 64 : index
        %get3A_954 = tpu.vector_load %arg14[%get3A_952, %get3A_953] {strides = array<i32>} : memref<64x128xf32, #tpu.memory_space<vmem>>, vector<16xf32>,
        %mul3A_955 = arith.mulf %get3A_954, %exp3A_951 : vector<16xf32>
        %swap3A_956 = arith.index_cast %scan3A_741 : i32 to index
        %swap3A_957 = arith.constant 64 : index
        %swap3A_958 = tpu.vector_load %arg13[%swap3A_956, %swap3A_957] {strides = array<i32>} : memref<64x128xf32, #tpu.memory_space<vmem>>, vector<16xf32>,
        tpu.vector_store %arg13[%swap3A_956, %swap3A_957], %mul3A_955 {strides = array<i32>} : memref<64x128xf32, #tpu.memory_space<vmem>>, vector<16xf32>,
        %get3A_959 = arith.index_cast %scan3A_741 : i32 to index
        %get3A_960 = arith.constant 80 : index
        %get3A_961 = tpu.vector_load %arg14[%get3A_959, %get3A_960] {strides = array<i32>} : memref<64x128xf32, #tpu.memory_space<vmem>>, vector<16xf32>,
        %mul3A_962 = arith.mulf %get3A_961, %exp3A_951 : vector<16xf32>
        %swap3A_963 = arith.index_cast %scan3A_741 : i32 to index
        %swap3A_964 = arith.constant 80 : index
        %swap3A_965 = tpu.vector_load %arg13[%swap3A_963, %swap3A_964] {strides = array<i32>} : memref<64x128xf32, #tpu.memory_space<vmem>>, vector<16xf32>,
        tpu.vector_store %arg13[%swap3A_963, %swap3A_964], %mul3A_962 {strides = array<i32>} : memref<64x128xf32, #tpu.memory_space<vmem>>, vector<16xf32>,
        %eq3A_966 = arith.constant 2 : i32
        %eq3A_967 = vector.broadcast %eq3A_966 : i32 to vector<16xi32>
        %eq3A_968 = arith.cmpi eq, %iota3A, %eq3A_967 : vector<16xi32>
        %select_n3A_969 = arith.select %eq3A_968, %exp3A_951, %select_n3A_893 : vector<16xi1>, vector<16xf32>
        %get3A_970 = arith.index_cast %scan3A_741 : i32 to index
        %get3A_971 = arith.constant 96 : index
        %get3A_972 = tpu.vector_load %arg12[%get3A_970, %get3A_971] {strides = array<i32>} : memref<64x128xf32, #tpu.memory_space<vmem>>, vector<16xf32>,
        %get3A_973 = arith.index_cast %scan3A_741 : i32 to index
        %get3A_974 = arith.constant 96 : index
        %get3A_975 = tpu.vector_load %arg13[%get3A_973, %get3A_974] {strides = array<i32>} : memref<64x128xf32, #tpu.memory_space<vmem>>, vector<16xf32>,
        %mul3A_976 = arith.mulf %get3A_972, %get3A_975 : vector<16xf32>
        %jit3A_977 = arith.constant -5.000000e+00 : f32
        %jit3A_978 = arith.constant 5.000000e+00 : f32
        %max3A_979 = vector.broadcast %jit3A_977 : f32 to vector<16xf32>
        %max3A_980 = arith.maximumf %max3A_979, %mul3A_976 : vector<16xf32>
        %min3A_981 = vector.broadcast %jit3A_978 : f32 to vector<16xf32>
        %min3A_982 = arith.minimumf %min3A_981, %max3A_980 : vector<16xf32>
        %get3A_983 = arith.index_cast %scan3A_741 : i32 to index
        %get3A_984 = arith.constant 96 : index
        %get3A_985 = tpu.vector_load %arg15[%get3A_983, %get3A_984] {strides = array<i32>} : memref<64x128xf32, #tpu.memory_space<vmem>>, vector<16xf32>,
        %mul3A_986 = arith.mulf %min3A_982, %get3A_985 : vector<16xf32>
        %get3A_987 = arith.index_cast %scan3A_741 : i32 to index
        %get3A_988 = arith.constant 112 : index
        %get3A_989 = tpu.vector_load %arg12[%get3A_987, %get3A_988] {strides = array<i32>} : memref<64x128xf32, #tpu.memory_space<vmem>>, vector<16xf32>,
        %get3A_990 = arith.index_cast %scan3A_741 : i32 to index
        %get3A_991 = arith.constant 112 : index
        %get3A_992 = tpu.vector_load %arg13[%get3A_990, %get3A_991] {strides = array<i32>} : memref<64x128xf32, #tpu.memory_space<vmem>>, vector<16xf32>,
        %mul3A_993 = arith.mulf %get3A_989, %get3A_992 : vector<16xf32>
        %jit3A_994 = arith.constant -5.000000e+00 : f32
        %jit3A_995 = arith.constant 5.000000e+00 : f32
        %max3A_996 = vector.broadcast %jit3A_994 : f32 to vector<16xf32>
        %max3A_997 = arith.maximumf %max3A_996, %mul3A_993 : vector<16xf32>
        %min3A_998 = vector.broadcast %jit3A_995 : f32 to vector<16xf32>
        %min3A_999 = arith.minimumf %min3A_998, %max3A_997 : vector<16xf32>
        %get3A_1000 = arith.index_cast %scan3A_741 : i32 to index
        %get3A_1001 = arith.constant 112 : index
        %get3A_1002 = tpu.vector_load %arg15[%get3A_1000, %get3A_1001] {strides = array<i32>} : memref<64x128xf32, #tpu.memory_space<vmem>>, vector<16xf32>,
        %mul3A_1003 = arith.mulf %min3A_999, %get3A_1002 : vector<16xf32>
        %add3A_1004 = arith.addf %mul3A_986, %mul3A_1003 : vector<16xf32>
        %broadcast_in_dim3A_1005 = vector.shape_cast %xor3A_52 : vector<16xi32> to vector<16x1xi32>
        %gather3A_1006 = vector.shape_cast %broadcast_in_dim3A_1005 : vector<16x1xi32> to vector<16xi32>
        %gather3A_1007 = tpu.dynamic_gather %add3A_1004[%gather3A_1006] in [0] : vector<16xf32>, vector<16xi32> -> vector<16xf32>
        %add3A_1008 = arith.addf %add3A_1004, %gather3A_1007 : vector<16xf32>
        %broadcast_in_dim3A_1009 = vector.shape_cast %xor3A_55 : vector<16xi32> to vector<16x1xi32>
        %gather3A_1010 = vector.shape_cast %broadcast_in_dim3A_1009 : vector<16x1xi32> to vector<16xi32>
        %gather3A_1011 = tpu.dynamic_gather %add3A_1008[%gather3A_1010] in [0] : vector<16xf32>, vector<16xi32> -> vector<16xf32>
        %add3A_1012 = arith.addf %add3A_1008, %gather3A_1011 : vector<16xf32>
        %broadcast_in_dim3A_1013 = vector.shape_cast %xor3A_58 : vector<16xi32> to vector<16x1xi32>
        %gather3A_1014 = vector.shape_cast %broadcast_in_dim3A_1013 : vector<16x1xi32> to vector<16xi32>
        %gather3A_1015 = tpu.dynamic_gather %add3A_1012[%gather3A_1014] in [0] : vector<16xf32>, vector<16xi32> -> vector<16xf32>
        %add3A_1016 = arith.addf %add3A_1012, %gather3A_1015 : vector<16xf32>
        %broadcast_in_dim3A_1017 = vector.shape_cast %xor3A_61 : vector<16xi32> to vector<16x1xi32>
        %gather3A_1018 = vector.shape_cast %broadcast_in_dim3A_1017 : vector<16x1xi32> to vector<16xi32>
        %gather3A_1019 = tpu.dynamic_gather %add3A_1016[%gather3A_1018] in [0] : vector<16xf32>, vector<16xi32> -> vector<16xf32>
        %add3A_1020 = arith.addf %add3A_1016, %gather3A_1019 : vector<16xf32>
        %jit3A_1021 = arith.constant -5.000000e+00 : f32
        %jit3A_1022 = arith.constant 5.000000e+00 : f32
        %max3A_1023 = vector.broadcast %jit3A_1021 : f32 to vector<16xf32>
        %max3A_1024 = arith.maximumf %max3A_1023, %add3A_1020 : vector<16xf32>
        %min3A_1025 = vector.broadcast %jit3A_1022 : f32 to vector<16xf32>
        %min3A_1026 = arith.minimumf %min3A_1025, %max3A_1024 : vector<16xf32>
        %exp3A_1027 = math.exp %min3A_1026 : vector<16xf32>
        %get3A_1028 = arith.index_cast %scan3A_741 : i32 to index
        %get3A_1029 = arith.constant 96 : index
        %get3A_1030 = tpu.vector_load %arg14[%get3A_1028, %get3A_1029] {strides = array<i32>} : memref<64x128xf32, #tpu.memory_space<vmem>>, vector<16xf32>,
        %mul3A_1031 = arith.mulf %get3A_1030, %exp3A_1027 : vector<16xf32>
        %swap3A_1032 = arith.index_cast %scan3A_741 : i32 to index
        %swap3A_1033 = arith.constant 96 : index
        %swap3A_1034 = tpu.vector_load %arg13[%swap3A_1032, %swap3A_1033] {strides = array<i32>} : memref<64x128xf32, #tpu.memory_space<vmem>>, vector<16xf32>,
        tpu.vector_store %arg13[%swap3A_1032, %swap3A_1033], %mul3A_1031 {strides = array<i32>} : memref<64x128xf32, #tpu.memory_space<vmem>>, vector<16xf32>,
        %get3A_1035 = arith.index_cast %scan3A_741 : i32 to index
        %get3A_1036 = arith.constant 112 : index
        %get3A_1037 = tpu.vector_load %arg14[%get3A_1035, %get3A_1036] {strides = array<i32>} : memref<64x128xf32, #tpu.memory_space<vmem>>, vector<16xf32>,
        %mul3A_1038 = arith.mulf %get3A_1037, %exp3A_1027 : vector<16xf32>
        %swap3A_1039 = arith.index_cast %scan3A_741 : i32 to index
        %swap3A_1040 = arith.constant 112 : index
        %swap3A_1041 = tpu.vector_load %arg13[%swap3A_1039, %swap3A_1040] {strides = array<i32>} : memref<64x128xf32, #tpu.memory_space<vmem>>, vector<16xf32>,
        tpu.vector_store %arg13[%swap3A_1039, %swap3A_1040], %mul3A_1038 {strides = array<i32>} : memref<64x128xf32, #tpu.memory_space<vmem>>, vector<16xf32>,
        %eq3A_1042 = arith.constant 3 : i32
        %eq3A_1043 = vector.broadcast %eq3A_1042 : i32 to vector<16xi32>
        %eq3A_1044 = arith.cmpi eq, %iota3A, %eq3A_1043 : vector<16xi32>
        %select_n3A_1045 = arith.select %eq3A_1044, %exp3A_1027, %select_n3A_969 : vector<16xi1>, vector<16xf32>
        %swap3A_1046 = arith.index_cast %scan3A_741 : i32 to index
        %swap3A_1047 = arith.constant 0 : index
        %swap3A_1048 = tpu.vector_load %arg14[%swap3A_1046, %swap3A_1047] {strides = array<i32>} : memref<64x128xf32, #tpu.memory_space<vmem>>, vector<16xf32>,
        tpu.vector_store %arg14[%swap3A_1046, %swap3A_1047], %select_n3A_1045 {strides = array<i32>} : memref<64x128xf32, #tpu.memory_space<vmem>>, vector<16xf32>,
      }
      %scan3A_259 = arith.constant 64 : i32
      %scan3A_260 = arith.constant 0 : i32
      %scan3A_261 = arith.constant 0 : i32
      %scan3A_262 = arith.constant 64 : i32
      %scan3A_263 = arith.addi %scan3A_261, %scan3A_262 : i32
      %scan3A_264 = arith.constant 1 : i32
      scf.for %scan3A_438 = %scan3A_261 to %scan3A_263 step %scan3A_264  : i32 {
        %swap3A_439 = arith.index_cast %scan3A_438 : i32 to index
        %swap3A_440 = arith.constant 0 : index
        %swap3A_441 = tpu.vector_load %arg12[%swap3A_439, %swap3A_440] {strides = array<i32>} : memref<64x128xf32, #tpu.memory_space<vmem>>, vector<16xf32>,
        tpu.vector_store %arg12[%swap3A_439, %swap3A_440], %broadcast_in_dim3A_1 {strides = array<i32>} : memref<64x128xf32, #tpu.memory_space<vmem>>, vector<16xf32>,
        %swap3A_442 = arith.index_cast %scan3A_438 : i32 to index
        %swap3A_443 = arith.constant 16 : index
        %swap3A_444 = tpu.vector_load %arg12[%swap3A_442, %swap3A_443] {strides = array<i32>} : memref<64x128xf32, #tpu.memory_space<vmem>>, vector<16xf32>,
        tpu.vector_store %arg12[%swap3A_442, %swap3A_443], %broadcast_in_dim3A_1 {strides = array<i32>} : memref<64x128xf32, #tpu.memory_space<vmem>>, vector<16xf32>,
        %swap3A_445 = arith.index_cast %scan3A_438 : i32 to index
        %swap3A_446 = arith.constant 32 : index
        %swap3A_447 = tpu.vector_load %arg12[%swap3A_445, %swap3A_446] {strides = array<i32>} : memref<64x128xf32, #tpu.memory_space<vmem>>, vector<16xf32>,
        tpu.vector_store %arg12[%swap3A_445, %swap3A_446], %broadcast_in_dim3A_1 {strides = array<i32>} : memref<64x128xf32, #tpu.memory_space<vmem>>, vector<16xf32>,
        %swap3A_448 = arith.index_cast %scan3A_438 : i32 to index
        %swap3A_449 = arith.constant 48 : index
        %swap3A_450 = tpu.vector_load %arg12[%swap3A_448, %swap3A_449] {strides = array<i32>} : memref<64x128xf32, #tpu.memory_space<vmem>>, vector<16xf32>,
        tpu.vector_store %arg12[%swap3A_448, %swap3A_449], %broadcast_in_dim3A_1 {strides = array<i32>} : memref<64x128xf32, #tpu.memory_space<vmem>>, vector<16xf32>,
        %swap3A_451 = arith.index_cast %scan3A_438 : i32 to index
        %swap3A_452 = arith.constant 64 : index
        %swap3A_453 = tpu.vector_load %arg12[%swap3A_451, %swap3A_452] {strides = array<i32>} : memref<64x128xf32, #tpu.memory_space<vmem>>, vector<16xf32>,
        tpu.vector_store %arg12[%swap3A_451, %swap3A_452], %broadcast_in_dim3A_1 {strides = array<i32>} : memref<64x128xf32, #tpu.memory_space<vmem>>, vector<16xf32>,
        %swap3A_454 = arith.index_cast %scan3A_438 : i32 to index
        %swap3A_455 = arith.constant 80 : index
        %swap3A_456 = tpu.vector_load %arg12[%swap3A_454, %swap3A_455] {strides = array<i32>} : memref<64x128xf32, #tpu.memory_space<vmem>>, vector<16xf32>,
        tpu.vector_store %arg12[%swap3A_454, %swap3A_455], %broadcast_in_dim3A_1 {strides = array<i32>} : memref<64x128xf32, #tpu.memory_space<vmem>>, vector<16xf32>,
        %swap3A_457 = arith.index_cast %scan3A_438 : i32 to index
        %swap3A_458 = arith.constant 96 : index
        %swap3A_459 = tpu.vector_load %arg12[%swap3A_457, %swap3A_458] {strides = array<i32>} : memref<64x128xf32, #tpu.memory_space<vmem>>, vector<16xf32>,
        tpu.vector_store %arg12[%swap3A_457, %swap3A_458], %broadcast_in_dim3A_1 {strides = array<i32>} : memref<64x128xf32, #tpu.memory_space<vmem>>, vector<16xf32>,
        %swap3A_460 = arith.index_cast %scan3A_438 : i32 to index
        %swap3A_461 = arith.constant 112 : index
        %swap3A_462 = tpu.vector_load %arg12[%swap3A_460, %swap3A_461] {strides = array<i32>} : memref<64x128xf32, #tpu.memory_space<vmem>>, vector<16xf32>,
        tpu.vector_store %arg12[%swap3A_460, %swap3A_461], %broadcast_in_dim3A_1 {strides = array<i32>} : memref<64x128xf32, #tpu.memory_space<vmem>>, vector<16xf32>,
      }
      %scan3A_265 = arith.constant 64 : i32
      %get3A = arith.constant 0 : index
      %get3A_266 = tpu.vector_load %arg10[%get3A] {strides = array<i32>} : memref<64xi32, #tpu.memory_space<vmem>>, vector<16xi32>,
      %add3A_267 = arith.constant 0 : i32
      %add3A_268 = vector.broadcast %add3A_267 : i32 to vector<16xi32>
      %add3A_269 = arith.addi %iota3A, %add3A_268 : vector<16xi32>
      %shift_right_logical3A = arith.constant 5 : i32
      %shift_right_logical3A_270 = vector.broadcast %shift_right_logical3A : i32 to vector<16xi32>
      %shift_right_logical3A_271 = arith.shrui %get3A_266, %shift_right_logical3A_270 : vector<16xi32>
      %add3A_272 = arith.constant 10240 : i32
      %add3A_273 = vector.broadcast %add3A_272 : i32 to vector<16xi32>
      %add3A_274 = arith.addi %add3A_273, %shift_right_logical3A_271 : vector<16xi32>
      %swap3A = arith.constant 0 : index
      %swap3A_275 = tpu.vector_load %arg11[%swap3A] {strides = array<i32>} : memref<64xi32, #tpu.memory_space<vmem>>, vector<16xi32>,
      tpu.vector_store %arg11[%swap3A], %add3A_274 {strides = array<i32>} : memref<64xi32, #tpu.memory_space<vmem>>, vector<16xi32>,
      %and3A = arith.constant 31 : i32
      %and3A_276 = vector.broadcast %and3A : i32 to vector<16xi32>
      %and3A_277 = arith.andi %get3A_266, %and3A_276 : vector<16xi32>
      %shift_left3A = arith.constant 2 : i32
      %shift_left3A_278 = vector.broadcast %shift_left3A : i32 to vector<16xi32>
      %shift_left3A_279 = arith.shli %and3A_277, %shift_left3A_278 : vector<16xi32>
      %broadcast_in_dim3A_280 = arith.constant 0 : i32
      %broadcast_in_dim3A_281 = vector.broadcast %broadcast_in_dim3A_280 : i32 to vector<16xi32>
      %gather3A = tpu.vector_load_idx %arg14[%add3A_269, %broadcast_in_dim3A_281] : memref<64x128xf32, #tpu.memory_space<vmem>>[vector<16xi32>, vector<16xi32>], vector<16xf32>,
      %add3A_282 = arith.constant 0 : i32
      %add3A_283 = vector.broadcast %add3A_282 : i32 to vector<16xi32>
      %add3A_284 = arith.addi %shift_left3A_279, %add3A_283 : vector<16xi32>
      tpu.vector_store_idx %arg12[%add3A_269, %add3A_284], %gather3A : memref<64x128xf32, #tpu.memory_space<vmem>>[vector<16xi32>, vector<16xi32>], vector<16xf32>,
      %broadcast_in_dim3A_285 = arith.constant 1 : i32
      %broadcast_in_dim3A_286 = vector.broadcast %broadcast_in_dim3A_285 : i32 to vector<16xi32>
      %gather3A_287 = tpu.vector_load_idx %arg14[%add3A_269, %broadcast_in_dim3A_286] : memref<64x128xf32, #tpu.memory_space<vmem>>[vector<16xi32>, vector<16xi32>], vector<16xf32>,
      %add3A_288 = arith.constant 1 : i32
      %add3A_289 = vector.broadcast %add3A_288 : i32 to vector<16xi32>
      %add3A_290 = arith.addi %shift_left3A_279, %add3A_289 : vector<16xi32>
      tpu.vector_store_idx %arg12[%add3A_269, %add3A_290], %gather3A_287 : memref<64x128xf32, #tpu.memory_space<vmem>>[vector<16xi32>, vector<16xi32>], vector<16xf32>,
      %broadcast_in_dim3A_291 = arith.constant 2 : i32
      %broadcast_in_dim3A_292 = vector.broadcast %broadcast_in_dim3A_291 : i32 to vector<16xi32>
      %gather3A_293 = tpu.vector_load_idx %arg14[%add3A_269, %broadcast_in_dim3A_292] : memref<64x128xf32, #tpu.memory_space<vmem>>[vector<16xi32>, vector<16xi32>], vector<16xf32>,
      %add3A_294 = arith.constant 2 : i32
      %add3A_295 = vector.broadcast %add3A_294 : i32 to vector<16xi32>
      %add3A_296 = arith.addi %shift_left3A_279, %add3A_295 : vector<16xi32>
      tpu.vector_store_idx %arg12[%add3A_269, %add3A_296], %gather3A_293 : memref<64x128xf32, #tpu.memory_space<vmem>>[vector<16xi32>, vector<16xi32>], vector<16xf32>,
      %broadcast_in_dim3A_297 = arith.constant 3 : i32
      %broadcast_in_dim3A_298 = vector.broadcast %broadcast_in_dim3A_297 : i32 to vector<16xi32>
      %gather3A_299 = tpu.vector_load_idx %arg14[%add3A_269, %broadcast_in_dim3A_298] : memref<64x128xf32, #tpu.memory_space<vmem>>[vector<16xi32>, vector<16xi32>], vector<16xf32>,
      %add3A_300 = arith.constant 3 : i32
      %add3A_301 = vector.broadcast %add3A_300 : i32 to vector<16xi32>
      %add3A_302 = arith.addi %shift_left3A_279, %add3A_301 : vector<16xi32>
      tpu.vector_store_idx %arg12[%add3A_269, %add3A_302], %gather3A_299 : memref<64x128xf32, #tpu.memory_space<vmem>>[vector<16xi32>, vector<16xi32>], vector<16xf32>,
      %get3A_303 = arith.constant 16 : index
      %get3A_304 = tpu.vector_load %arg10[%get3A_303] {strides = array<i32>} : memref<64xi32, #tpu.memory_space<vmem>>, vector<16xi32>,
      %add3A_305 = arith.constant 16 : i32
      %add3A_306 = vector.broadcast %add3A_305 : i32 to vector<16xi32>
      %add3A_307 = arith.addi %iota3A, %add3A_306 : vector<16xi32>
      %shift_right_logical3A_308 = arith.constant 5 : i32
      %shift_right_logical3A_309 = vector.broadcast %shift_right_logical3A_308 : i32 to vector<16xi32>
      %shift_right_logical3A_310 = arith.shrui %get3A_304, %shift_right_logical3A_309 : vector<16xi32>
      %add3A_311 = arith.constant 10240 : i32
      %add3A_312 = vector.broadcast %add3A_311 : i32 to vector<16xi32>
      %add3A_313 = arith.addi %add3A_312, %shift_right_logical3A_310 : vector<16xi32>
      %swap3A_314 = arith.constant 16 : index
      %swap3A_315 = tpu.vector_load %arg11[%swap3A_314] {strides = array<i32>} : memref<64xi32, #tpu.memory_space<vmem>>, vector<16xi32>,
      tpu.vector_store %arg11[%swap3A_314], %add3A_313 {strides = array<i32>} : memref<64xi32, #tpu.memory_space<vmem>>, vector<16xi32>,
      %and3A_316 = arith.constant 31 : i32
      %and3A_317 = vector.broadcast %and3A_316 : i32 to vector<16xi32>
      %and3A_318 = arith.andi %get3A_304, %and3A_317 : vector<16xi32>
      %shift_left3A_319 = arith.constant 2 : i32
      %shift_left3A_320 = vector.broadcast %shift_left3A_319 : i32 to vector<16xi32>
      %shift_left3A_321 = arith.shli %and3A_318, %shift_left3A_320 : vector<16xi32>
      %broadcast_in_dim3A_322 = arith.constant 0 : i32
      %broadcast_in_dim3A_323 = vector.broadcast %broadcast_in_dim3A_322 : i32 to vector<16xi32>
      %gather3A_324 = tpu.vector_load_idx %arg14[%add3A_307, %broadcast_in_dim3A_323] : memref<64x128xf32, #tpu.memory_space<vmem>>[vector<16xi32>, vector<16xi32>], vector<16xf32>,
      %add3A_325 = arith.constant 0 : i32
      %add3A_326 = vector.broadcast %add3A_325 : i32 to vector<16xi32>
      %add3A_327 = arith.addi %shift_left3A_321, %add3A_326 : vector<16xi32>
      tpu.vector_store_idx %arg12[%add3A_307, %add3A_327], %gather3A_324 : memref<64x128xf32, #tpu.memory_space<vmem>>[vector<16xi32>, vector<16xi32>], vector<16xf32>,
      %broadcast_in_dim3A_328 = arith.constant 1 : i32
      %broadcast_in_dim3A_329 = vector.broadcast %broadcast_in_dim3A_328 : i32 to vector<16xi32>
      %gather3A_330 = tpu.vector_load_idx %arg14[%add3A_307, %broadcast_in_dim3A_329] : memref<64x128xf32, #tpu.memory_space<vmem>>[vector<16xi32>, vector<16xi32>], vector<16xf32>,
      %add3A_331 = arith.constant 1 : i32
      %add3A_332 = vector.broadcast %add3A_331 : i32 to vector<16xi32>
      %add3A_333 = arith.addi %shift_left3A_321, %add3A_332 : vector<16xi32>
      tpu.vector_store_idx %arg12[%add3A_307, %add3A_333], %gather3A_330 : memref<64x128xf32, #tpu.memory_space<vmem>>[vector<16xi32>, vector<16xi32>], vector<16xf32>,
      %broadcast_in_dim3A_334 = arith.constant 2 : i32
      %broadcast_in_dim3A_335 = vector.broadcast %broadcast_in_dim3A_334 : i32 to vector<16xi32>
      %gather3A_336 = tpu.vector_load_idx %arg14[%add3A_307, %broadcast_in_dim3A_335] : memref<64x128xf32, #tpu.memory_space<vmem>>[vector<16xi32>, vector<16xi32>], vector<16xf32>,
      %add3A_337 = arith.constant 2 : i32
      %add3A_338 = vector.broadcast %add3A_337 : i32 to vector<16xi32>
      %add3A_339 = arith.addi %shift_left3A_321, %add3A_338 : vector<16xi32>
      tpu.vector_store_idx %arg12[%add3A_307, %add3A_339], %gather3A_336 : memref<64x128xf32, #tpu.memory_space<vmem>>[vector<16xi32>, vector<16xi32>], vector<16xf32>,
      %broadcast_in_dim3A_340 = arith.constant 3 : i32
      %broadcast_in_dim3A_341 = vector.broadcast %broadcast_in_dim3A_340 : i32 to vector<16xi32>
      %gather3A_342 = tpu.vector_load_idx %arg14[%add3A_307, %broadcast_in_dim3A_341] : memref<64x128xf32, #tpu.memory_space<vmem>>[vector<16xi32>, vector<16xi32>], vector<16xf32>,
      %add3A_343 = arith.constant 3 : i32
      %add3A_344 = vector.broadcast %add3A_343 : i32 to vector<16xi32>
      %add3A_345 = arith.addi %shift_left3A_321, %add3A_344 : vector<16xi32>
      tpu.vector_store_idx %arg12[%add3A_307, %add3A_345], %gather3A_342 : memref<64x128xf32, #tpu.memory_space<vmem>>[vector<16xi32>, vector<16xi32>], vector<16xf32>,
      %get3A_346 = arith.constant 32 : index
      %get3A_347 = tpu.vector_load %arg10[%get3A_346] {strides = array<i32>} : memref<64xi32, #tpu.memory_space<vmem>>, vector<16xi32>,
      %add3A_348 = arith.constant 32 : i32
      %add3A_349 = vector.broadcast %add3A_348 : i32 to vector<16xi32>
      %add3A_350 = arith.addi %iota3A, %add3A_349 : vector<16xi32>
      %shift_right_logical3A_351 = arith.constant 5 : i32
      %shift_right_logical3A_352 = vector.broadcast %shift_right_logical3A_351 : i32 to vector<16xi32>
      %shift_right_logical3A_353 = arith.shrui %get3A_347, %shift_right_logical3A_352 : vector<16xi32>
      %add3A_354 = arith.constant 10240 : i32
      %add3A_355 = vector.broadcast %add3A_354 : i32 to vector<16xi32>
      %add3A_356 = arith.addi %add3A_355, %shift_right_logical3A_353 : vector<16xi32>
      %swap3A_357 = arith.constant 32 : index
      %swap3A_358 = tpu.vector_load %arg11[%swap3A_357] {strides = array<i32>} : memref<64xi32, #tpu.memory_space<vmem>>, vector<16xi32>,
      tpu.vector_store %arg11[%swap3A_357], %add3A_356 {strides = array<i32>} : memref<64xi32, #tpu.memory_space<vmem>>, vector<16xi32>,
      %and3A_359 = arith.constant 31 : i32
      %and3A_360 = vector.broadcast %and3A_359 : i32 to vector<16xi32>
      %and3A_361 = arith.andi %get3A_347, %and3A_360 : vector<16xi32>
      %shift_left3A_362 = arith.constant 2 : i32
      %shift_left3A_363 = vector.broadcast %shift_left3A_362 : i32 to vector<16xi32>
      %shift_left3A_364 = arith.shli %and3A_361, %shift_left3A_363 : vector<16xi32>
      %broadcast_in_dim3A_365 = arith.constant 0 : i32
      %broadcast_in_dim3A_366 = vector.broadcast %broadcast_in_dim3A_365 : i32 to vector<16xi32>
      %gather3A_367 = tpu.vector_load_idx %arg14[%add3A_350, %broadcast_in_dim3A_366] : memref<64x128xf32, #tpu.memory_space<vmem>>[vector<16xi32>, vector<16xi32>], vector<16xf32>,
      %add3A_368 = arith.constant 0 : i32
      %add3A_369 = vector.broadcast %add3A_368 : i32 to vector<16xi32>
      %add3A_370 = arith.addi %shift_left3A_364, %add3A_369 : vector<16xi32>
      tpu.vector_store_idx %arg12[%add3A_350, %add3A_370], %gather3A_367 : memref<64x128xf32, #tpu.memory_space<vmem>>[vector<16xi32>, vector<16xi32>], vector<16xf32>,
      %broadcast_in_dim3A_371 = arith.constant 1 : i32
      %broadcast_in_dim3A_372 = vector.broadcast %broadcast_in_dim3A_371 : i32 to vector<16xi32>
      %gather3A_373 = tpu.vector_load_idx %arg14[%add3A_350, %broadcast_in_dim3A_372] : memref<64x128xf32, #tpu.memory_space<vmem>>[vector<16xi32>, vector<16xi32>], vector<16xf32>,
      %add3A_374 = arith.constant 1 : i32
      %add3A_375 = vector.broadcast %add3A_374 : i32 to vector<16xi32>
      %add3A_376 = arith.addi %shift_left3A_364, %add3A_375 : vector<16xi32>
      tpu.vector_store_idx %arg12[%add3A_350, %add3A_376], %gather3A_373 : memref<64x128xf32, #tpu.memory_space<vmem>>[vector<16xi32>, vector<16xi32>], vector<16xf32>,
      %broadcast_in_dim3A_377 = arith.constant 2 : i32
      %broadcast_in_dim3A_378 = vector.broadcast %broadcast_in_dim3A_377 : i32 to vector<16xi32>
      %gather3A_379 = tpu.vector_load_idx %arg14[%add3A_350, %broadcast_in_dim3A_378] : memref<64x128xf32, #tpu.memory_space<vmem>>[vector<16xi32>, vector<16xi32>], vector<16xf32>,
      %add3A_380 = arith.constant 2 : i32
      %add3A_381 = vector.broadcast %add3A_380 : i32 to vector<16xi32>
      %add3A_382 = arith.addi %shift_left3A_364, %add3A_381 : vector<16xi32>
      tpu.vector_store_idx %arg12[%add3A_350, %add3A_382], %gather3A_379 : memref<64x128xf32, #tpu.memory_space<vmem>>[vector<16xi32>, vector<16xi32>], vector<16xf32>,
      %broadcast_in_dim3A_383 = arith.constant 3 : i32
      %broadcast_in_dim3A_384 = vector.broadcast %broadcast_in_dim3A_383 : i32 to vector<16xi32>
      %gather3A_385 = tpu.vector_load_idx %arg14[%add3A_350, %broadcast_in_dim3A_384] : memref<64x128xf32, #tpu.memory_space<vmem>>[vector<16xi32>, vector<16xi32>], vector<16xf32>,
      %add3A_386 = arith.constant 3 : i32
      %add3A_387 = vector.broadcast %add3A_386 : i32 to vector<16xi32>
      %add3A_388 = arith.addi %shift_left3A_364, %add3A_387 : vector<16xi32>
      tpu.vector_store_idx %arg12[%add3A_350, %add3A_388], %gather3A_385 : memref<64x128xf32, #tpu.memory_space<vmem>>[vector<16xi32>, vector<16xi32>], vector<16xf32>,
      %get3A_389 = arith.constant 48 : index
      %get3A_390 = tpu.vector_load %arg10[%get3A_389] {strides = array<i32>} : memref<64xi32, #tpu.memory_space<vmem>>, vector<16xi32>,
      %add3A_391 = arith.constant 48 : i32
      %add3A_392 = vector.broadcast %add3A_391 : i32 to vector<16xi32>
      %add3A_393 = arith.addi %iota3A, %add3A_392 : vector<16xi32>
      %shift_right_logical3A_394 = arith.constant 5 : i32
      %shift_right_logical3A_395 = vector.broadcast %shift_right_logical3A_394 : i32 to vector<16xi32>
      %shift_right_logical3A_396 = arith.shrui %get3A_390, %shift_right_logical3A_395 : vector<16xi32>
      %add3A_397 = arith.constant 10240 : i32
      %add3A_398 = vector.broadcast %add3A_397 : i32 to vector<16xi32>
      %add3A_399 = arith.addi %add3A_398, %shift_right_logical3A_396 : vector<16xi32>
      %swap3A_400 = arith.constant 48 : index
      %swap3A_401 = tpu.vector_load %arg11[%swap3A_400] {strides = array<i32>} : memref<64xi32, #tpu.memory_space<vmem>>, vector<16xi32>,
      tpu.vector_store %arg11[%swap3A_400], %add3A_399 {strides = array<i32>} : memref<64xi32, #tpu.memory_space<vmem>>, vector<16xi32>,
      %and3A_402 = arith.constant 31 : i32
      %and3A_403 = vector.broadcast %and3A_402 : i32 to vector<16xi32>
      %and3A_404 = arith.andi %get3A_390, %and3A_403 : vector<16xi32>
      %shift_left3A_405 = arith.constant 2 : i32
      %shift_left3A_406 = vector.broadcast %shift_left3A_405 : i32 to vector<16xi32>
      %shift_left3A_407 = arith.shli %and3A_404, %shift_left3A_406 : vector<16xi32>
      %broadcast_in_dim3A_408 = arith.constant 0 : i32
      %broadcast_in_dim3A_409 = vector.broadcast %broadcast_in_dim3A_408 : i32 to vector<16xi32>
      %gather3A_410 = tpu.vector_load_idx %arg14[%add3A_393, %broadcast_in_dim3A_409] : memref<64x128xf32, #tpu.memory_space<vmem>>[vector<16xi32>, vector<16xi32>], vector<16xf32>,
      %add3A_411 = arith.constant 0 : i32
      %add3A_412 = vector.broadcast %add3A_411 : i32 to vector<16xi32>
      %add3A_413 = arith.addi %shift_left3A_407, %add3A_412 : vector<16xi32>
      tpu.vector_store_idx %arg12[%add3A_393, %add3A_413], %gather3A_410 : memref<64x128xf32, #tpu.memory_space<vmem>>[vector<16xi32>, vector<16xi32>], vector<16xf32>,
      %broadcast_in_dim3A_414 = arith.constant 1 : i32
      %broadcast_in_dim3A_415 = vector.broadcast %broadcast_in_dim3A_414 : i32 to vector<16xi32>
      %gather3A_416 = tpu.vector_load_idx %arg14[%add3A_393, %broadcast_in_dim3A_415] : memref<64x128xf32, #tpu.memory_space<vmem>>[vector<16xi32>, vector<16xi32>], vector<16xf32>,
      %add3A_417 = arith.constant 1 : i32
      %add3A_418 = vector.broadcast %add3A_417 : i32 to vector<16xi32>
      %add3A_419 = arith.addi %shift_left3A_407, %add3A_418 : vector<16xi32>
      tpu.vector_store_idx %arg12[%add3A_393, %add3A_419], %gather3A_416 : memref<64x128xf32, #tpu.memory_space<vmem>>[vector<16xi32>, vector<16xi32>], vector<16xf32>,
      %broadcast_in_dim3A_420 = arith.constant 2 : i32
      %broadcast_in_dim3A_421 = vector.broadcast %broadcast_in_dim3A_420 : i32 to vector<16xi32>
      %gather3A_422 = tpu.vector_load_idx %arg14[%add3A_393, %broadcast_in_dim3A_421] : memref<64x128xf32, #tpu.memory_space<vmem>>[vector<16xi32>, vector<16xi32>], vector<16xf32>,
      %add3A_423 = arith.constant 2 : i32
      %add3A_424 = vector.broadcast %add3A_423 : i32 to vector<16xi32>
      %add3A_425 = arith.addi %shift_left3A_407, %add3A_424 : vector<16xi32>
      tpu.vector_store_idx %arg12[%add3A_393, %add3A_425], %gather3A_422 : memref<64x128xf32, #tpu.memory_space<vmem>>[vector<16xi32>, vector<16xi32>], vector<16xf32>,
      %broadcast_in_dim3A_426 = arith.constant 3 : i32
      %broadcast_in_dim3A_427 = vector.broadcast %broadcast_in_dim3A_426 : i32 to vector<16xi32>
      %gather3A_428 = tpu.vector_load_idx %arg14[%add3A_393, %broadcast_in_dim3A_427] : memref<64x128xf32, #tpu.memory_space<vmem>>[vector<16xi32>, vector<16xi32>], vector<16xf32>,
      %add3A_429 = arith.constant 3 : i32
      %add3A_430 = vector.broadcast %add3A_429 : i32 to vector<16xi32>
      %add3A_431 = arith.addi %shift_left3A_407, %add3A_430 : vector<16xi32>
      tpu.vector_store_idx %arg12[%add3A_393, %add3A_431], %gather3A_428 : memref<64x128xf32, #tpu.memory_space<vmem>>[vector<16xi32>, vector<16xi32>], vector<16xf32>,
      %dma_start3A_432 = arith.constant 0 : i32
      %dma_start3A_433 = arith.constant 0 : i32
      %dma_start3A_434 = tpu.memref_slice %arg17[%dma_start3A_432, %dma_start3A_433] : memref<10752x128xf32, #tpu.memory_space<vmem_shared>> -> memref<10752x128xf32, #tpu.memory_space<vmem_shared>>
      tpu.enqueue_indirect_dma source(%arg13 : memref<64x128xf32, #tpu.memory_space<vmem>>) target(%dma_start3A_434 : memref<10752x128xf32, #tpu.memory_space<vmem_shared>>) offsets(%arg10 : memref<64xi32, #tpu.memory_space<vmem>>) semaphore(%arg20 : memref<!tpu.dma_semaphore, #tpu.memory_space<semaphore_mem>>) {add = true}
      %dma_start3A_435 = arith.constant 0 : i32
      %dma_start3A_436 = arith.constant 0 : i32
      %dma_start3A_437 = tpu.memref_slice %arg17[%dma_start3A_435, %dma_start3A_436] : memref<10752x128xf32, #tpu.memory_space<vmem_shared>> -> memref<10752x128xf32, #tpu.memory_space<vmem_shared>>
      tpu.enqueue_indirect_dma source(%arg12 : memref<64x128xf32, #tpu.memory_space<vmem>>) target(%dma_start3A_437 : memref<10752x128xf32, #tpu.memory_space<vmem_shared>>) offsets(%arg11 : memref<64xi32, #tpu.memory_space<vmem>>) semaphore(%arg21 : memref<!tpu.dma_semaphore, #tpu.memory_space<semaphore_mem>>) {add = true}
    }
    %scan3A_69 = arith.constant 157 : i32
    %dma_wait3A = arith.constant 0 : i32
    %dma_wait3A_70 = arith.constant 0 : i32
    %dma_wait3A_71 = tpu.memref_slice %arg17[%dma_wait3A, %dma_wait3A_70] : memref<10752x128xf32, #tpu.memory_space<vmem_shared>> -> memref<10752x128xf32, #tpu.memory_space<vmem_shared>>
    tpu.wait_indirect_dma semaphore(%arg20 : memref<!tpu.dma_semaphore, #tpu.memory_space<semaphore_mem>>) src(%arg13 : memref<64x128xf32, #tpu.memory_space<vmem>>) dst(%dma_wait3A_71 : memref<10752x128xf32, #tpu.memory_space<vmem_shared>>)
    %dma_wait3A_72 = arith.constant 0 : i32
    %dma_wait3A_73 = arith.constant 0 : i32
    %dma_wait3A_74 = tpu.memref_slice %arg17[%dma_wait3A_72, %dma_wait3A_73] : memref<10752x128xf32, #tpu.memory_space<vmem_shared>> -> memref<10752x128xf32, #tpu.memory_space<vmem_shared>>
    tpu.wait_indirect_dma semaphore(%arg21 : memref<!tpu.dma_semaphore, #tpu.memory_space<semaphore_mem>>) src(%arg12 : memref<64x128xf32, #tpu.memory_space<vmem>>) dst(%dma_wait3A_74 : memref<10752x128xf32, #tpu.memory_space<vmem_shared>>)
    %barrier3A_75 = arith.constant 0 : index
    tpu.barrier barrier_id(%barrier3A_75)
    %add3A_76 = arith.constant 0 : i32
    %add3A_77 = arith.addi %mul3A_8, %add3A_76 : i32
    "tpu.region"() ({
      %run_scoped3A = tpu.sem_alloc : memref<!tpu.dma_semaphore, #tpu.memory_space<semaphore_mem>>
      %dma_start3A = arith.constant 0 : i32
      %dma_start3A_223 = tpu.memref_slice %arg17[%add3A_77, %dma_start3A] : memref<10752x128xf32, #tpu.memory_space<vmem_shared>> -> memref<32x128xf32, #tpu.memory_space<vmem_shared>>
      %dma_start3A_224 = arith.constant 0 : i32
      %dma_start3A_225 = tpu.memref_slice %arg17[%add3A_77, %dma_start3A_224] : memref<10752x128xf32, #tpu.memory_space<vmem_shared>> -> memref<32x128xf32, #tpu.memory_space<vmem_shared>>
      tpu.enqueue_dma source(%dma_start3A_225 : memref<32x128xf32, #tpu.memory_space<vmem_shared>>) target(%arg16 : memref<32x128xf32, #tpu.memory_space<vmem>>) target_semaphore(%run_scoped3A : memref<!tpu.dma_semaphore, #tpu.memory_space<semaphore_mem>>)
      %dma_wait3A_226 = arith.constant 0 : i32
      %dma_wait3A_227 = tpu.memref_slice %arg17[%add3A_77, %dma_wait3A_226] : memref<10752x128xf32, #tpu.memory_space<vmem_shared>> -> memref<32x128xf32, #tpu.memory_space<vmem_shared>>
      %dma_wait3A_228 = arith.constant 0 : i32
      %dma_wait3A_229 = tpu.memref_slice %arg17[%add3A_77, %dma_wait3A_228] : memref<10752x128xf32, #tpu.memory_space<vmem_shared>> -> memref<32x128xf32, #tpu.memory_space<vmem_shared>>
      tpu.wait_dma2 semaphore(%run_scoped3A : memref<!tpu.dma_semaphore, #tpu.memory_space<semaphore_mem>>) src(%dma_wait3A_229 : memref<32x128xf32, #tpu.memory_space<vmem_shared>>) dst(%arg16 : memref<32x128xf32, #tpu.memory_space<vmem>>)
      tpu.yield
    }) : () -> ()
    %mul3A_78 = arith.constant 10752 : i32
    %mul3A_79 = arith.muli %arg0, %mul3A_78 : i32
    %add3A_80 = arith.addi %mul3A_79, %mul3A_8 : i32
    %add3A_81 = arith.constant 0 : i32
    %add3A_82 = arith.addi %add3A_80, %add3A_81 : i32
    "tpu.region"() ({
      %run_scoped3A = tpu.sem_alloc : memref<!tpu.dma_semaphore, #tpu.memory_space<semaphore_mem>>
      %dma_start3A = arith.constant 0 : i32
      %dma_start3A_223 = tpu.memref_slice %arg8[%add3A_82, %dma_start3A] : memref<21504x128xf32, #tpu.memory_space<hbm>> -> memref<32x128xf32, #tpu.memory_space<hbm>>
      %dma_start3A_224 = arith.constant 0 : i32
      %dma_start3A_225 = tpu.memref_slice %arg8[%add3A_82, %dma_start3A_224] : memref<21504x128xf32, #tpu.memory_space<hbm>> -> memref<32x128xf32, #tpu.memory_space<hbm>>
      tpu.enqueue_dma source(%arg16 : memref<32x128xf32, #tpu.memory_space<vmem>>) target(%dma_start3A_225 : memref<32x128xf32, #tpu.memory_space<hbm>>) target_semaphore(%run_scoped3A : memref<!tpu.dma_semaphore, #tpu.memory_space<semaphore_mem>>)
      %dma_wait3A_226 = arith.constant 0 : i32
      %dma_wait3A_227 = tpu.memref_slice %arg8[%add3A_82, %dma_wait3A_226] : memref<21504x128xf32, #tpu.memory_space<hbm>> -> memref<32x128xf32, #tpu.memory_space<hbm>>
      %dma_wait3A_228 = arith.constant 0 : i32
      %dma_wait3A_229 = tpu.memref_slice %arg8[%add3A_82, %dma_wait3A_228] : memref<21504x128xf32, #tpu.memory_space<hbm>> -> memref<32x128xf32, #tpu.memory_space<hbm>>
      tpu.wait_dma2 semaphore(%run_scoped3A : memref<!tpu.dma_semaphore, #tpu.memory_space<semaphore_mem>>) src(%arg16 : memref<32x128xf32, #tpu.memory_space<vmem>>) dst(%dma_wait3A_229 : memref<32x128xf32, #tpu.memory_space<hbm>>)
      tpu.yield
    }) : () -> ()
    %add3A_83 = arith.constant 32 : i32
    %add3A_84 = arith.addi %mul3A_8, %add3A_83 : i32
    "tpu.region"() ({
      %run_scoped3A = tpu.sem_alloc : memref<!tpu.dma_semaphore, #tpu.memory_space<semaphore_mem>>
      %dma_start3A = arith.constant 0 : i32
      %dma_start3A_223 = tpu.memref_slice %arg17[%add3A_84, %dma_start3A] : memref<10752x128xf32, #tpu.memory_space<vmem_shared>> -> memref<32x128xf32, #tpu.memory_space<vmem_shared>>
      %dma_start3A_224 = arith.constant 0 : i32
      %dma_start3A_225 = tpu.memref_slice %arg17[%add3A_84, %dma_start3A_224] : memref<10752x128xf32, #tpu.memory_space<vmem_shared>> -> memref<32x128xf32, #tpu.memory_space<vmem_shared>>
      tpu.enqueue_dma source(%dma_start3A_225 : memref<32x128xf32, #tpu.memory_space<vmem_shared>>) target(%arg16 : memref<32x128xf32, #tpu.memory_space<vmem>>) target_semaphore(%run_scoped3A : memref<!tpu.dma_semaphore, #tpu.memory_space<semaphore_mem>>)
      %dma_wait3A_226 = arith.constant 0 : i32
      %dma_wait3A_227 = tpu.memref_slice %arg17[%add3A_84, %dma_wait3A_226] : memref<10752x128xf32, #tpu.memory_space<vmem_shared>> -> memref<32x128xf32, #tpu.memory_space<vmem_shared>>
      %dma_wait3A_228 = arith.constant 0 : i32
      %dma_wait3A_229 = tpu.memref_slice %arg17[%add3A_84, %dma_wait3A_228] : memref<10752x128xf32, #tpu.memory_space<vmem_shared>> -> memref<32x128xf32, #tpu.memory_space<vmem_shared>>
      tpu.wait_dma2 semaphore(%run_scoped3A : memref<!tpu.dma_semaphore, #tpu.memory_space<semaphore_mem>>) src(%dma_wait3A_229 : memref<32x128xf32, #tpu.memory_space<vmem_shared>>) dst(%arg16 : memref<32x128xf32, #tpu.memory_space<vmem>>)
      tpu.yield
    }) : () -> ()
    %mul3A_85 = arith.constant 10752 : i32
    %mul3A_86 = arith.muli %arg0, %mul3A_85 : i32
    %add3A_87 = arith.addi %mul3A_86, %mul3A_8 : i32
    %add3A_88 = arith.constant 32 : i32
    %add3A_89 = arith.addi %add3A_87, %add3A_88 : i32
    "tpu.region"() ({
      %run_scoped3A = tpu.sem_alloc : memref<!tpu.dma_semaphore, #tpu.memory_space<semaphore_mem>>
      %dma_start3A = arith.constant 0 : i32
      %dma_start3A_223 = tpu.memref_slice %arg8[%add3A_89, %dma_start3A] : memref<21504x128xf32, #tpu.memory_space<hbm>> -> memref<32x128xf32, #tpu.memory_space<hbm>>
      %dma_start3A_224 = arith.constant 0 : i32
      %dma_start3A_225 = tpu.memref_slice %arg8[%add3A_89, %dma_start3A_224] : memref<21504x128xf32, #tpu.memory_space<hbm>> -> memref<32x128xf32, #tpu.memory_space<hbm>>
      tpu.enqueue_dma source(%arg16 : memref<32x128xf32, #tpu.memory_space<vmem>>) target(%dma_start3A_225 : memref<32x128xf32, #tpu.memory_space<hbm>>) target_semaphore(%run_scoped3A : memref<!tpu.dma_semaphore, #tpu.memory_space<semaphore_mem>>)
      %dma_wait3A_226 = arith.constant 0 : i32
      %dma_wait3A_227 = tpu.memref_slice %arg8[%add3A_89, %dma_wait3A_226] : memref<21504x128xf32, #tpu.memory_space<hbm>> -> memref<32x128xf32, #tpu.memory_space<hbm>>
      %dma_wait3A_228 = arith.constant 0 : i32
      %dma_wait3A_229 = tpu.memref_slice %arg8[%add3A_89, %dma_wait3A_228] : memref<21504x128xf32, #tpu.memory_space<hbm>> -> memref<32x128xf32, #tpu.memory_space<hbm>>
      tpu.wait_dma2 semaphore(%run_scoped3A : memref<!tpu.dma_semaphore, #tpu.memory_space<semaphore_mem>>) src(%arg16 : memref<32x128xf32, #tpu.memory_space<vmem>>) dst(%dma_wait3A_229 : memref<32x128xf32, #tpu.memory_space<hbm>>)
      tpu.yield
    }) : () -> ()
    %add3A_90 = arith.constant 64 : i32
    %add3A_91 = arith.addi %mul3A_8, %add3A_90 : i32
    "tpu.region"() ({
      %run_scoped3A = tpu.sem_alloc : memref<!tpu.dma_semaphore, #tpu.memory_space<semaphore_mem>>
      %dma_start3A = arith.constant 0 : i32
      %dma_start3A_223 = tpu.memref_slice %arg17[%add3A_91, %dma_start3A] : memref<10752x128xf32, #tpu.memory_space<vmem_shared>> -> memref<32x128xf32, #tpu.memory_space<vmem_shared>>
      %dma_start3A_224 = arith.constant 0 : i32
      %dma_start3A_225 = tpu.memref_slice %arg17[%add3A_91, %dma_start3A_224] : memref<10752x128xf32, #tpu.memory_space<vmem_shared>> -> memref<32x128xf32, #tpu.memory_space<vmem_shared>>
      tpu.enqueue_dma source(%dma_start3A_225 : memref<32x128xf32, #tpu.memory_space<vmem_shared>>) target(%arg16 : memref<32x128xf32, #tpu.memory_space<vmem>>) target_semaphore(%run_scoped3A : memref<!tpu.dma_semaphore, #tpu.memory_space<semaphore_mem>>)
      %dma_wait3A_226 = arith.constant 0 : i32
      %dma_wait3A_227 = tpu.memref_slice %arg17[%add3A_91, %dma_wait3A_226] : memref<10752x128xf32, #tpu.memory_space<vmem_shared>> -> memref<32x128xf32, #tpu.memory_space<vmem_shared>>
      %dma_wait3A_228 = arith.constant 0 : i32
      %dma_wait3A_229 = tpu.memref_slice %arg17[%add3A_91, %dma_wait3A_228] : memref<10752x128xf32, #tpu.memory_space<vmem_shared>> -> memref<32x128xf32, #tpu.memory_space<vmem_shared>>
      tpu.wait_dma2 semaphore(%run_scoped3A : memref<!tpu.dma_semaphore, #tpu.memory_space<semaphore_mem>>) src(%dma_wait3A_229 : memref<32x128xf32, #tpu.memory_space<vmem_shared>>) dst(%arg16 : memref<32x128xf32, #tpu.memory_space<vmem>>)
      tpu.yield
    }) : () -> ()
    %mul3A_92 = arith.constant 10752 : i32
    %mul3A_93 = arith.muli %arg0, %mul3A_92 : i32
    %add3A_94 = arith.addi %mul3A_93, %mul3A_8 : i32
    %add3A_95 = arith.constant 64 : i32
    %add3A_96 = arith.addi %add3A_94, %add3A_95 : i32
    "tpu.region"() ({
      %run_scoped3A = tpu.sem_alloc : memref<!tpu.dma_semaphore, #tpu.memory_space<semaphore_mem>>
      %dma_start3A = arith.constant 0 : i32
      %dma_start3A_223 = tpu.memref_slice %arg8[%add3A_96, %dma_start3A] : memref<21504x128xf32, #tpu.memory_space<hbm>> -> memref<32x128xf32, #tpu.memory_space<hbm>>
      %dma_start3A_224 = arith.constant 0 : i32
      %dma_start3A_225 = tpu.memref_slice %arg8[%add3A_96, %dma_start3A_224] : memref<21504x128xf32, #tpu.memory_space<hbm>> -> memref<32x128xf32, #tpu.memory_space<hbm>>
      tpu.enqueue_dma source(%arg16 : memref<32x128xf32, #tpu.memory_space<vmem>>) target(%dma_start3A_225 : memref<32x128xf32, #tpu.memory_space<hbm>>) target_semaphore(%run_scoped3A : memref<!tpu.dma_semaphore, #tpu.memory_space<semaphore_mem>>)
      %dma_wait3A_226 = arith.constant 0 : i32
      %dma_wait3A_227 = tpu.memref_slice %arg8[%add3A_96, %dma_wait3A_226] : memref<21504x128xf32, #tpu.memory_space<hbm>> -> memref<32x128xf32, #tpu.memory_space<hbm>>
      %dma_wait3A_228 = arith.constant 0 : i32
      %dma_wait3A_229 = tpu.memref_slice %arg8[%add3A_96, %dma_wait3A_228] : memref<21504x128xf32, #tpu.memory_space<hbm>> -> memref<32x128xf32, #tpu.memory_space<hbm>>
      tpu.wait_dma2 semaphore(%run_scoped3A : memref<!tpu.dma_semaphore, #tpu.memory_space<semaphore_mem>>) src(%arg16 : memref<32x128xf32, #tpu.memory_space<vmem>>) dst(%dma_wait3A_229 : memref<32x128xf32, #tpu.memory_space<hbm>>)
      tpu.yield
    }) : () -> ()
    %add3A_97 = arith.constant 96 : i32
    %add3A_98 = arith.addi %mul3A_8, %add3A_97 : i32
    "tpu.region"() ({
      %run_scoped3A = tpu.sem_alloc : memref<!tpu.dma_semaphore, #tpu.memory_space<semaphore_mem>>
      %dma_start3A = arith.constant 0 : i32
      %dma_start3A_223 = tpu.memref_slice %arg17[%add3A_98, %dma_start3A] : memref<10752x128xf32, #tpu.memory_space<vmem_shared>> -> memref<32x128xf32, #tpu.memory_space<vmem_shared>>
      %dma_start3A_224 = arith.constant 0 : i32
      %dma_start3A_225 = tpu.memref_slice %arg17[%add3A_98, %dma_start3A_224] : memref<10752x128xf32, #tpu.memory_space<vmem_shared>> -> memref<32x128xf32, #tpu.memory_space<vmem_shared>>
      tpu.enqueue_dma source(%dma_start3A_225 : memref<32x128xf32, #tpu.memory_space<vmem_shared>>) target(%arg16 : memref<32x128xf32, #tpu.memory_space<vmem>>) target_semaphore(%run_scoped3A : memref<!tpu.dma_semaphore, #tpu.memory_space<semaphore_mem>>)
      %dma_wait3A_226 = arith.constant 0 : i32
      %dma_wait3A_227 = tpu.memref_slice %arg17[%add3A_98, %dma_wait3A_226] : memref<10752x128xf32, #tpu.memory_space<vmem_shared>> -> memref<32x128xf32, #tpu.memory_space<vmem_shared>>
      %dma_wait3A_228 = arith.constant 0 : i32
      %dma_wait3A_229 = tpu.memref_slice %arg17[%add3A_98, %dma_wait3A_228] : memref<10752x128xf32, #tpu.memory_space<vmem_shared>> -> memref<32x128xf32, #tpu.memory_space<vmem_shared>>
      tpu.wait_dma2 semaphore(%run_scoped3A : memref<!tpu.dma_semaphore, #tpu.memory_space<semaphore_mem>>) src(%dma_wait3A_229 : memref<32x128xf32, #tpu.memory_space<vmem_shared>>) dst(%arg16 : memref<32x128xf32, #tpu.memory_space<vmem>>)
      tpu.yield
    }) : () -> ()
    %mul3A_99 = arith.constant 10752 : i32
    %mul3A_100 = arith.muli %arg0, %mul3A_99 : i32
    %add3A_101 = arith.addi %mul3A_100, %mul3A_8 : i32
    %add3A_102 = arith.constant 96 : i32
    %add3A_103 = arith.addi %add3A_101, %add3A_102 : i32
    "tpu.region"() ({
      %run_scoped3A = tpu.sem_alloc : memref<!tpu.dma_semaphore, #tpu.memory_space<semaphore_mem>>
      %dma_start3A = arith.constant 0 : i32
      %dma_start3A_223 = tpu.memref_slice %arg8[%add3A_103, %dma_start3A] : memref<21504x128xf32, #tpu.memory_space<hbm>> -> memref<32x128xf32, #tpu.memory_space<hbm>>
      %dma_start3A_224 = arith.constant 0 : i32
      %dma_start3A_225 = tpu.memref_slice %arg8[%add3A_103, %dma_start3A_224] : memref<21504x128xf32, #tpu.memory_space<hbm>> -> memref<32x128xf32, #tpu.memory_space<hbm>>
      tpu.enqueue_dma source(%arg16 : memref<32x128xf32, #tpu.memory_space<vmem>>) target(%dma_start3A_225 : memref<32x128xf32, #tpu.memory_space<hbm>>) target_semaphore(%run_scoped3A : memref<!tpu.dma_semaphore, #tpu.memory_space<semaphore_mem>>)
      %dma_wait3A_226 = arith.constant 0 : i32
      %dma_wait3A_227 = tpu.memref_slice %arg8[%add3A_103, %dma_wait3A_226] : memref<21504x128xf32, #tpu.memory_space<hbm>> -> memref<32x128xf32, #tpu.memory_space<hbm>>
      %dma_wait3A_228 = arith.constant 0 : i32
      %dma_wait3A_229 = tpu.memref_slice %arg8[%add3A_103, %dma_wait3A_228] : memref<21504x128xf32, #tpu.memory_space<hbm>> -> memref<32x128xf32, #tpu.memory_space<hbm>>
      tpu.wait_dma2 semaphore(%run_scoped3A : memref<!tpu.dma_semaphore, #tpu.memory_space<semaphore_mem>>) src(%arg16 : memref<32x128xf32, #tpu.memory_space<vmem>>) dst(%dma_wait3A_229 : memref<32x128xf32, #tpu.memory_space<hbm>>)
      tpu.yield
    }) : () -> ()
    %add3A_104 = arith.constant 128 : i32
    %add3A_105 = arith.addi %mul3A_8, %add3A_104 : i32
    "tpu.region"() ({
      %run_scoped3A = tpu.sem_alloc : memref<!tpu.dma_semaphore, #tpu.memory_space<semaphore_mem>>
      %dma_start3A = arith.constant 0 : i32
      %dma_start3A_223 = tpu.memref_slice %arg17[%add3A_105, %dma_start3A] : memref<10752x128xf32, #tpu.memory_space<vmem_shared>> -> memref<32x128xf32, #tpu.memory_space<vmem_shared>>
      %dma_start3A_224 = arith.constant 0 : i32
      %dma_start3A_225 = tpu.memref_slice %arg17[%add3A_105, %dma_start3A_224] : memref<10752x128xf32, #tpu.memory_space<vmem_shared>> -> memref<32x128xf32, #tpu.memory_space<vmem_shared>>
      tpu.enqueue_dma source(%dma_start3A_225 : memref<32x128xf32, #tpu.memory_space<vmem_shared>>) target(%arg16 : memref<32x128xf32, #tpu.memory_space<vmem>>) target_semaphore(%run_scoped3A : memref<!tpu.dma_semaphore, #tpu.memory_space<semaphore_mem>>)
      %dma_wait3A_226 = arith.constant 0 : i32
      %dma_wait3A_227 = tpu.memref_slice %arg17[%add3A_105, %dma_wait3A_226] : memref<10752x128xf32, #tpu.memory_space<vmem_shared>> -> memref<32x128xf32, #tpu.memory_space<vmem_shared>>
      %dma_wait3A_228 = arith.constant 0 : i32
      %dma_wait3A_229 = tpu.memref_slice %arg17[%add3A_105, %dma_wait3A_228] : memref<10752x128xf32, #tpu.memory_space<vmem_shared>> -> memref<32x128xf32, #tpu.memory_space<vmem_shared>>
      tpu.wait_dma2 semaphore(%run_scoped3A : memref<!tpu.dma_semaphore, #tpu.memory_space<semaphore_mem>>) src(%dma_wait3A_229 : memref<32x128xf32, #tpu.memory_space<vmem_shared>>) dst(%arg16 : memref<32x128xf32, #tpu.memory_space<vmem>>)
      tpu.yield
    }) : () -> ()
    %mul3A_106 = arith.constant 10752 : i32
    %mul3A_107 = arith.muli %arg0, %mul3A_106 : i32
    %add3A_108 = arith.addi %mul3A_107, %mul3A_8 : i32
    %add3A_109 = arith.constant 128 : i32
    %add3A_110 = arith.addi %add3A_108, %add3A_109 : i32
    "tpu.region"() ({
      %run_scoped3A = tpu.sem_alloc : memref<!tpu.dma_semaphore, #tpu.memory_space<semaphore_mem>>
      %dma_start3A = arith.constant 0 : i32
      %dma_start3A_223 = tpu.memref_slice %arg8[%add3A_110, %dma_start3A] : memref<21504x128xf32, #tpu.memory_space<hbm>> -> memref<32x128xf32, #tpu.memory_space<hbm>>
      %dma_start3A_224 = arith.constant 0 : i32
      %dma_start3A_225 = tpu.memref_slice %arg8[%add3A_110, %dma_start3A_224] : memref<21504x128xf32, #tpu.memory_space<hbm>> -> memref<32x128xf32, #tpu.memory_space<hbm>>
      tpu.enqueue_dma source(%arg16 : memref<32x128xf32, #tpu.memory_space<vmem>>) target(%dma_start3A_225 : memref<32x128xf32, #tpu.memory_space<hbm>>) target_semaphore(%run_scoped3A : memref<!tpu.dma_semaphore, #tpu.memory_space<semaphore_mem>>)
      %dma_wait3A_226 = arith.constant 0 : i32
      %dma_wait3A_227 = tpu.memref_slice %arg8[%add3A_110, %dma_wait3A_226] : memref<21504x128xf32, #tpu.memory_space<hbm>> -> memref<32x128xf32, #tpu.memory_space<hbm>>
      %dma_wait3A_228 = arith.constant 0 : i32
      %dma_wait3A_229 = tpu.memref_slice %arg8[%add3A_110, %dma_wait3A_228] : memref<21504x128xf32, #tpu.memory_space<hbm>> -> memref<32x128xf32, #tpu.memory_space<hbm>>
      tpu.wait_dma2 semaphore(%run_scoped3A : memref<!tpu.dma_semaphore, #tpu.memory_space<semaphore_mem>>) src(%arg16 : memref<32x128xf32, #tpu.memory_space<vmem>>) dst(%dma_wait3A_229 : memref<32x128xf32, #tpu.memory_space<hbm>>)
      tpu.yield
    }) : () -> ()
    %add3A_111 = arith.constant 160 : i32
    %add3A_112 = arith.addi %mul3A_8, %add3A_111 : i32
    "tpu.region"() ({
      %run_scoped3A = tpu.sem_alloc : memref<!tpu.dma_semaphore, #tpu.memory_space<semaphore_mem>>
      %dma_start3A = arith.constant 0 : i32
      %dma_start3A_223 = tpu.memref_slice %arg17[%add3A_112, %dma_start3A] : memref<10752x128xf32, #tpu.memory_space<vmem_shared>> -> memref<32x128xf32, #tpu.memory_space<vmem_shared>>
      %dma_start3A_224 = arith.constant 0 : i32
      %dma_start3A_225 = tpu.memref_slice %arg17[%add3A_112, %dma_start3A_224] : memref<10752x128xf32, #tpu.memory_space<vmem_shared>> -> memref<32x128xf32, #tpu.memory_space<vmem_shared>>
      tpu.enqueue_dma source(%dma_start3A_225 : memref<32x128xf32, #tpu.memory_space<vmem_shared>>) target(%arg16 : memref<32x128xf32, #tpu.memory_space<vmem>>) target_semaphore(%run_scoped3A : memref<!tpu.dma_semaphore, #tpu.memory_space<semaphore_mem>>)
      %dma_wait3A_226 = arith.constant 0 : i32
      %dma_wait3A_227 = tpu.memref_slice %arg17[%add3A_112, %dma_wait3A_226] : memref<10752x128xf32, #tpu.memory_space<vmem_shared>> -> memref<32x128xf32, #tpu.memory_space<vmem_shared>>
      %dma_wait3A_228 = arith.constant 0 : i32
      %dma_wait3A_229 = tpu.memref_slice %arg17[%add3A_112, %dma_wait3A_228] : memref<10752x128xf32, #tpu.memory_space<vmem_shared>> -> memref<32x128xf32, #tpu.memory_space<vmem_shared>>
      tpu.wait_dma2 semaphore(%run_scoped3A : memref<!tpu.dma_semaphore, #tpu.memory_space<semaphore_mem>>) src(%dma_wait3A_229 : memref<32x128xf32, #tpu.memory_space<vmem_shared>>) dst(%arg16 : memref<32x128xf32, #tpu.memory_space<vmem>>)
      tpu.yield
    }) : () -> ()
    %mul3A_113 = arith.constant 10752 : i32
    %mul3A_114 = arith.muli %arg0, %mul3A_113 : i32
    %add3A_115 = arith.addi %mul3A_114, %mul3A_8 : i32
    %add3A_116 = arith.constant 160 : i32
    %add3A_117 = arith.addi %add3A_115, %add3A_116 : i32
    "tpu.region"() ({
      %run_scoped3A = tpu.sem_alloc : memref<!tpu.dma_semaphore, #tpu.memory_space<semaphore_mem>>
      %dma_start3A = arith.constant 0 : i32
      %dma_start3A_223 = tpu.memref_slice %arg8[%add3A_117, %dma_start3A] : memref<21504x128xf32, #tpu.memory_space<hbm>> -> memref<32x128xf32, #tpu.memory_space<hbm>>
      %dma_start3A_224 = arith.constant 0 : i32
      %dma_start3A_225 = tpu.memref_slice %arg8[%add3A_117, %dma_start3A_224] : memref<21504x128xf32, #tpu.memory_space<hbm>> -> memref<32x128xf32, #tpu.memory_space<hbm>>
      tpu.enqueue_dma source(%arg16 : memref<32x128xf32, #tpu.memory_space<vmem>>) target(%dma_start3A_225 : memref<32x128xf32, #tpu.memory_space<hbm>>) target_semaphore(%run_scoped3A : memref<!tpu.dma_semaphore, #tpu.memory_space<semaphore_mem>>)
      %dma_wait3A_226 = arith.constant 0 : i32
      %dma_wait3A_227 = tpu.memref_slice %arg8[%add3A_117, %dma_wait3A_226] : memref<21504x128xf32, #tpu.memory_space<hbm>> -> memref<32x128xf32, #tpu.memory_space<hbm>>
      %dma_wait3A_228 = arith.constant 0 : i32
      %dma_wait3A_229 = tpu.memref_slice %arg8[%add3A_117, %dma_wait3A_228] : memref<21504x128xf32, #tpu.memory_space<hbm>> -> memref<32x128xf32, #tpu.memory_space<hbm>>
      tpu.wait_dma2 semaphore(%run_scoped3A : memref<!tpu.dma_semaphore, #tpu.memory_space<semaphore_mem>>) src(%arg16 : memref<32x128xf32, #tpu.memory_space<vmem>>) dst(%dma_wait3A_229 : memref<32x128xf32, #tpu.memory_space<hbm>>)
      tpu.yield
    }) : () -> ()
    %add3A_118 = arith.constant 192 : i32
    %add3A_119 = arith.addi %mul3A_8, %add3A_118 : i32
    "tpu.region"() ({
      %run_scoped3A = tpu.sem_alloc : memref<!tpu.dma_semaphore, #tpu.memory_space<semaphore_mem>>
      %dma_start3A = arith.constant 0 : i32
      %dma_start3A_223 = tpu.memref_slice %arg17[%add3A_119, %dma_start3A] : memref<10752x128xf32, #tpu.memory_space<vmem_shared>> -> memref<32x128xf32, #tpu.memory_space<vmem_shared>>
      %dma_start3A_224 = arith.constant 0 : i32
      %dma_start3A_225 = tpu.memref_slice %arg17[%add3A_119, %dma_start3A_224] : memref<10752x128xf32, #tpu.memory_space<vmem_shared>> -> memref<32x128xf32, #tpu.memory_space<vmem_shared>>
      tpu.enqueue_dma source(%dma_start3A_225 : memref<32x128xf32, #tpu.memory_space<vmem_shared>>) target(%arg16 : memref<32x128xf32, #tpu.memory_space<vmem>>) target_semaphore(%run_scoped3A : memref<!tpu.dma_semaphore, #tpu.memory_space<semaphore_mem>>)
      %dma_wait3A_226 = arith.constant 0 : i32
      %dma_wait3A_227 = tpu.memref_slice %arg17[%add3A_119, %dma_wait3A_226] : memref<10752x128xf32, #tpu.memory_space<vmem_shared>> -> memref<32x128xf32, #tpu.memory_space<vmem_shared>>
      %dma_wait3A_228 = arith.constant 0 : i32
      %dma_wait3A_229 = tpu.memref_slice %arg17[%add3A_119, %dma_wait3A_228] : memref<10752x128xf32, #tpu.memory_space<vmem_shared>> -> memref<32x128xf32, #tpu.memory_space<vmem_shared>>
      tpu.wait_dma2 semaphore(%run_scoped3A : memref<!tpu.dma_semaphore, #tpu.memory_space<semaphore_mem>>) src(%dma_wait3A_229 : memref<32x128xf32, #tpu.memory_space<vmem_shared>>) dst(%arg16 : memref<32x128xf32, #tpu.memory_space<vmem>>)
      tpu.yield
    }) : () -> ()
    %mul3A_120 = arith.constant 10752 : i32
    %mul3A_121 = arith.muli %arg0, %mul3A_120 : i32
    %add3A_122 = arith.addi %mul3A_121, %mul3A_8 : i32
    %add3A_123 = arith.constant 192 : i32
    %add3A_124 = arith.addi %add3A_122, %add3A_123 : i32
    "tpu.region"() ({
      %run_scoped3A = tpu.sem_alloc : memref<!tpu.dma_semaphore, #tpu.memory_space<semaphore_mem>>
      %dma_start3A = arith.constant 0 : i32
      %dma_start3A_223 = tpu.memref_slice %arg8[%add3A_124, %dma_start3A] : memref<21504x128xf32, #tpu.memory_space<hbm>> -> memref<32x128xf32, #tpu.memory_space<hbm>>
      %dma_start3A_224 = arith.constant 0 : i32
      %dma_start3A_225 = tpu.memref_slice %arg8[%add3A_124, %dma_start3A_224] : memref<21504x128xf32, #tpu.memory_space<hbm>> -> memref<32x128xf32, #tpu.memory_space<hbm>>
      tpu.enqueue_dma source(%arg16 : memref<32x128xf32, #tpu.memory_space<vmem>>) target(%dma_start3A_225 : memref<32x128xf32, #tpu.memory_space<hbm>>) target_semaphore(%run_scoped3A : memref<!tpu.dma_semaphore, #tpu.memory_space<semaphore_mem>>)
      %dma_wait3A_226 = arith.constant 0 : i32
      %dma_wait3A_227 = tpu.memref_slice %arg8[%add3A_124, %dma_wait3A_226] : memref<21504x128xf32, #tpu.memory_space<hbm>> -> memref<32x128xf32, #tpu.memory_space<hbm>>
      %dma_wait3A_228 = arith.constant 0 : i32
      %dma_wait3A_229 = tpu.memref_slice %arg8[%add3A_124, %dma_wait3A_228] : memref<21504x128xf32, #tpu.memory_space<hbm>> -> memref<32x128xf32, #tpu.memory_space<hbm>>
      tpu.wait_dma2 semaphore(%run_scoped3A : memref<!tpu.dma_semaphore, #tpu.memory_space<semaphore_mem>>) src(%arg16 : memref<32x128xf32, #tpu.memory_space<vmem>>) dst(%dma_wait3A_229 : memref<32x128xf32, #tpu.memory_space<hbm>>)
      tpu.yield
    }) : () -> ()
    %add3A_125 = arith.constant 224 : i32
    %add3A_126 = arith.addi %mul3A_8, %add3A_125 : i32
    "tpu.region"() ({
      %run_scoped3A = tpu.sem_alloc : memref<!tpu.dma_semaphore, #tpu.memory_space<semaphore_mem>>
      %dma_start3A = arith.constant 0 : i32
      %dma_start3A_223 = tpu.memref_slice %arg17[%add3A_126, %dma_start3A] : memref<10752x128xf32, #tpu.memory_space<vmem_shared>> -> memref<32x128xf32, #tpu.memory_space<vmem_shared>>
      %dma_start3A_224 = arith.constant 0 : i32
      %dma_start3A_225 = tpu.memref_slice %arg17[%add3A_126, %dma_start3A_224] : memref<10752x128xf32, #tpu.memory_space<vmem_shared>> -> memref<32x128xf32, #tpu.memory_space<vmem_shared>>
      tpu.enqueue_dma source(%dma_start3A_225 : memref<32x128xf32, #tpu.memory_space<vmem_shared>>) target(%arg16 : memref<32x128xf32, #tpu.memory_space<vmem>>) target_semaphore(%run_scoped3A : memref<!tpu.dma_semaphore, #tpu.memory_space<semaphore_mem>>)
      %dma_wait3A_226 = arith.constant 0 : i32
      %dma_wait3A_227 = tpu.memref_slice %arg17[%add3A_126, %dma_wait3A_226] : memref<10752x128xf32, #tpu.memory_space<vmem_shared>> -> memref<32x128xf32, #tpu.memory_space<vmem_shared>>
      %dma_wait3A_228 = arith.constant 0 : i32
      %dma_wait3A_229 = tpu.memref_slice %arg17[%add3A_126, %dma_wait3A_228] : memref<10752x128xf32, #tpu.memory_space<vmem_shared>> -> memref<32x128xf32, #tpu.memory_space<vmem_shared>>
      tpu.wait_dma2 semaphore(%run_scoped3A : memref<!tpu.dma_semaphore, #tpu.memory_space<semaphore_mem>>) src(%dma_wait3A_229 : memref<32x128xf32, #tpu.memory_space<vmem_shared>>) dst(%arg16 : memref<32x128xf32, #tpu.memory_space<vmem>>)
      tpu.yield
    }) : () -> ()
    %mul3A_127 = arith.constant 10752 : i32
    %mul3A_128 = arith.muli %arg0, %mul3A_127 : i32
    %add3A_129 = arith.addi %mul3A_128, %mul3A_8 : i32
    %add3A_130 = arith.constant 224 : i32
    %add3A_131 = arith.addi %add3A_129, %add3A_130 : i32
    "tpu.region"() ({
      %run_scoped3A = tpu.sem_alloc : memref<!tpu.dma_semaphore, #tpu.memory_space<semaphore_mem>>
      %dma_start3A = arith.constant 0 : i32
      %dma_start3A_223 = tpu.memref_slice %arg8[%add3A_131, %dma_start3A] : memref<21504x128xf32, #tpu.memory_space<hbm>> -> memref<32x128xf32, #tpu.memory_space<hbm>>
      %dma_start3A_224 = arith.constant 0 : i32
      %dma_start3A_225 = tpu.memref_slice %arg8[%add3A_131, %dma_start3A_224] : memref<21504x128xf32, #tpu.memory_space<hbm>> -> memref<32x128xf32, #tpu.memory_space<hbm>>
      tpu.enqueue_dma source(%arg16 : memref<32x128xf32, #tpu.memory_space<vmem>>) target(%dma_start3A_225 : memref<32x128xf32, #tpu.memory_space<hbm>>) target_semaphore(%run_scoped3A : memref<!tpu.dma_semaphore, #tpu.memory_space<semaphore_mem>>)
      %dma_wait3A_226 = arith.constant 0 : i32
      %dma_wait3A_227 = tpu.memref_slice %arg8[%add3A_131, %dma_wait3A_226] : memref<21504x128xf32, #tpu.memory_space<hbm>> -> memref<32x128xf32, #tpu.memory_space<hbm>>
      %dma_wait3A_228 = arith.constant 0 : i32
      %dma_wait3A_229 = tpu.memref_slice %arg8[%add3A_131, %dma_wait3A_228] : memref<21504x128xf32, #tpu.memory_space<hbm>> -> memref<32x128xf32, #tpu.memory_space<hbm>>
      tpu.wait_dma2 semaphore(%run_scoped3A : memref<!tpu.dma_semaphore, #tpu.memory_space<semaphore_mem>>) src(%arg16 : memref<32x128xf32, #tpu.memory_space<vmem>>) dst(%dma_wait3A_229 : memref<32x128xf32, #tpu.memory_space<hbm>>)
      tpu.yield
    }) : () -> ()
    %add3A_132 = arith.constant 256 : i32
    %add3A_133 = arith.addi %mul3A_8, %add3A_132 : i32
    "tpu.region"() ({
      %run_scoped3A = tpu.sem_alloc : memref<!tpu.dma_semaphore, #tpu.memory_space<semaphore_mem>>
      %dma_start3A = arith.constant 0 : i32
      %dma_start3A_223 = tpu.memref_slice %arg17[%add3A_133, %dma_start3A] : memref<10752x128xf32, #tpu.memory_space<vmem_shared>> -> memref<32x128xf32, #tpu.memory_space<vmem_shared>>
      %dma_start3A_224 = arith.constant 0 : i32
      %dma_start3A_225 = tpu.memref_slice %arg17[%add3A_133, %dma_start3A_224] : memref<10752x128xf32, #tpu.memory_space<vmem_shared>> -> memref<32x128xf32, #tpu.memory_space<vmem_shared>>
      tpu.enqueue_dma source(%dma_start3A_225 : memref<32x128xf32, #tpu.memory_space<vmem_shared>>) target(%arg16 : memref<32x128xf32, #tpu.memory_space<vmem>>) target_semaphore(%run_scoped3A : memref<!tpu.dma_semaphore, #tpu.memory_space<semaphore_mem>>)
      %dma_wait3A_226 = arith.constant 0 : i32
      %dma_wait3A_227 = tpu.memref_slice %arg17[%add3A_133, %dma_wait3A_226] : memref<10752x128xf32, #tpu.memory_space<vmem_shared>> -> memref<32x128xf32, #tpu.memory_space<vmem_shared>>
      %dma_wait3A_228 = arith.constant 0 : i32
      %dma_wait3A_229 = tpu.memref_slice %arg17[%add3A_133, %dma_wait3A_228] : memref<10752x128xf32, #tpu.memory_space<vmem_shared>> -> memref<32x128xf32, #tpu.memory_space<vmem_shared>>
      tpu.wait_dma2 semaphore(%run_scoped3A : memref<!tpu.dma_semaphore, #tpu.memory_space<semaphore_mem>>) src(%dma_wait3A_229 : memref<32x128xf32, #tpu.memory_space<vmem_shared>>) dst(%arg16 : memref<32x128xf32, #tpu.memory_space<vmem>>)
      tpu.yield
    }) : () -> ()
    %mul3A_134 = arith.constant 10752 : i32
    %mul3A_135 = arith.muli %arg0, %mul3A_134 : i32
    %add3A_136 = arith.addi %mul3A_135, %mul3A_8 : i32
    %add3A_137 = arith.constant 256 : i32
    %add3A_138 = arith.addi %add3A_136, %add3A_137 : i32
    "tpu.region"() ({
      %run_scoped3A = tpu.sem_alloc : memref<!tpu.dma_semaphore, #tpu.memory_space<semaphore_mem>>
      %dma_start3A = arith.constant 0 : i32
      %dma_start3A_223 = tpu.memref_slice %arg8[%add3A_138, %dma_start3A] : memref<21504x128xf32, #tpu.memory_space<hbm>> -> memref<32x128xf32, #tpu.memory_space<hbm>>
      %dma_start3A_224 = arith.constant 0 : i32
      %dma_start3A_225 = tpu.memref_slice %arg8[%add3A_138, %dma_start3A_224] : memref<21504x128xf32, #tpu.memory_space<hbm>> -> memref<32x128xf32, #tpu.memory_space<hbm>>
      tpu.enqueue_dma source(%arg16 : memref<32x128xf32, #tpu.memory_space<vmem>>) target(%dma_start3A_225 : memref<32x128xf32, #tpu.memory_space<hbm>>) target_semaphore(%run_scoped3A : memref<!tpu.dma_semaphore, #tpu.memory_space<semaphore_mem>>)
      %dma_wait3A_226 = arith.constant 0 : i32
      %dma_wait3A_227 = tpu.memref_slice %arg8[%add3A_138, %dma_wait3A_226] : memref<21504x128xf32, #tpu.memory_space<hbm>> -> memref<32x128xf32, #tpu.memory_space<hbm>>
      %dma_wait3A_228 = arith.constant 0 : i32
      %dma_wait3A_229 = tpu.memref_slice %arg8[%add3A_138, %dma_wait3A_228] : memref<21504x128xf32, #tpu.memory_space<hbm>> -> memref<32x128xf32, #tpu.memory_space<hbm>>
      tpu.wait_dma2 semaphore(%run_scoped3A : memref<!tpu.dma_semaphore, #tpu.memory_space<semaphore_mem>>) src(%arg16 : memref<32x128xf32, #tpu.memory_space<vmem>>) dst(%dma_wait3A_229 : memref<32x128xf32, #tpu.memory_space<hbm>>)
      tpu.yield
    }) : () -> ()
    %add3A_139 = arith.constant 288 : i32
    %add3A_140 = arith.addi %mul3A_8, %add3A_139 : i32
    "tpu.region"() ({
      %run_scoped3A = tpu.sem_alloc : memref<!tpu.dma_semaphore, #tpu.memory_space<semaphore_mem>>
      %dma_start3A = arith.constant 0 : i32
      %dma_start3A_223 = tpu.memref_slice %arg17[%add3A_140, %dma_start3A] : memref<10752x128xf32, #tpu.memory_space<vmem_shared>> -> memref<32x128xf32, #tpu.memory_space<vmem_shared>>
      %dma_start3A_224 = arith.constant 0 : i32
      %dma_start3A_225 = tpu.memref_slice %arg17[%add3A_140, %dma_start3A_224] : memref<10752x128xf32, #tpu.memory_space<vmem_shared>> -> memref<32x128xf32, #tpu.memory_space<vmem_shared>>
      tpu.enqueue_dma source(%dma_start3A_225 : memref<32x128xf32, #tpu.memory_space<vmem_shared>>) target(%arg16 : memref<32x128xf32, #tpu.memory_space<vmem>>) target_semaphore(%run_scoped3A : memref<!tpu.dma_semaphore, #tpu.memory_space<semaphore_mem>>)
      %dma_wait3A_226 = arith.constant 0 : i32
      %dma_wait3A_227 = tpu.memref_slice %arg17[%add3A_140, %dma_wait3A_226] : memref<10752x128xf32, #tpu.memory_space<vmem_shared>> -> memref<32x128xf32, #tpu.memory_space<vmem_shared>>
      %dma_wait3A_228 = arith.constant 0 : i32
      %dma_wait3A_229 = tpu.memref_slice %arg17[%add3A_140, %dma_wait3A_228] : memref<10752x128xf32, #tpu.memory_space<vmem_shared>> -> memref<32x128xf32, #tpu.memory_space<vmem_shared>>
      tpu.wait_dma2 semaphore(%run_scoped3A : memref<!tpu.dma_semaphore, #tpu.memory_space<semaphore_mem>>) src(%dma_wait3A_229 : memref<32x128xf32, #tpu.memory_space<vmem_shared>>) dst(%arg16 : memref<32x128xf32, #tpu.memory_space<vmem>>)
      tpu.yield
    }) : () -> ()
    %mul3A_141 = arith.constant 10752 : i32
    %mul3A_142 = arith.muli %arg0, %mul3A_141 : i32
    %add3A_143 = arith.addi %mul3A_142, %mul3A_8 : i32
    %add3A_144 = arith.constant 288 : i32
    %add3A_145 = arith.addi %add3A_143, %add3A_144 : i32
    "tpu.region"() ({
      %run_scoped3A = tpu.sem_alloc : memref<!tpu.dma_semaphore, #tpu.memory_space<semaphore_mem>>
      %dma_start3A = arith.constant 0 : i32
      %dma_start3A_223 = tpu.memref_slice %arg8[%add3A_145, %dma_start3A] : memref<21504x128xf32, #tpu.memory_space<hbm>> -> memref<32x128xf32, #tpu.memory_space<hbm>>
      %dma_start3A_224 = arith.constant 0 : i32
      %dma_start3A_225 = tpu.memref_slice %arg8[%add3A_145, %dma_start3A_224] : memref<21504x128xf32, #tpu.memory_space<hbm>> -> memref<32x128xf32, #tpu.memory_space<hbm>>
      tpu.enqueue_dma source(%arg16 : memref<32x128xf32, #tpu.memory_space<vmem>>) target(%dma_start3A_225 : memref<32x128xf32, #tpu.memory_space<hbm>>) target_semaphore(%run_scoped3A : memref<!tpu.dma_semaphore, #tpu.memory_space<semaphore_mem>>)
      %dma_wait3A_226 = arith.constant 0 : i32
      %dma_wait3A_227 = tpu.memref_slice %arg8[%add3A_145, %dma_wait3A_226] : memref<21504x128xf32, #tpu.memory_space<hbm>> -> memref<32x128xf32, #tpu.memory_space<hbm>>
      %dma_wait3A_228 = arith.constant 0 : i32
      %dma_wait3A_229 = tpu.memref_slice %arg8[%add3A_145, %dma_wait3A_228] : memref<21504x128xf32, #tpu.memory_space<hbm>> -> memref<32x128xf32, #tpu.memory_space<hbm>>
      tpu.wait_dma2 semaphore(%run_scoped3A : memref<!tpu.dma_semaphore, #tpu.memory_space<semaphore_mem>>) src(%arg16 : memref<32x128xf32, #tpu.memory_space<vmem>>) dst(%dma_wait3A_229 : memref<32x128xf32, #tpu.memory_space<hbm>>)
      tpu.yield
    }) : () -> ()
    %add3A_146 = arith.constant 320 : i32
    %add3A_147 = arith.addi %mul3A_8, %add3A_146 : i32
    "tpu.region"() ({
      %run_scoped3A = tpu.sem_alloc : memref<!tpu.dma_semaphore, #tpu.memory_space<semaphore_mem>>
      %dma_start3A = arith.constant 0 : i32
      %dma_start3A_223 = tpu.memref_slice %arg17[%add3A_147, %dma_start3A] : memref<10752x128xf32, #tpu.memory_space<vmem_shared>> -> memref<32x128xf32, #tpu.memory_space<vmem_shared>>
      %dma_start3A_224 = arith.constant 0 : i32
      %dma_start3A_225 = tpu.memref_slice %arg17[%add3A_147, %dma_start3A_224] : memref<10752x128xf32, #tpu.memory_space<vmem_shared>> -> memref<32x128xf32, #tpu.memory_space<vmem_shared>>
      tpu.enqueue_dma source(%dma_start3A_225 : memref<32x128xf32, #tpu.memory_space<vmem_shared>>) target(%arg16 : memref<32x128xf32, #tpu.memory_space<vmem>>) target_semaphore(%run_scoped3A : memref<!tpu.dma_semaphore, #tpu.memory_space<semaphore_mem>>)
      %dma_wait3A_226 = arith.constant 0 : i32
      %dma_wait3A_227 = tpu.memref_slice %arg17[%add3A_147, %dma_wait3A_226] : memref<10752x128xf32, #tpu.memory_space<vmem_shared>> -> memref<32x128xf32, #tpu.memory_space<vmem_shared>>
      %dma_wait3A_228 = arith.constant 0 : i32
      %dma_wait3A_229 = tpu.memref_slice %arg17[%add3A_147, %dma_wait3A_228] : memref<10752x128xf32, #tpu.memory_space<vmem_shared>> -> memref<32x128xf32, #tpu.memory_space<vmem_shared>>
      tpu.wait_dma2 semaphore(%run_scoped3A : memref<!tpu.dma_semaphore, #tpu.memory_space<semaphore_mem>>) src(%dma_wait3A_229 : memref<32x128xf32, #tpu.memory_space<vmem_shared>>) dst(%arg16 : memref<32x128xf32, #tpu.memory_space<vmem>>)
      tpu.yield
    }) : () -> ()
    %mul3A_148 = arith.constant 10752 : i32
    %mul3A_149 = arith.muli %arg0, %mul3A_148 : i32
    %add3A_150 = arith.addi %mul3A_149, %mul3A_8 : i32
    %add3A_151 = arith.constant 320 : i32
    %add3A_152 = arith.addi %add3A_150, %add3A_151 : i32
    "tpu.region"() ({
      %run_scoped3A = tpu.sem_alloc : memref<!tpu.dma_semaphore, #tpu.memory_space<semaphore_mem>>
      %dma_start3A = arith.constant 0 : i32
      %dma_start3A_223 = tpu.memref_slice %arg8[%add3A_152, %dma_start3A] : memref<21504x128xf32, #tpu.memory_space<hbm>> -> memref<32x128xf32, #tpu.memory_space<hbm>>
      %dma_start3A_224 = arith.constant 0 : i32
      %dma_start3A_225 = tpu.memref_slice %arg8[%add3A_152, %dma_start3A_224] : memref<21504x128xf32, #tpu.memory_space<hbm>> -> memref<32x128xf32, #tpu.memory_space<hbm>>
      tpu.enqueue_dma source(%arg16 : memref<32x128xf32, #tpu.memory_space<vmem>>) target(%dma_start3A_225 : memref<32x128xf32, #tpu.memory_space<hbm>>) target_semaphore(%run_scoped3A : memref<!tpu.dma_semaphore, #tpu.memory_space<semaphore_mem>>)
      %dma_wait3A_226 = arith.constant 0 : i32
      %dma_wait3A_227 = tpu.memref_slice %arg8[%add3A_152, %dma_wait3A_226] : memref<21504x128xf32, #tpu.memory_space<hbm>> -> memref<32x128xf32, #tpu.memory_space<hbm>>
      %dma_wait3A_228 = arith.constant 0 : i32
      %dma_wait3A_229 = tpu.memref_slice %arg8[%add3A_152, %dma_wait3A_228] : memref<21504x128xf32, #tpu.memory_space<hbm>> -> memref<32x128xf32, #tpu.memory_space<hbm>>
      tpu.wait_dma2 semaphore(%run_scoped3A : memref<!tpu.dma_semaphore, #tpu.memory_space<semaphore_mem>>) src(%arg16 : memref<32x128xf32, #tpu.memory_space<vmem>>) dst(%dma_wait3A_229 : memref<32x128xf32, #tpu.memory_space<hbm>>)
      tpu.yield
    }) : () -> ()
    %add3A_153 = arith.constant 352 : i32
    %add3A_154 = arith.addi %mul3A_8, %add3A_153 : i32
    "tpu.region"() ({
      %run_scoped3A = tpu.sem_alloc : memref<!tpu.dma_semaphore, #tpu.memory_space<semaphore_mem>>
      %dma_start3A = arith.constant 0 : i32
      %dma_start3A_223 = tpu.memref_slice %arg17[%add3A_154, %dma_start3A] : memref<10752x128xf32, #tpu.memory_space<vmem_shared>> -> memref<32x128xf32, #tpu.memory_space<vmem_shared>>
      %dma_start3A_224 = arith.constant 0 : i32
      %dma_start3A_225 = tpu.memref_slice %arg17[%add3A_154, %dma_start3A_224] : memref<10752x128xf32, #tpu.memory_space<vmem_shared>> -> memref<32x128xf32, #tpu.memory_space<vmem_shared>>
      tpu.enqueue_dma source(%dma_start3A_225 : memref<32x128xf32, #tpu.memory_space<vmem_shared>>) target(%arg16 : memref<32x128xf32, #tpu.memory_space<vmem>>) target_semaphore(%run_scoped3A : memref<!tpu.dma_semaphore, #tpu.memory_space<semaphore_mem>>)
      %dma_wait3A_226 = arith.constant 0 : i32
      %dma_wait3A_227 = tpu.memref_slice %arg17[%add3A_154, %dma_wait3A_226] : memref<10752x128xf32, #tpu.memory_space<vmem_shared>> -> memref<32x128xf32, #tpu.memory_space<vmem_shared>>
      %dma_wait3A_228 = arith.constant 0 : i32
      %dma_wait3A_229 = tpu.memref_slice %arg17[%add3A_154, %dma_wait3A_228] : memref<10752x128xf32, #tpu.memory_space<vmem_shared>> -> memref<32x128xf32, #tpu.memory_space<vmem_shared>>
      tpu.wait_dma2 semaphore(%run_scoped3A : memref<!tpu.dma_semaphore, #tpu.memory_space<semaphore_mem>>) src(%dma_wait3A_229 : memref<32x128xf32, #tpu.memory_space<vmem_shared>>) dst(%arg16 : memref<32x128xf32, #tpu.memory_space<vmem>>)
      tpu.yield
    }) : () -> ()
    %mul3A_155 = arith.constant 10752 : i32
    %mul3A_156 = arith.muli %arg0, %mul3A_155 : i32
    %add3A_157 = arith.addi %mul3A_156, %mul3A_8 : i32
    %add3A_158 = arith.constant 352 : i32
    %add3A_159 = arith.addi %add3A_157, %add3A_158 : i32
    "tpu.region"() ({
      %run_scoped3A = tpu.sem_alloc : memref<!tpu.dma_semaphore, #tpu.memory_space<semaphore_mem>>
      %dma_start3A = arith.constant 0 : i32
      %dma_start3A_223 = tpu.memref_slice %arg8[%add3A_159, %dma_start3A] : memref<21504x128xf32, #tpu.memory_space<hbm>> -> memref<32x128xf32, #tpu.memory_space<hbm>>
      %dma_start3A_224 = arith.constant 0 : i32
      %dma_start3A_225 = tpu.memref_slice %arg8[%add3A_159, %dma_start3A_224] : memref<21504x128xf32, #tpu.memory_space<hbm>> -> memref<32x128xf32, #tpu.memory_space<hbm>>
      tpu.enqueue_dma source(%arg16 : memref<32x128xf32, #tpu.memory_space<vmem>>) target(%dma_start3A_225 : memref<32x128xf32, #tpu.memory_space<hbm>>) target_semaphore(%run_scoped3A : memref<!tpu.dma_semaphore, #tpu.memory_space<semaphore_mem>>)
      %dma_wait3A_226 = arith.constant 0 : i32
      %dma_wait3A_227 = tpu.memref_slice %arg8[%add3A_159, %dma_wait3A_226] : memref<21504x128xf32, #tpu.memory_space<hbm>> -> memref<32x128xf32, #tpu.memory_space<hbm>>
      %dma_wait3A_228 = arith.constant 0 : i32
      %dma_wait3A_229 = tpu.memref_slice %arg8[%add3A_159, %dma_wait3A_228] : memref<21504x128xf32, #tpu.memory_space<hbm>> -> memref<32x128xf32, #tpu.memory_space<hbm>>
      tpu.wait_dma2 semaphore(%run_scoped3A : memref<!tpu.dma_semaphore, #tpu.memory_space<semaphore_mem>>) src(%arg16 : memref<32x128xf32, #tpu.memory_space<vmem>>) dst(%dma_wait3A_229 : memref<32x128xf32, #tpu.memory_space<hbm>>)
      tpu.yield
    }) : () -> ()
    %add3A_160 = arith.constant 384 : i32
    %add3A_161 = arith.addi %mul3A_8, %add3A_160 : i32
    "tpu.region"() ({
      %run_scoped3A = tpu.sem_alloc : memref<!tpu.dma_semaphore, #tpu.memory_space<semaphore_mem>>
      %dma_start3A = arith.constant 0 : i32
      %dma_start3A_223 = tpu.memref_slice %arg17[%add3A_161, %dma_start3A] : memref<10752x128xf32, #tpu.memory_space<vmem_shared>> -> memref<32x128xf32, #tpu.memory_space<vmem_shared>>
      %dma_start3A_224 = arith.constant 0 : i32
      %dma_start3A_225 = tpu.memref_slice %arg17[%add3A_161, %dma_start3A_224] : memref<10752x128xf32, #tpu.memory_space<vmem_shared>> -> memref<32x128xf32, #tpu.memory_space<vmem_shared>>
      tpu.enqueue_dma source(%dma_start3A_225 : memref<32x128xf32, #tpu.memory_space<vmem_shared>>) target(%arg16 : memref<32x128xf32, #tpu.memory_space<vmem>>) target_semaphore(%run_scoped3A : memref<!tpu.dma_semaphore, #tpu.memory_space<semaphore_mem>>)
      %dma_wait3A_226 = arith.constant 0 : i32
      %dma_wait3A_227 = tpu.memref_slice %arg17[%add3A_161, %dma_wait3A_226] : memref<10752x128xf32, #tpu.memory_space<vmem_shared>> -> memref<32x128xf32, #tpu.memory_space<vmem_shared>>
      %dma_wait3A_228 = arith.constant 0 : i32
      %dma_wait3A_229 = tpu.memref_slice %arg17[%add3A_161, %dma_wait3A_228] : memref<10752x128xf32, #tpu.memory_space<vmem_shared>> -> memref<32x128xf32, #tpu.memory_space<vmem_shared>>
      tpu.wait_dma2 semaphore(%run_scoped3A : memref<!tpu.dma_semaphore, #tpu.memory_space<semaphore_mem>>) src(%dma_wait3A_229 : memref<32x128xf32, #tpu.memory_space<vmem_shared>>) dst(%arg16 : memref<32x128xf32, #tpu.memory_space<vmem>>)
      tpu.yield
    }) : () -> ()
    %mul3A_162 = arith.constant 10752 : i32
    %mul3A_163 = arith.muli %arg0, %mul3A_162 : i32
    %add3A_164 = arith.addi %mul3A_163, %mul3A_8 : i32
    %add3A_165 = arith.constant 384 : i32
    %add3A_166 = arith.addi %add3A_164, %add3A_165 : i32
    "tpu.region"() ({
      %run_scoped3A = tpu.sem_alloc : memref<!tpu.dma_semaphore, #tpu.memory_space<semaphore_mem>>
      %dma_start3A = arith.constant 0 : i32
      %dma_start3A_223 = tpu.memref_slice %arg8[%add3A_166, %dma_start3A] : memref<21504x128xf32, #tpu.memory_space<hbm>> -> memref<32x128xf32, #tpu.memory_space<hbm>>
      %dma_start3A_224 = arith.constant 0 : i32
      %dma_start3A_225 = tpu.memref_slice %arg8[%add3A_166, %dma_start3A_224] : memref<21504x128xf32, #tpu.memory_space<hbm>> -> memref<32x128xf32, #tpu.memory_space<hbm>>
      tpu.enqueue_dma source(%arg16 : memref<32x128xf32, #tpu.memory_space<vmem>>) target(%dma_start3A_225 : memref<32x128xf32, #tpu.memory_space<hbm>>) target_semaphore(%run_scoped3A : memref<!tpu.dma_semaphore, #tpu.memory_space<semaphore_mem>>)
      %dma_wait3A_226 = arith.constant 0 : i32
      %dma_wait3A_227 = tpu.memref_slice %arg8[%add3A_166, %dma_wait3A_226] : memref<21504x128xf32, #tpu.memory_space<hbm>> -> memref<32x128xf32, #tpu.memory_space<hbm>>
      %dma_wait3A_228 = arith.constant 0 : i32
      %dma_wait3A_229 = tpu.memref_slice %arg8[%add3A_166, %dma_wait3A_228] : memref<21504x128xf32, #tpu.memory_space<hbm>> -> memref<32x128xf32, #tpu.memory_space<hbm>>
      tpu.wait_dma2 semaphore(%run_scoped3A : memref<!tpu.dma_semaphore, #tpu.memory_space<semaphore_mem>>) src(%arg16 : memref<32x128xf32, #tpu.memory_space<vmem>>) dst(%dma_wait3A_229 : memref<32x128xf32, #tpu.memory_space<hbm>>)
      tpu.yield
    }) : () -> ()
    %add3A_167 = arith.constant 416 : i32
    %add3A_168 = arith.addi %mul3A_8, %add3A_167 : i32
    "tpu.region"() ({
      %run_scoped3A = tpu.sem_alloc : memref<!tpu.dma_semaphore, #tpu.memory_space<semaphore_mem>>
      %dma_start3A = arith.constant 0 : i32
      %dma_start3A_223 = tpu.memref_slice %arg17[%add3A_168, %dma_start3A] : memref<10752x128xf32, #tpu.memory_space<vmem_shared>> -> memref<32x128xf32, #tpu.memory_space<vmem_shared>>
      %dma_start3A_224 = arith.constant 0 : i32
      %dma_start3A_225 = tpu.memref_slice %arg17[%add3A_168, %dma_start3A_224] : memref<10752x128xf32, #tpu.memory_space<vmem_shared>> -> memref<32x128xf32, #tpu.memory_space<vmem_shared>>
      tpu.enqueue_dma source(%dma_start3A_225 : memref<32x128xf32, #tpu.memory_space<vmem_shared>>) target(%arg16 : memref<32x128xf32, #tpu.memory_space<vmem>>) target_semaphore(%run_scoped3A : memref<!tpu.dma_semaphore, #tpu.memory_space<semaphore_mem>>)
      %dma_wait3A_226 = arith.constant 0 : i32
      %dma_wait3A_227 = tpu.memref_slice %arg17[%add3A_168, %dma_wait3A_226] : memref<10752x128xf32, #tpu.memory_space<vmem_shared>> -> memref<32x128xf32, #tpu.memory_space<vmem_shared>>
      %dma_wait3A_228 = arith.constant 0 : i32
      %dma_wait3A_229 = tpu.memref_slice %arg17[%add3A_168, %dma_wait3A_228] : memref<10752x128xf32, #tpu.memory_space<vmem_shared>> -> memref<32x128xf32, #tpu.memory_space<vmem_shared>>
      tpu.wait_dma2 semaphore(%run_scoped3A : memref<!tpu.dma_semaphore, #tpu.memory_space<semaphore_mem>>) src(%dma_wait3A_229 : memref<32x128xf32, #tpu.memory_space<vmem_shared>>) dst(%arg16 : memref<32x128xf32, #tpu.memory_space<vmem>>)
      tpu.yield
    }) : () -> ()
    %mul3A_169 = arith.constant 10752 : i32
    %mul3A_170 = arith.muli %arg0, %mul3A_169 : i32
    %add3A_171 = arith.addi %mul3A_170, %mul3A_8 : i32
    %add3A_172 = arith.constant 416 : i32
    %add3A_173 = arith.addi %add3A_171, %add3A_172 : i32
    "tpu.region"() ({
      %run_scoped3A = tpu.sem_alloc : memref<!tpu.dma_semaphore, #tpu.memory_space<semaphore_mem>>
      %dma_start3A = arith.constant 0 : i32
      %dma_start3A_223 = tpu.memref_slice %arg8[%add3A_173, %dma_start3A] : memref<21504x128xf32, #tpu.memory_space<hbm>> -> memref<32x128xf32, #tpu.memory_space<hbm>>
      %dma_start3A_224 = arith.constant 0 : i32
      %dma_start3A_225 = tpu.memref_slice %arg8[%add3A_173, %dma_start3A_224] : memref<21504x128xf32, #tpu.memory_space<hbm>> -> memref<32x128xf32, #tpu.memory_space<hbm>>
      tpu.enqueue_dma source(%arg16 : memref<32x128xf32, #tpu.memory_space<vmem>>) target(%dma_start3A_225 : memref<32x128xf32, #tpu.memory_space<hbm>>) target_semaphore(%run_scoped3A : memref<!tpu.dma_semaphore, #tpu.memory_space<semaphore_mem>>)
      %dma_wait3A_226 = arith.constant 0 : i32
      %dma_wait3A_227 = tpu.memref_slice %arg8[%add3A_173, %dma_wait3A_226] : memref<21504x128xf32, #tpu.memory_space<hbm>> -> memref<32x128xf32, #tpu.memory_space<hbm>>
      %dma_wait3A_228 = arith.constant 0 : i32
      %dma_wait3A_229 = tpu.memref_slice %arg8[%add3A_173, %dma_wait3A_228] : memref<21504x128xf32, #tpu.memory_space<hbm>> -> memref<32x128xf32, #tpu.memory_space<hbm>>
      tpu.wait_dma2 semaphore(%run_scoped3A : memref<!tpu.dma_semaphore, #tpu.memory_space<semaphore_mem>>) src(%arg16 : memref<32x128xf32, #tpu.memory_space<vmem>>) dst(%dma_wait3A_229 : memref<32x128xf32, #tpu.memory_space<hbm>>)
      tpu.yield
    }) : () -> ()
    %add3A_174 = arith.constant 448 : i32
    %add3A_175 = arith.addi %mul3A_8, %add3A_174 : i32
    "tpu.region"() ({
      %run_scoped3A = tpu.sem_alloc : memref<!tpu.dma_semaphore, #tpu.memory_space<semaphore_mem>>
      %dma_start3A = arith.constant 0 : i32
      %dma_start3A_223 = tpu.memref_slice %arg17[%add3A_175, %dma_start3A] : memref<10752x128xf32, #tpu.memory_space<vmem_shared>> -> memref<32x128xf32, #tpu.memory_space<vmem_shared>>
      %dma_start3A_224 = arith.constant 0 : i32
      %dma_start3A_225 = tpu.memref_slice %arg17[%add3A_175, %dma_start3A_224] : memref<10752x128xf32, #tpu.memory_space<vmem_shared>> -> memref<32x128xf32, #tpu.memory_space<vmem_shared>>
      tpu.enqueue_dma source(%dma_start3A_225 : memref<32x128xf32, #tpu.memory_space<vmem_shared>>) target(%arg16 : memref<32x128xf32, #tpu.memory_space<vmem>>) target_semaphore(%run_scoped3A : memref<!tpu.dma_semaphore, #tpu.memory_space<semaphore_mem>>)
      %dma_wait3A_226 = arith.constant 0 : i32
      %dma_wait3A_227 = tpu.memref_slice %arg17[%add3A_175, %dma_wait3A_226] : memref<10752x128xf32, #tpu.memory_space<vmem_shared>> -> memref<32x128xf32, #tpu.memory_space<vmem_shared>>
      %dma_wait3A_228 = arith.constant 0 : i32
      %dma_wait3A_229 = tpu.memref_slice %arg17[%add3A_175, %dma_wait3A_228] : memref<10752x128xf32, #tpu.memory_space<vmem_shared>> -> memref<32x128xf32, #tpu.memory_space<vmem_shared>>
      tpu.wait_dma2 semaphore(%run_scoped3A : memref<!tpu.dma_semaphore, #tpu.memory_space<semaphore_mem>>) src(%dma_wait3A_229 : memref<32x128xf32, #tpu.memory_space<vmem_shared>>) dst(%arg16 : memref<32x128xf32, #tpu.memory_space<vmem>>)
      tpu.yield
    }) : () -> ()
    %mul3A_176 = arith.constant 10752 : i32
    %mul3A_177 = arith.muli %arg0, %mul3A_176 : i32
    %add3A_178 = arith.addi %mul3A_177, %mul3A_8 : i32
    %add3A_179 = arith.constant 448 : i32
    %add3A_180 = arith.addi %add3A_178, %add3A_179 : i32
    "tpu.region"() ({
      %run_scoped3A = tpu.sem_alloc : memref<!tpu.dma_semaphore, #tpu.memory_space<semaphore_mem>>
      %dma_start3A = arith.constant 0 : i32
      %dma_start3A_223 = tpu.memref_slice %arg8[%add3A_180, %dma_start3A] : memref<21504x128xf32, #tpu.memory_space<hbm>> -> memref<32x128xf32, #tpu.memory_space<hbm>>
      %dma_start3A_224 = arith.constant 0 : i32
      %dma_start3A_225 = tpu.memref_slice %arg8[%add3A_180, %dma_start3A_224] : memref<21504x128xf32, #tpu.memory_space<hbm>> -> memref<32x128xf32, #tpu.memory_space<hbm>>
      tpu.enqueue_dma source(%arg16 : memref<32x128xf32, #tpu.memory_space<vmem>>) target(%dma_start3A_225 : memref<32x128xf32, #tpu.memory_space<hbm>>) target_semaphore(%run_scoped3A : memref<!tpu.dma_semaphore, #tpu.memory_space<semaphore_mem>>)
      %dma_wait3A_226 = arith.constant 0 : i32
      %dma_wait3A_227 = tpu.memref_slice %arg8[%add3A_180, %dma_wait3A_226] : memref<21504x128xf32, #tpu.memory_space<hbm>> -> memref<32x128xf32, #tpu.memory_space<hbm>>
      %dma_wait3A_228 = arith.constant 0 : i32
      %dma_wait3A_229 = tpu.memref_slice %arg8[%add3A_180, %dma_wait3A_228] : memref<21504x128xf32, #tpu.memory_space<hbm>> -> memref<32x128xf32, #tpu.memory_space<hbm>>
      tpu.wait_dma2 semaphore(%run_scoped3A : memref<!tpu.dma_semaphore, #tpu.memory_space<semaphore_mem>>) src(%arg16 : memref<32x128xf32, #tpu.memory_space<vmem>>) dst(%dma_wait3A_229 : memref<32x128xf32, #tpu.memory_space<hbm>>)
      tpu.yield
    }) : () -> ()
    %add3A_181 = arith.constant 480 : i32
    %add3A_182 = arith.addi %mul3A_8, %add3A_181 : i32
    "tpu.region"() ({
      %run_scoped3A = tpu.sem_alloc : memref<!tpu.dma_semaphore, #tpu.memory_space<semaphore_mem>>
      %dma_start3A = arith.constant 0 : i32
      %dma_start3A_223 = tpu.memref_slice %arg17[%add3A_182, %dma_start3A] : memref<10752x128xf32, #tpu.memory_space<vmem_shared>> -> memref<32x128xf32, #tpu.memory_space<vmem_shared>>
      %dma_start3A_224 = arith.constant 0 : i32
      %dma_start3A_225 = tpu.memref_slice %arg17[%add3A_182, %dma_start3A_224] : memref<10752x128xf32, #tpu.memory_space<vmem_shared>> -> memref<32x128xf32, #tpu.memory_space<vmem_shared>>
      tpu.enqueue_dma source(%dma_start3A_225 : memref<32x128xf32, #tpu.memory_space<vmem_shared>>) target(%arg16 : memref<32x128xf32, #tpu.memory_space<vmem>>) target_semaphore(%run_scoped3A : memref<!tpu.dma_semaphore, #tpu.memory_space<semaphore_mem>>)
      %dma_wait3A_226 = arith.constant 0 : i32
      %dma_wait3A_227 = tpu.memref_slice %arg17[%add3A_182, %dma_wait3A_226] : memref<10752x128xf32, #tpu.memory_space<vmem_shared>> -> memref<32x128xf32, #tpu.memory_space<vmem_shared>>
      %dma_wait3A_228 = arith.constant 0 : i32
      %dma_wait3A_229 = tpu.memref_slice %arg17[%add3A_182, %dma_wait3A_228] : memref<10752x128xf32, #tpu.memory_space<vmem_shared>> -> memref<32x128xf32, #tpu.memory_space<vmem_shared>>
      tpu.wait_dma2 semaphore(%run_scoped3A : memref<!tpu.dma_semaphore, #tpu.memory_space<semaphore_mem>>) src(%dma_wait3A_229 : memref<32x128xf32, #tpu.memory_space<vmem_shared>>) dst(%arg16 : memref<32x128xf32, #tpu.memory_space<vmem>>)
      tpu.yield
    }) : () -> ()
    %mul3A_183 = arith.constant 10752 : i32
    %mul3A_184 = arith.muli %arg0, %mul3A_183 : i32
    %add3A_185 = arith.addi %mul3A_184, %mul3A_8 : i32
    %add3A_186 = arith.constant 480 : i32
    %add3A_187 = arith.addi %add3A_185, %add3A_186 : i32
    "tpu.region"() ({
      %run_scoped3A = tpu.sem_alloc : memref<!tpu.dma_semaphore, #tpu.memory_space<semaphore_mem>>
      %dma_start3A = arith.constant 0 : i32
      %dma_start3A_223 = tpu.memref_slice %arg8[%add3A_187, %dma_start3A] : memref<21504x128xf32, #tpu.memory_space<hbm>> -> memref<32x128xf32, #tpu.memory_space<hbm>>
      %dma_start3A_224 = arith.constant 0 : i32
      %dma_start3A_225 = tpu.memref_slice %arg8[%add3A_187, %dma_start3A_224] : memref<21504x128xf32, #tpu.memory_space<hbm>> -> memref<32x128xf32, #tpu.memory_space<hbm>>
      tpu.enqueue_dma source(%arg16 : memref<32x128xf32, #tpu.memory_space<vmem>>) target(%dma_start3A_225 : memref<32x128xf32, #tpu.memory_space<hbm>>) target_semaphore(%run_scoped3A : memref<!tpu.dma_semaphore, #tpu.memory_space<semaphore_mem>>)
      %dma_wait3A_226 = arith.constant 0 : i32
      %dma_wait3A_227 = tpu.memref_slice %arg8[%add3A_187, %dma_wait3A_226] : memref<21504x128xf32, #tpu.memory_space<hbm>> -> memref<32x128xf32, #tpu.memory_space<hbm>>
      %dma_wait3A_228 = arith.constant 0 : i32
      %dma_wait3A_229 = tpu.memref_slice %arg8[%add3A_187, %dma_wait3A_228] : memref<21504x128xf32, #tpu.memory_space<hbm>> -> memref<32x128xf32, #tpu.memory_space<hbm>>
      tpu.wait_dma2 semaphore(%run_scoped3A : memref<!tpu.dma_semaphore, #tpu.memory_space<semaphore_mem>>) src(%arg16 : memref<32x128xf32, #tpu.memory_space<vmem>>) dst(%dma_wait3A_229 : memref<32x128xf32, #tpu.memory_space<hbm>>)
      tpu.yield
    }) : () -> ()
    %add3A_188 = arith.constant 512 : i32
    %add3A_189 = arith.addi %mul3A_8, %add3A_188 : i32
    "tpu.region"() ({
      %run_scoped3A = tpu.sem_alloc : memref<!tpu.dma_semaphore, #tpu.memory_space<semaphore_mem>>
      %dma_start3A = arith.constant 0 : i32
      %dma_start3A_223 = tpu.memref_slice %arg17[%add3A_189, %dma_start3A] : memref<10752x128xf32, #tpu.memory_space<vmem_shared>> -> memref<32x128xf32, #tpu.memory_space<vmem_shared>>
      %dma_start3A_224 = arith.constant 0 : i32
      %dma_start3A_225 = tpu.memref_slice %arg17[%add3A_189, %dma_start3A_224] : memref<10752x128xf32, #tpu.memory_space<vmem_shared>> -> memref<32x128xf32, #tpu.memory_space<vmem_shared>>
      tpu.enqueue_dma source(%dma_start3A_225 : memref<32x128xf32, #tpu.memory_space<vmem_shared>>) target(%arg16 : memref<32x128xf32, #tpu.memory_space<vmem>>) target_semaphore(%run_scoped3A : memref<!tpu.dma_semaphore, #tpu.memory_space<semaphore_mem>>)
      %dma_wait3A_226 = arith.constant 0 : i32
      %dma_wait3A_227 = tpu.memref_slice %arg17[%add3A_189, %dma_wait3A_226] : memref<10752x128xf32, #tpu.memory_space<vmem_shared>> -> memref<32x128xf32, #tpu.memory_space<vmem_shared>>
      %dma_wait3A_228 = arith.constant 0 : i32
      %dma_wait3A_229 = tpu.memref_slice %arg17[%add3A_189, %dma_wait3A_228] : memref<10752x128xf32, #tpu.memory_space<vmem_shared>> -> memref<32x128xf32, #tpu.memory_space<vmem_shared>>
      tpu.wait_dma2 semaphore(%run_scoped3A : memref<!tpu.dma_semaphore, #tpu.memory_space<semaphore_mem>>) src(%dma_wait3A_229 : memref<32x128xf32, #tpu.memory_space<vmem_shared>>) dst(%arg16 : memref<32x128xf32, #tpu.memory_space<vmem>>)
      tpu.yield
    }) : () -> ()
    %mul3A_190 = arith.constant 10752 : i32
    %mul3A_191 = arith.muli %arg0, %mul3A_190 : i32
    %add3A_192 = arith.addi %mul3A_191, %mul3A_8 : i32
    %add3A_193 = arith.constant 512 : i32
    %add3A_194 = arith.addi %add3A_192, %add3A_193 : i32
    "tpu.region"() ({
      %run_scoped3A = tpu.sem_alloc : memref<!tpu.dma_semaphore, #tpu.memory_space<semaphore_mem>>
      %dma_start3A = arith.constant 0 : i32
      %dma_start3A_223 = tpu.memref_slice %arg8[%add3A_194, %dma_start3A] : memref<21504x128xf32, #tpu.memory_space<hbm>> -> memref<32x128xf32, #tpu.memory_space<hbm>>
      %dma_start3A_224 = arith.constant 0 : i32
      %dma_start3A_225 = tpu.memref_slice %arg8[%add3A_194, %dma_start3A_224] : memref<21504x128xf32, #tpu.memory_space<hbm>> -> memref<32x128xf32, #tpu.memory_space<hbm>>
      tpu.enqueue_dma source(%arg16 : memref<32x128xf32, #tpu.memory_space<vmem>>) target(%dma_start3A_225 : memref<32x128xf32, #tpu.memory_space<hbm>>) target_semaphore(%run_scoped3A : memref<!tpu.dma_semaphore, #tpu.memory_space<semaphore_mem>>)
      %dma_wait3A_226 = arith.constant 0 : i32
      %dma_wait3A_227 = tpu.memref_slice %arg8[%add3A_194, %dma_wait3A_226] : memref<21504x128xf32, #tpu.memory_space<hbm>> -> memref<32x128xf32, #tpu.memory_space<hbm>>
      %dma_wait3A_228 = arith.constant 0 : i32
      %dma_wait3A_229 = tpu.memref_slice %arg8[%add3A_194, %dma_wait3A_228] : memref<21504x128xf32, #tpu.memory_space<hbm>> -> memref<32x128xf32, #tpu.memory_space<hbm>>
      tpu.wait_dma2 semaphore(%run_scoped3A : memref<!tpu.dma_semaphore, #tpu.memory_space<semaphore_mem>>) src(%arg16 : memref<32x128xf32, #tpu.memory_space<vmem>>) dst(%dma_wait3A_229 : memref<32x128xf32, #tpu.memory_space<hbm>>)
      tpu.yield
    }) : () -> ()
    %add3A_195 = arith.constant 544 : i32
    %add3A_196 = arith.addi %mul3A_8, %add3A_195 : i32
    "tpu.region"() ({
      %run_scoped3A = tpu.sem_alloc : memref<!tpu.dma_semaphore, #tpu.memory_space<semaphore_mem>>
      %dma_start3A = arith.constant 0 : i32
      %dma_start3A_223 = tpu.memref_slice %arg17[%add3A_196, %dma_start3A] : memref<10752x128xf32, #tpu.memory_space<vmem_shared>> -> memref<32x128xf32, #tpu.memory_space<vmem_shared>>
      %dma_start3A_224 = arith.constant 0 : i32
      %dma_start3A_225 = tpu.memref_slice %arg17[%add3A_196, %dma_start3A_224] : memref<10752x128xf32, #tpu.memory_space<vmem_shared>> -> memref<32x128xf32, #tpu.memory_space<vmem_shared>>
      tpu.enqueue_dma source(%dma_start3A_225 : memref<32x128xf32, #tpu.memory_space<vmem_shared>>) target(%arg16 : memref<32x128xf32, #tpu.memory_space<vmem>>) target_semaphore(%run_scoped3A : memref<!tpu.dma_semaphore, #tpu.memory_space<semaphore_mem>>)
      %dma_wait3A_226 = arith.constant 0 : i32
      %dma_wait3A_227 = tpu.memref_slice %arg17[%add3A_196, %dma_wait3A_226] : memref<10752x128xf32, #tpu.memory_space<vmem_shared>> -> memref<32x128xf32, #tpu.memory_space<vmem_shared>>
      %dma_wait3A_228 = arith.constant 0 : i32
      %dma_wait3A_229 = tpu.memref_slice %arg17[%add3A_196, %dma_wait3A_228] : memref<10752x128xf32, #tpu.memory_space<vmem_shared>> -> memref<32x128xf32, #tpu.memory_space<vmem_shared>>
      tpu.wait_dma2 semaphore(%run_scoped3A : memref<!tpu.dma_semaphore, #tpu.memory_space<semaphore_mem>>) src(%dma_wait3A_229 : memref<32x128xf32, #tpu.memory_space<vmem_shared>>) dst(%arg16 : memref<32x128xf32, #tpu.memory_space<vmem>>)
      tpu.yield
    }) : () -> ()
    %mul3A_197 = arith.constant 10752 : i32
    %mul3A_198 = arith.muli %arg0, %mul3A_197 : i32
    %add3A_199 = arith.addi %mul3A_198, %mul3A_8 : i32
    %add3A_200 = arith.constant 544 : i32
    %add3A_201 = arith.addi %add3A_199, %add3A_200 : i32
    "tpu.region"() ({
      %run_scoped3A = tpu.sem_alloc : memref<!tpu.dma_semaphore, #tpu.memory_space<semaphore_mem>>
      %dma_start3A = arith.constant 0 : i32
      %dma_start3A_223 = tpu.memref_slice %arg8[%add3A_201, %dma_start3A] : memref<21504x128xf32, #tpu.memory_space<hbm>> -> memref<32x128xf32, #tpu.memory_space<hbm>>
      %dma_start3A_224 = arith.constant 0 : i32
      %dma_start3A_225 = tpu.memref_slice %arg8[%add3A_201, %dma_start3A_224] : memref<21504x128xf32, #tpu.memory_space<hbm>> -> memref<32x128xf32, #tpu.memory_space<hbm>>
      tpu.enqueue_dma source(%arg16 : memref<32x128xf32, #tpu.memory_space<vmem>>) target(%dma_start3A_225 : memref<32x128xf32, #tpu.memory_space<hbm>>) target_semaphore(%run_scoped3A : memref<!tpu.dma_semaphore, #tpu.memory_space<semaphore_mem>>)
      %dma_wait3A_226 = arith.constant 0 : i32
      %dma_wait3A_227 = tpu.memref_slice %arg8[%add3A_201, %dma_wait3A_226] : memref<21504x128xf32, #tpu.memory_space<hbm>> -> memref<32x128xf32, #tpu.memory_space<hbm>>
      %dma_wait3A_228 = arith.constant 0 : i32
      %dma_wait3A_229 = tpu.memref_slice %arg8[%add3A_201, %dma_wait3A_228] : memref<21504x128xf32, #tpu.memory_space<hbm>> -> memref<32x128xf32, #tpu.memory_space<hbm>>
      tpu.wait_dma2 semaphore(%run_scoped3A : memref<!tpu.dma_semaphore, #tpu.memory_space<semaphore_mem>>) src(%arg16 : memref<32x128xf32, #tpu.memory_space<vmem>>) dst(%dma_wait3A_229 : memref<32x128xf32, #tpu.memory_space<hbm>>)
      tpu.yield
    }) : () -> ()
    %add3A_202 = arith.constant 576 : i32
    %add3A_203 = arith.addi %mul3A_8, %add3A_202 : i32
    "tpu.region"() ({
      %run_scoped3A = tpu.sem_alloc : memref<!tpu.dma_semaphore, #tpu.memory_space<semaphore_mem>>
      %dma_start3A = arith.constant 0 : i32
      %dma_start3A_223 = tpu.memref_slice %arg17[%add3A_203, %dma_start3A] : memref<10752x128xf32, #tpu.memory_space<vmem_shared>> -> memref<32x128xf32, #tpu.memory_space<vmem_shared>>
      %dma_start3A_224 = arith.constant 0 : i32
      %dma_start3A_225 = tpu.memref_slice %arg17[%add3A_203, %dma_start3A_224] : memref<10752x128xf32, #tpu.memory_space<vmem_shared>> -> memref<32x128xf32, #tpu.memory_space<vmem_shared>>
      tpu.enqueue_dma source(%dma_start3A_225 : memref<32x128xf32, #tpu.memory_space<vmem_shared>>) target(%arg16 : memref<32x128xf32, #tpu.memory_space<vmem>>) target_semaphore(%run_scoped3A : memref<!tpu.dma_semaphore, #tpu.memory_space<semaphore_mem>>)
      %dma_wait3A_226 = arith.constant 0 : i32
      %dma_wait3A_227 = tpu.memref_slice %arg17[%add3A_203, %dma_wait3A_226] : memref<10752x128xf32, #tpu.memory_space<vmem_shared>> -> memref<32x128xf32, #tpu.memory_space<vmem_shared>>
      %dma_wait3A_228 = arith.constant 0 : i32
      %dma_wait3A_229 = tpu.memref_slice %arg17[%add3A_203, %dma_wait3A_228] : memref<10752x128xf32, #tpu.memory_space<vmem_shared>> -> memref<32x128xf32, #tpu.memory_space<vmem_shared>>
      tpu.wait_dma2 semaphore(%run_scoped3A : memref<!tpu.dma_semaphore, #tpu.memory_space<semaphore_mem>>) src(%dma_wait3A_229 : memref<32x128xf32, #tpu.memory_space<vmem_shared>>) dst(%arg16 : memref<32x128xf32, #tpu.memory_space<vmem>>)
      tpu.yield
    }) : () -> ()
    %mul3A_204 = arith.constant 10752 : i32
    %mul3A_205 = arith.muli %arg0, %mul3A_204 : i32
    %add3A_206 = arith.addi %mul3A_205, %mul3A_8 : i32
    %add3A_207 = arith.constant 576 : i32
    %add3A_208 = arith.addi %add3A_206, %add3A_207 : i32
    "tpu.region"() ({
      %run_scoped3A = tpu.sem_alloc : memref<!tpu.dma_semaphore, #tpu.memory_space<semaphore_mem>>
      %dma_start3A = arith.constant 0 : i32
      %dma_start3A_223 = tpu.memref_slice %arg8[%add3A_208, %dma_start3A] : memref<21504x128xf32, #tpu.memory_space<hbm>> -> memref<32x128xf32, #tpu.memory_space<hbm>>
      %dma_start3A_224 = arith.constant 0 : i32
      %dma_start3A_225 = tpu.memref_slice %arg8[%add3A_208, %dma_start3A_224] : memref<21504x128xf32, #tpu.memory_space<hbm>> -> memref<32x128xf32, #tpu.memory_space<hbm>>
      tpu.enqueue_dma source(%arg16 : memref<32x128xf32, #tpu.memory_space<vmem>>) target(%dma_start3A_225 : memref<32x128xf32, #tpu.memory_space<hbm>>) target_semaphore(%run_scoped3A : memref<!tpu.dma_semaphore, #tpu.memory_space<semaphore_mem>>)
      %dma_wait3A_226 = arith.constant 0 : i32
      %dma_wait3A_227 = tpu.memref_slice %arg8[%add3A_208, %dma_wait3A_226] : memref<21504x128xf32, #tpu.memory_space<hbm>> -> memref<32x128xf32, #tpu.memory_space<hbm>>
      %dma_wait3A_228 = arith.constant 0 : i32
      %dma_wait3A_229 = tpu.memref_slice %arg8[%add3A_208, %dma_wait3A_228] : memref<21504x128xf32, #tpu.memory_space<hbm>> -> memref<32x128xf32, #tpu.memory_space<hbm>>
      tpu.wait_dma2 semaphore(%run_scoped3A : memref<!tpu.dma_semaphore, #tpu.memory_space<semaphore_mem>>) src(%arg16 : memref<32x128xf32, #tpu.memory_space<vmem>>) dst(%dma_wait3A_229 : memref<32x128xf32, #tpu.memory_space<hbm>>)
      tpu.yield
    }) : () -> ()
    %add3A_209 = arith.constant 608 : i32
    %add3A_210 = arith.addi %mul3A_8, %add3A_209 : i32
    "tpu.region"() ({
      %run_scoped3A = tpu.sem_alloc : memref<!tpu.dma_semaphore, #tpu.memory_space<semaphore_mem>>
      %dma_start3A = arith.constant 0 : i32
      %dma_start3A_223 = tpu.memref_slice %arg17[%add3A_210, %dma_start3A] : memref<10752x128xf32, #tpu.memory_space<vmem_shared>> -> memref<32x128xf32, #tpu.memory_space<vmem_shared>>
      %dma_start3A_224 = arith.constant 0 : i32
      %dma_start3A_225 = tpu.memref_slice %arg17[%add3A_210, %dma_start3A_224] : memref<10752x128xf32, #tpu.memory_space<vmem_shared>> -> memref<32x128xf32, #tpu.memory_space<vmem_shared>>
      tpu.enqueue_dma source(%dma_start3A_225 : memref<32x128xf32, #tpu.memory_space<vmem_shared>>) target(%arg16 : memref<32x128xf32, #tpu.memory_space<vmem>>) target_semaphore(%run_scoped3A : memref<!tpu.dma_semaphore, #tpu.memory_space<semaphore_mem>>)
      %dma_wait3A_226 = arith.constant 0 : i32
      %dma_wait3A_227 = tpu.memref_slice %arg17[%add3A_210, %dma_wait3A_226] : memref<10752x128xf32, #tpu.memory_space<vmem_shared>> -> memref<32x128xf32, #tpu.memory_space<vmem_shared>>
      %dma_wait3A_228 = arith.constant 0 : i32
      %dma_wait3A_229 = tpu.memref_slice %arg17[%add3A_210, %dma_wait3A_228] : memref<10752x128xf32, #tpu.memory_space<vmem_shared>> -> memref<32x128xf32, #tpu.memory_space<vmem_shared>>
      tpu.wait_dma2 semaphore(%run_scoped3A : memref<!tpu.dma_semaphore, #tpu.memory_space<semaphore_mem>>) src(%dma_wait3A_229 : memref<32x128xf32, #tpu.memory_space<vmem_shared>>) dst(%arg16 : memref<32x128xf32, #tpu.memory_space<vmem>>)
      tpu.yield
    }) : () -> ()
    %mul3A_211 = arith.constant 10752 : i32
    %mul3A_212 = arith.muli %arg0, %mul3A_211 : i32
    %add3A_213 = arith.addi %mul3A_212, %mul3A_8 : i32
    %add3A_214 = arith.constant 608 : i32
    %add3A_215 = arith.addi %add3A_213, %add3A_214 : i32
    "tpu.region"() ({
      %run_scoped3A = tpu.sem_alloc : memref<!tpu.dma_semaphore, #tpu.memory_space<semaphore_mem>>
      %dma_start3A = arith.constant 0 : i32
      %dma_start3A_223 = tpu.memref_slice %arg8[%add3A_215, %dma_start3A] : memref<21504x128xf32, #tpu.memory_space<hbm>> -> memref<32x128xf32, #tpu.memory_space<hbm>>
      %dma_start3A_224 = arith.constant 0 : i32
      %dma_start3A_225 = tpu.memref_slice %arg8[%add3A_215, %dma_start3A_224] : memref<21504x128xf32, #tpu.memory_space<hbm>> -> memref<32x128xf32, #tpu.memory_space<hbm>>
      tpu.enqueue_dma source(%arg16 : memref<32x128xf32, #tpu.memory_space<vmem>>) target(%dma_start3A_225 : memref<32x128xf32, #tpu.memory_space<hbm>>) target_semaphore(%run_scoped3A : memref<!tpu.dma_semaphore, #tpu.memory_space<semaphore_mem>>)
      %dma_wait3A_226 = arith.constant 0 : i32
      %dma_wait3A_227 = tpu.memref_slice %arg8[%add3A_215, %dma_wait3A_226] : memref<21504x128xf32, #tpu.memory_space<hbm>> -> memref<32x128xf32, #tpu.memory_space<hbm>>
      %dma_wait3A_228 = arith.constant 0 : i32
      %dma_wait3A_229 = tpu.memref_slice %arg8[%add3A_215, %dma_wait3A_228] : memref<21504x128xf32, #tpu.memory_space<hbm>> -> memref<32x128xf32, #tpu.memory_space<hbm>>
      tpu.wait_dma2 semaphore(%run_scoped3A : memref<!tpu.dma_semaphore, #tpu.memory_space<semaphore_mem>>) src(%arg16 : memref<32x128xf32, #tpu.memory_space<vmem>>) dst(%dma_wait3A_229 : memref<32x128xf32, #tpu.memory_space<hbm>>)
      tpu.yield
    }) : () -> ()
    %add3A_216 = arith.constant 640 : i32
    %add3A_217 = arith.addi %mul3A_8, %add3A_216 : i32
    "tpu.region"() ({
      %run_scoped3A = tpu.sem_alloc : memref<!tpu.dma_semaphore, #tpu.memory_space<semaphore_mem>>
      %dma_start3A = arith.constant 0 : i32
      %dma_start3A_223 = tpu.memref_slice %arg17[%add3A_217, %dma_start3A] : memref<10752x128xf32, #tpu.memory_space<vmem_shared>> -> memref<32x128xf32, #tpu.memory_space<vmem_shared>>
      %dma_start3A_224 = arith.constant 0 : i32
      %dma_start3A_225 = tpu.memref_slice %arg17[%add3A_217, %dma_start3A_224] : memref<10752x128xf32, #tpu.memory_space<vmem_shared>> -> memref<32x128xf32, #tpu.memory_space<vmem_shared>>
      tpu.enqueue_dma source(%dma_start3A_225 : memref<32x128xf32, #tpu.memory_space<vmem_shared>>) target(%arg16 : memref<32x128xf32, #tpu.memory_space<vmem>>) target_semaphore(%run_scoped3A : memref<!tpu.dma_semaphore, #tpu.memory_space<semaphore_mem>>)
      %dma_wait3A_226 = arith.constant 0 : i32
      %dma_wait3A_227 = tpu.memref_slice %arg17[%add3A_217, %dma_wait3A_226] : memref<10752x128xf32, #tpu.memory_space<vmem_shared>> -> memref<32x128xf32, #tpu.memory_space<vmem_shared>>
      %dma_wait3A_228 = arith.constant 0 : i32
      %dma_wait3A_229 = tpu.memref_slice %arg17[%add3A_217, %dma_wait3A_228] : memref<10752x128xf32, #tpu.memory_space<vmem_shared>> -> memref<32x128xf32, #tpu.memory_space<vmem_shared>>
      tpu.wait_dma2 semaphore(%run_scoped3A : memref<!tpu.dma_semaphore, #tpu.memory_space<semaphore_mem>>) src(%dma_wait3A_229 : memref<32x128xf32, #tpu.memory_space<vmem_shared>>) dst(%arg16 : memref<32x128xf32, #tpu.memory_space<vmem>>)
      tpu.yield
    }) : () -> ()
    %mul3A_218 = arith.constant 10752 : i32
    %mul3A_219 = arith.muli %arg0, %mul3A_218 : i32
    %add3A_220 = arith.addi %mul3A_219, %mul3A_8 : i32
    %add3A_221 = arith.constant 640 : i32
    %add3A_222 = arith.addi %add3A_220, %add3A_221 : i32
    "tpu.region"() ({
      %run_scoped3A = tpu.sem_alloc : memref<!tpu.dma_semaphore, #tpu.memory_space<semaphore_mem>>
      %dma_start3A = arith.constant 0 : i32
      %dma_start3A_223 = tpu.memref_slice %arg8[%add3A_222, %dma_start3A] : memref<21504x128xf32, #tpu.memory_space<hbm>> -> memref<32x128xf32, #tpu.memory_space<hbm>>
      %dma_start3A_224 = arith.constant 0 : i32
      %dma_start3A_225 = tpu.memref_slice %arg8[%add3A_222, %dma_start3A_224] : memref<21504x128xf32, #tpu.memory_space<hbm>> -> memref<32x128xf32, #tpu.memory_space<hbm>>
      tpu.enqueue_dma source(%arg16 : memref<32x128xf32, #tpu.memory_space<vmem>>) target(%dma_start3A_225 : memref<32x128xf32, #tpu.memory_space<hbm>>) target_semaphore(%run_scoped3A : memref<!tpu.dma_semaphore, #tpu.memory_space<semaphore_mem>>)
      %dma_wait3A_226 = arith.constant 0 : i32
      %dma_wait3A_227 = tpu.memref_slice %arg8[%add3A_222, %dma_wait3A_226] : memref<21504x128xf32, #tpu.memory_space<hbm>> -> memref<32x128xf32, #tpu.memory_space<hbm>>
      %dma_wait3A_228 = arith.constant 0 : i32
      %dma_wait3A_229 = tpu.memref_slice %arg8[%add3A_222, %dma_wait3A_228] : memref<21504x128xf32, #tpu.memory_space<hbm>> -> memref<32x128xf32, #tpu.memory_space<hbm>>
      tpu.wait_dma2 semaphore(%run_scoped3A : memref<!tpu.dma_semaphore, #tpu.memory_space<semaphore_mem>>) src(%arg16 : memref<32x128xf32, #tpu.memory_space<vmem>>) dst(%dma_wait3A_229 : memref<32x128xf32, #tpu.memory_space<hbm>>)
      tpu.yield
    }) : () -> ()
    return
  }
}

module attributes {stable_mosaic.version = 14 : i64} {
  func.func @_edge_prep_body(%arg0: i32, %arg1: memref<4000x128xf32, #tpu.memory_space<vmem>>, %arg2: memref<1x128xf32, #tpu.memory_space<vmem>>, %arg3: memref<1x128xf32, #tpu.memory_space<vmem>>, %arg4: memref<128x128xf32, #tpu.memory_space<vmem>>, %arg5: memref<4000x128xf32, #tpu.memory_space<vmem>>) attributes {dimension_semantics = [#tpu.dimension_semantics<arbitrary>], iteration_bounds = array<i64: 80>, scalar_prefetch = 0 : i64, scratch_operands = 0 : i64, tpu.core_type = #tpu.core_type<tc>, window_params = [{transform_indices = @transform_0, window_bounds = array<i64: 4000, 128>}, {pipeline_mode = #tpu.pipeline_mode<synchronous>, transform_indices = @transform_1, window_bounds = array<i64: 1, 128>}, {pipeline_mode = #tpu.pipeline_mode<synchronous>, transform_indices = @transform_2, window_bounds = array<i64: 1, 128>}, {pipeline_mode = #tpu.pipeline_mode<synchronous>, transform_indices = @transform_3, window_bounds = array<i64: 128, 128>}, {transform_indices = @transform_4, window_bounds = array<i64: 4000, 128>}]} {
    %get3A = arith.constant 0 : index
    %get3A_0 = arith.constant 0 : index
    %get3A_1 = vector.load %arg1[%get3A, %get3A_0] : memref<4000x128xf32, #tpu.memory_space<vmem>>, vector<4000x128xf32>
    %get3A_2 = arith.constant 0 : index
    %get3A_3 = arith.constant 0 : index
    %get3A_4 = vector.load %arg2[%get3A_2, %get3A_3] : memref<1x128xf32, #tpu.memory_space<vmem>>, vector<1x128xf32>
    %get3A_5 = arith.constant 0 : index
    %get3A_6 = arith.constant 0 : index
    %get3A_7 = vector.load %arg3[%get3A_5, %get3A_6] : memref<1x128xf32, #tpu.memory_space<vmem>>, vector<1x128xf32>
    %reduce_sum3A = arith.constant dense<0.000000e+00> : vector<4000xf32>
    %reduce_sum3A_8 = vector.multi_reduction <add>, %get3A_1, %reduce_sum3A [1] : vector<4000x128xf32> to vector<4000xf32>
    %broadcast_in_dim3A = vector.shape_cast %reduce_sum3A_8 : vector<4000xf32> to vector<4000x1xf32>
    %div3A = arith.constant 1.280000e+02 : f32
    %div3A_9 = vector.broadcast %div3A : f32 to vector<4000x1xf32>
    %div3A_10 = arith.divf %broadcast_in_dim3A, %div3A_9 : vector<4000x1xf32>
    %sub3A = vector.broadcast %div3A_10 : vector<4000x1xf32> to vector<4000x128xf32>
    %sub3A_11 = arith.subf %get3A_1, %sub3A : vector<4000x128xf32>
    %sub3A_12 = vector.broadcast %div3A_10 : vector<4000x1xf32> to vector<4000x128xf32>
    %sub3A_13 = arith.subf %get3A_1, %sub3A_12 : vector<4000x128xf32>
    %mul3A = arith.mulf %sub3A_11, %sub3A_13 : vector<4000x128xf32>
    %reduce_sum3A_14 = arith.constant dense<0.000000e+00> : vector<4000xf32>
    %reduce_sum3A_15 = vector.multi_reduction <add>, %mul3A, %reduce_sum3A_14 [1] : vector<4000x128xf32> to vector<4000xf32>
    %broadcast_in_dim3A_16 = vector.shape_cast %reduce_sum3A_15 : vector<4000xf32> to vector<4000x1xf32>
    %div3A_17 = arith.constant 1.280000e+02 : f32
    %div3A_18 = vector.broadcast %div3A_17 : f32 to vector<4000x1xf32>
    %div3A_19 = arith.divf %broadcast_in_dim3A_16, %div3A_18 : vector<4000x1xf32>
    %sub3A_20 = vector.broadcast %div3A_10 : vector<4000x1xf32> to vector<4000x128xf32>
    %sub3A_21 = arith.subf %get3A_1, %sub3A_20 : vector<4000x128xf32>
    %add3A = arith.constant 9.99999974E-6 : f32
    %add3A_22 = vector.broadcast %add3A : f32 to vector<4000x1xf32>
    %add3A_23 = arith.addf %div3A_19, %add3A_22 : vector<4000x1xf32>
    %rsqrt3A = math.rsqrt %add3A_23 : vector<4000x1xf32>
    %mul3A_24 = vector.broadcast %rsqrt3A : vector<4000x1xf32> to vector<4000x128xf32>
    %mul3A_25 = arith.mulf %sub3A_21, %mul3A_24 : vector<4000x128xf32>
    %mul3A_26 = vector.broadcast %get3A_4 : vector<1x128xf32> to vector<4000x128xf32>
    %mul3A_27 = arith.mulf %mul3A_25, %mul3A_26 : vector<4000x128xf32>
    %add3A_28 = vector.broadcast %get3A_7 : vector<1x128xf32> to vector<4000x128xf32>
    %add3A_29 = arith.addf %mul3A_27, %add3A_28 : vector<4000x128xf32>
    %get3A_30 = arith.constant 0 : index
    %get3A_31 = arith.constant 0 : index
    %get3A_32 = vector.load %arg4[%get3A_30, %get3A_31] : memref<128x128xf32, #tpu.memory_space<vmem>>, vector<128x128xf32>
    %dot_general3A = arith.constant dense<0.000000e+00> : vector<4000x128xf32>
    %dot_general3A_33 = tpu.matmul %add3A_29, %get3A_32, %dot_general3A {dimension_numbers = #tpu.dot_dimension_numbers<[1], [0], [0], [1], [0, 0, 1, 1], [], []>, transpose_lhs_hint = false} : vector<4000x128xf32>, vector<128x128xf32>, vector<4000x128xf32> -> vector<4000x128xf32>
    %swap3A = arith.constant 0 : index
    %swap3A_34 = arith.constant 0 : index
    %swap3A_35 = vector.load %arg5[%swap3A, %swap3A_34] : memref<4000x128xf32, #tpu.memory_space<vmem>>, vector<4000x128xf32>
    tpu.vector_store %arg5[%swap3A, %swap3A_34], %dot_general3A_33 {strides = array<i32>} : memref<4000x128xf32, #tpu.memory_space<vmem>>, vector<4000x128xf32>,
    return
  }
  func.func @transform_0(%arg0: i32) -> (i32, i32) {
    %c0_i32 = arith.constant 0 : i32
    %c0_i32_0 = arith.constant 0 : i32
    return %arg0, %c0_i32 : i32, i32
  }
  func.func @transform_1(%arg0: i32) -> (i32, i32) {
    %c0_i32 = arith.constant 0 : i32
    %c0_i32_0 = arith.constant 0 : i32
    %c0_i32_1 = arith.constant 0 : i32
    return %c0_i32, %c0_i32_0 : i32, i32
  }
  func.func @transform_2(%arg0: i32) -> (i32, i32) {
    %c0_i32 = arith.constant 0 : i32
    %c0_i32_0 = arith.constant 0 : i32
    %c0_i32_1 = arith.constant 0 : i32
    return %c0_i32, %c0_i32_0 : i32, i32
  }
  func.func @transform_3(%arg0: i32) -> (i32, i32) {
    %c0_i32 = arith.constant 0 : i32
    %c0_i32_0 = arith.constant 0 : i32
    %c0_i32_1 = arith.constant 0 : i32
    return %c0_i32, %c0_i32_0 : i32, i32
  }
  func.func @transform_4(%arg0: i32) -> (i32, i32) {
    %c0_i32 = arith.constant 0 : i32
    %c0_i32_0 = arith.constant 0 : i32
    return %arg0, %c0_i32 : i32, i32
  }
}

module attributes {stable_mosaic.version = 14 : i64} {
  func.func @_node_prep_body(%arg0: i32, %arg1: memref<2000x128xf32, #tpu.memory_space<vmem>>, %arg2: memref<1x128xf32, #tpu.memory_space<vmem>>, %arg3: memref<1x128xf32, #tpu.memory_space<vmem>>, %arg4: memref<128x128xf32, #tpu.memory_space<vmem>>, %arg5: memref<128x128xf32, #tpu.memory_space<vmem>>, %arg6: memref<128x128xf32, #tpu.memory_space<vmem>>, %arg7: memref<2000x128xf32, #tpu.memory_space<vmem>>, %arg8: memref<2000x128xf32, #tpu.memory_space<vmem>>, %arg9: memref<2000x128xf32, #tpu.memory_space<vmem>>) attributes {dimension_semantics = [#tpu.dimension_semantics<arbitrary>], iteration_bounds = array<i64: 5>, scalar_prefetch = 0 : i64, scratch_operands = 0 : i64, tpu.core_type = #tpu.core_type<tc>, window_params = [{transform_indices = @transform_0, window_bounds = array<i64: 2000, 128>}, {pipeline_mode = #tpu.pipeline_mode<synchronous>, transform_indices = @transform_1, window_bounds = array<i64: 1, 128>}, {pipeline_mode = #tpu.pipeline_mode<synchronous>, transform_indices = @transform_2, window_bounds = array<i64: 1, 128>}, {pipeline_mode = #tpu.pipeline_mode<synchronous>, transform_indices = @transform_3, window_bounds = array<i64: 128, 128>}, {pipeline_mode = #tpu.pipeline_mode<synchronous>, transform_indices = @transform_4, window_bounds = array<i64: 128, 128>}, {pipeline_mode = #tpu.pipeline_mode<synchronous>, transform_indices = @transform_5, window_bounds = array<i64: 128, 128>}, {transform_indices = @transform_6, window_bounds = array<i64: 2000, 128>}, {transform_indices = @transform_7, window_bounds = array<i64: 2000, 128>}, {transform_indices = @transform_8, window_bounds = array<i64: 2000, 128>}]} {
    %get3A = arith.constant 0 : index
    %get3A_0 = arith.constant 0 : index
    %get3A_1 = vector.load %arg1[%get3A, %get3A_0] : memref<2000x128xf32, #tpu.memory_space<vmem>>, vector<2000x128xf32>
    %get3A_2 = arith.constant 0 : index
    %get3A_3 = arith.constant 0 : index
    %get3A_4 = vector.load %arg2[%get3A_2, %get3A_3] : memref<1x128xf32, #tpu.memory_space<vmem>>, vector<1x128xf32>
    %get3A_5 = arith.constant 0 : index
    %get3A_6 = arith.constant 0 : index
    %get3A_7 = vector.load %arg3[%get3A_5, %get3A_6] : memref<1x128xf32, #tpu.memory_space<vmem>>, vector<1x128xf32>
    %reduce_sum3A = arith.constant dense<0.000000e+00> : vector<2000xf32>
    %reduce_sum3A_8 = vector.multi_reduction <add>, %get3A_1, %reduce_sum3A [1] : vector<2000x128xf32> to vector<2000xf32>
    %broadcast_in_dim3A = vector.shape_cast %reduce_sum3A_8 : vector<2000xf32> to vector<2000x1xf32>
    %div3A = arith.constant 1.280000e+02 : f32
    %div3A_9 = vector.broadcast %div3A : f32 to vector<2000x1xf32>
    %div3A_10 = arith.divf %broadcast_in_dim3A, %div3A_9 : vector<2000x1xf32>
    %sub3A = vector.broadcast %div3A_10 : vector<2000x1xf32> to vector<2000x128xf32>
    %sub3A_11 = arith.subf %get3A_1, %sub3A : vector<2000x128xf32>
    %sub3A_12 = vector.broadcast %div3A_10 : vector<2000x1xf32> to vector<2000x128xf32>
    %sub3A_13 = arith.subf %get3A_1, %sub3A_12 : vector<2000x128xf32>
    %mul3A = arith.mulf %sub3A_11, %sub3A_13 : vector<2000x128xf32>
    %reduce_sum3A_14 = arith.constant dense<0.000000e+00> : vector<2000xf32>
    %reduce_sum3A_15 = vector.multi_reduction <add>, %mul3A, %reduce_sum3A_14 [1] : vector<2000x128xf32> to vector<2000xf32>
    %broadcast_in_dim3A_16 = vector.shape_cast %reduce_sum3A_15 : vector<2000xf32> to vector<2000x1xf32>
    %div3A_17 = arith.constant 1.280000e+02 : f32
    %div3A_18 = vector.broadcast %div3A_17 : f32 to vector<2000x1xf32>
    %div3A_19 = arith.divf %broadcast_in_dim3A_16, %div3A_18 : vector<2000x1xf32>
    %sub3A_20 = vector.broadcast %div3A_10 : vector<2000x1xf32> to vector<2000x128xf32>
    %sub3A_21 = arith.subf %get3A_1, %sub3A_20 : vector<2000x128xf32>
    %add3A = arith.constant 9.99999974E-6 : f32
    %add3A_22 = vector.broadcast %add3A : f32 to vector<2000x1xf32>
    %add3A_23 = arith.addf %div3A_19, %add3A_22 : vector<2000x1xf32>
    %rsqrt3A = math.rsqrt %add3A_23 : vector<2000x1xf32>
    %mul3A_24 = vector.broadcast %rsqrt3A : vector<2000x1xf32> to vector<2000x128xf32>
    %mul3A_25 = arith.mulf %sub3A_21, %mul3A_24 : vector<2000x128xf32>
    %mul3A_26 = vector.broadcast %get3A_4 : vector<1x128xf32> to vector<2000x128xf32>
    %mul3A_27 = arith.mulf %mul3A_25, %mul3A_26 : vector<2000x128xf32>
    %add3A_28 = vector.broadcast %get3A_7 : vector<1x128xf32> to vector<2000x128xf32>
    %add3A_29 = arith.addf %mul3A_27, %add3A_28 : vector<2000x128xf32>
    %get3A_30 = arith.constant 0 : index
    %get3A_31 = arith.constant 0 : index
    %get3A_32 = vector.load %arg4[%get3A_30, %get3A_31] : memref<128x128xf32, #tpu.memory_space<vmem>>, vector<128x128xf32>
    %dot_general3A = arith.constant dense<0.000000e+00> : vector<2000x128xf32>
    %dot_general3A_33 = tpu.matmul %add3A_29, %get3A_32, %dot_general3A {dimension_numbers = #tpu.dot_dimension_numbers<[1], [0], [0], [1], [0, 0, 1, 1], [], []>, transpose_lhs_hint = false} : vector<2000x128xf32>, vector<128x128xf32>, vector<2000x128xf32> -> vector<2000x128xf32>
    %swap3A = arith.constant 0 : index
    %swap3A_34 = arith.constant 0 : index
    %swap3A_35 = vector.load %arg7[%swap3A, %swap3A_34] : memref<2000x128xf32, #tpu.memory_space<vmem>>, vector<2000x128xf32>
    tpu.vector_store %arg7[%swap3A, %swap3A_34], %dot_general3A_33 {strides = array<i32>} : memref<2000x128xf32, #tpu.memory_space<vmem>>, vector<2000x128xf32>,
    %get3A_36 = arith.constant 0 : index
    %get3A_37 = arith.constant 0 : index
    %get3A_38 = vector.load %arg5[%get3A_36, %get3A_37] : memref<128x128xf32, #tpu.memory_space<vmem>>, vector<128x128xf32>
    %dot_general3A_39 = arith.constant dense<0.000000e+00> : vector<2000x128xf32>
    %dot_general3A_40 = tpu.matmul %add3A_29, %get3A_38, %dot_general3A_39 {dimension_numbers = #tpu.dot_dimension_numbers<[1], [0], [0], [1], [0, 0, 1, 1], [], []>, transpose_lhs_hint = false} : vector<2000x128xf32>, vector<128x128xf32>, vector<2000x128xf32> -> vector<2000x128xf32>
    %mul3A_41 = arith.constant 0.176776692 : f32
    %mul3A_42 = vector.broadcast %mul3A_41 : f32 to vector<2000x128xf32>
    %mul3A_43 = arith.mulf %dot_general3A_40, %mul3A_42 : vector<2000x128xf32>
    %swap3A_44 = arith.constant 0 : index
    %swap3A_45 = arith.constant 0 : index
    %swap3A_46 = vector.load %arg8[%swap3A_44, %swap3A_45] : memref<2000x128xf32, #tpu.memory_space<vmem>>, vector<2000x128xf32>
    tpu.vector_store %arg8[%swap3A_44, %swap3A_45], %mul3A_43 {strides = array<i32>} : memref<2000x128xf32, #tpu.memory_space<vmem>>, vector<2000x128xf32>,
    %get3A_47 = arith.constant 0 : index
    %get3A_48 = arith.constant 0 : index
    %get3A_49 = vector.load %arg6[%get3A_47, %get3A_48] : memref<128x128xf32, #tpu.memory_space<vmem>>, vector<128x128xf32>
    %dot_general3A_50 = arith.constant dense<0.000000e+00> : vector<2000x128xf32>
    %dot_general3A_51 = tpu.matmul %add3A_29, %get3A_49, %dot_general3A_50 {dimension_numbers = #tpu.dot_dimension_numbers<[1], [0], [0], [1], [0, 0, 1, 1], [], []>, transpose_lhs_hint = false} : vector<2000x128xf32>, vector<128x128xf32>, vector<2000x128xf32> -> vector<2000x128xf32>
    %swap3A_52 = arith.constant 0 : index
    %swap3A_53 = arith.constant 0 : index
    %swap3A_54 = vector.load %arg9[%swap3A_52, %swap3A_53] : memref<2000x128xf32, #tpu.memory_space<vmem>>, vector<2000x128xf32>
    tpu.vector_store %arg9[%swap3A_52, %swap3A_53], %dot_general3A_51 {strides = array<i32>} : memref<2000x128xf32, #tpu.memory_space<vmem>>, vector<2000x128xf32>,
    return
  }
  func.func @transform_0(%arg0: i32) -> (i32, i32) {
    %c0_i32 = arith.constant 0 : i32
    %c0_i32_0 = arith.constant 0 : i32
    return %arg0, %c0_i32 : i32, i32
  }
  func.func @transform_1(%arg0: i32) -> (i32, i32) {
    %c0_i32 = arith.constant 0 : i32
    %c0_i32_0 = arith.constant 0 : i32
    %c0_i32_1 = arith.constant 0 : i32
    return %c0_i32, %c0_i32_0 : i32, i32
  }
  func.func @transform_2(%arg0: i32) -> (i32, i32) {
    %c0_i32 = arith.constant 0 : i32
    %c0_i32_0 = arith.constant 0 : i32
    %c0_i32_1 = arith.constant 0 : i32
    return %c0_i32, %c0_i32_0 : i32, i32
  }
  func.func @transform_3(%arg0: i32) -> (i32, i32) {
    %c0_i32 = arith.constant 0 : i32
    %c0_i32_0 = arith.constant 0 : i32
    %c0_i32_1 = arith.constant 0 : i32
    return %c0_i32, %c0_i32_0 : i32, i32
  }
  func.func @transform_4(%arg0: i32) -> (i32, i32) {
    %c0_i32 = arith.constant 0 : i32
    %c0_i32_0 = arith.constant 0 : i32
    %c0_i32_1 = arith.constant 0 : i32
    return %c0_i32, %c0_i32_0 : i32, i32
  }
  func.func @transform_5(%arg0: i32) -> (i32, i32) {
    %c0_i32 = arith.constant 0 : i32
    %c0_i32_0 = arith.constant 0 : i32
    %c0_i32_1 = arith.constant 0 : i32
    return %c0_i32, %c0_i32_0 : i32, i32
  }
  func.func @transform_6(%arg0: i32) -> (i32, i32) {
    %c0_i32 = arith.constant 0 : i32
    %c0_i32_0 = arith.constant 0 : i32
    return %arg0, %c0_i32 : i32, i32
  }
  func.func @transform_7(%arg0: i32) -> (i32, i32) {
    %c0_i32 = arith.constant 0 : i32
    %c0_i32_0 = arith.constant 0 : i32
    return %arg0, %c0_i32 : i32, i32
  }
  func.func @transform_8(%arg0: i32) -> (i32, i32) {
    %c0_i32 = arith.constant 0 : i32
    %c0_i32_0 = arith.constant 0 : i32
    return %arg0, %c0_i32 : i32, i32
  }
}

module attributes {stable_mosaic.version = 14 : i64} {
  func.func @_final_body(%arg0: i32, %arg1: memref<2x2048x128xf32, #tpu.memory_space<vmem>>, %arg2: memref<2x2048x4xf32, #tpu.memory_space<vmem>>, %arg3: memref<2048x128xf32, #tpu.memory_space<vmem>>, %arg4: memref<128x128xf32, #tpu.memory_space<vmem>>, %arg5: memref<1x128xf32, #tpu.memory_space<vmem>>, %arg6: memref<1x128xf32, #tpu.memory_space<vmem>>, %arg7: memref<1x128xf32, #tpu.memory_space<vmem>>, %arg8: memref<128x256xf32, #tpu.memory_space<vmem>>, %arg9: memref<256x128xf32, #tpu.memory_space<vmem>>, %arg10: memref<2048x128xf32, #tpu.memory_space<vmem>>) attributes {dimension_semantics = [#tpu.dimension_semantics<arbitrary>], iteration_bounds = array<i64: 5>, scalar_prefetch = 0 : i64, scratch_operands = 0 : i64, tpu.core_type = #tpu.core_type<tc>, window_params = [{transform_indices = @transform_0, window_bounds = array<i64: 2, 2048, 128>}, {transform_indices = @transform_1, window_bounds = array<i64: 2, 2048, 4>}, {transform_indices = @transform_2, window_bounds = array<i64: 2048, 128>}, {pipeline_mode = #tpu.pipeline_mode<synchronous>, transform_indices = @transform_3, window_bounds = array<i64: 128, 128>}, {pipeline_mode = #tpu.pipeline_mode<synchronous>, transform_indices = @transform_4, window_bounds = array<i64: 1, 128>}, {pipeline_mode = #tpu.pipeline_mode<synchronous>, transform_indices = @transform_5, window_bounds = array<i64: 1, 128>}, {pipeline_mode = #tpu.pipeline_mode<synchronous>, transform_indices = @transform_6, window_bounds = array<i64: 1, 128>}, {pipeline_mode = #tpu.pipeline_mode<synchronous>, transform_indices = @transform_7, window_bounds = array<i64: 128, 256>}, {pipeline_mode = #tpu.pipeline_mode<synchronous>, transform_indices = @transform_8, window_bounds = array<i64: 256, 128>}, {transform_indices = @transform_9, window_bounds = array<i64: 2048, 128>}]} {
    %get3A = arith.constant 0 : index
    %get3A_0 = arith.constant 0 : index
    %get3A_1 = arith.constant 0 : index
    %get3A_2 = vector.load %arg1[%get3A, %get3A_0, %get3A_1] : memref<2x2048x128xf32, #tpu.memory_space<vmem>>, vector<1x2048x128xf32>
    %get3A_3 = vector.shape_cast %get3A_2 : vector<1x2048x128xf32> to vector<2048x128xf32>
    %get3A_4 = arith.constant 1 : index
    %get3A_5 = arith.constant 0 : index
    %get3A_6 = arith.constant 0 : index
    %get3A_7 = vector.load %arg1[%get3A_4, %get3A_5, %get3A_6] : memref<2x2048x128xf32, #tpu.memory_space<vmem>>, vector<1x2048x128xf32>
    %get3A_8 = vector.shape_cast %get3A_7 : vector<1x2048x128xf32> to vector<2048x128xf32>
    %add3A = arith.addf %get3A_3, %get3A_8 : vector<2048x128xf32>
    %get3A_9 = arith.constant 0 : index
    %get3A_10 = arith.constant 0 : index
    %get3A_11 = arith.constant 0 : index
    %get3A_12 = vector.load %arg2[%get3A_9, %get3A_10, %get3A_11] : memref<2x2048x4xf32, #tpu.memory_space<vmem>>, vector<1x2048x4xf32>
    %get3A_13 = vector.shape_cast %get3A_12 : vector<1x2048x4xf32> to vector<2048x4xf32>
    %get3A_14 = arith.constant 1 : index
    %get3A_15 = arith.constant 0 : index
    %get3A_16 = arith.constant 0 : index
    %get3A_17 = vector.load %arg2[%get3A_14, %get3A_15, %get3A_16] : memref<2x2048x4xf32, #tpu.memory_space<vmem>>, vector<1x2048x4xf32>
    %get3A_18 = vector.shape_cast %get3A_17 : vector<1x2048x4xf32> to vector<2048x4xf32>
    %add3A_19 = arith.addf %get3A_13, %get3A_18 : vector<2048x4xf32>
    %slice3A = vector.extract_strided_slice %add3A_19 {offsets = [0, 0], sizes = [2048, 1], strides = [1, 1]} : vector<2048x4xf32> to vector<2048x1xf32>
    %broadcast_in_dim3A = vector.shape_cast %slice3A : vector<2048x1xf32> to vector<2048x1xf32>
    %broadcast_in_dim3A_20 = vector.broadcast %broadcast_in_dim3A : vector<2048x1xf32> to vector<2048x32xf32>
    %slice3A_21 = vector.extract_strided_slice %add3A_19 {offsets = [0, 1], sizes = [2048, 1], strides = [1, 1]} : vector<2048x4xf32> to vector<2048x1xf32>
    %broadcast_in_dim3A_22 = vector.shape_cast %slice3A_21 : vector<2048x1xf32> to vector<2048x1xf32>
    %broadcast_in_dim3A_23 = vector.broadcast %broadcast_in_dim3A_22 : vector<2048x1xf32> to vector<2048x32xf32>
    %slice3A_24 = vector.extract_strided_slice %add3A_19 {offsets = [0, 2], sizes = [2048, 1], strides = [1, 1]} : vector<2048x4xf32> to vector<2048x1xf32>
    %broadcast_in_dim3A_25 = vector.shape_cast %slice3A_24 : vector<2048x1xf32> to vector<2048x1xf32>
    %broadcast_in_dim3A_26 = vector.broadcast %broadcast_in_dim3A_25 : vector<2048x1xf32> to vector<2048x32xf32>
    %slice3A_27 = vector.extract_strided_slice %add3A_19 {offsets = [0, 3], sizes = [2048, 1], strides = [1, 1]} : vector<2048x4xf32> to vector<2048x1xf32>
    %broadcast_in_dim3A_28 = vector.shape_cast %slice3A_27 : vector<2048x1xf32> to vector<2048x1xf32>
    %broadcast_in_dim3A_29 = vector.broadcast %broadcast_in_dim3A_28 : vector<2048x1xf32> to vector<2048x32xf32>
    %concatenate3A = tpu.concatenate %broadcast_in_dim3A_20, %broadcast_in_dim3A_23, %broadcast_in_dim3A_26, %broadcast_in_dim3A_29 in 1 : vector<2048x32xf32>, vector<2048x32xf32>, vector<2048x32xf32>, vector<2048x32xf32> -> vector<2048x128xf32>
    %add3A_30 = arith.constant 9.99999997E-7 : f32
    %add3A_31 = vector.broadcast %add3A_30 : f32 to vector<2048x128xf32>
    %add3A_32 = arith.addf %concatenate3A, %add3A_31 : vector<2048x128xf32>
    %div3A = arith.divf %add3A, %add3A_32 : vector<2048x128xf32>
    %get3A_33 = arith.constant 0 : index
    %get3A_34 = arith.constant 0 : index
    %get3A_35 = vector.load %arg4[%get3A_33, %get3A_34] : memref<128x128xf32, #tpu.memory_space<vmem>>, vector<128x128xf32>
    %dot_general3A = arith.constant dense<0.000000e+00> : vector<2048x128xf32>
    %dot_general3A_36 = tpu.matmul %div3A, %get3A_35, %dot_general3A {dimension_numbers = #tpu.dot_dimension_numbers<[1], [0], [0], [1], [0, 0, 1, 1], [], []>, transpose_lhs_hint = false} : vector<2048x128xf32>, vector<128x128xf32>, vector<2048x128xf32> -> vector<2048x128xf32>
    %get3A_37 = arith.constant 0 : index
    %get3A_38 = arith.constant 0 : index
    %get3A_39 = vector.load %arg5[%get3A_37, %get3A_38] : memref<1x128xf32, #tpu.memory_space<vmem>>, vector<1x128xf32>
    %add3A_40 = vector.broadcast %get3A_39 : vector<1x128xf32> to vector<2048x128xf32>
    %add3A_41 = arith.addf %dot_general3A_36, %add3A_40 : vector<2048x128xf32>
    %get3A_42 = arith.constant 0 : index
    %get3A_43 = arith.constant 0 : index
    %get3A_44 = vector.load %arg3[%get3A_42, %get3A_43] : memref<2048x128xf32, #tpu.memory_space<vmem>>, vector<2048x128xf32>
    %add3A_45 = arith.addf %add3A_41, %get3A_44 : vector<2048x128xf32>
    %get3A_46 = arith.constant 0 : index
    %get3A_47 = arith.constant 0 : index
    %get3A_48 = vector.load %arg6[%get3A_46, %get3A_47] : memref<1x128xf32, #tpu.memory_space<vmem>>, vector<1x128xf32>
    %get3A_49 = arith.constant 0 : index
    %get3A_50 = arith.constant 0 : index
    %get3A_51 = vector.load %arg7[%get3A_49, %get3A_50] : memref<1x128xf32, #tpu.memory_space<vmem>>, vector<1x128xf32>
    %reduce_sum3A = arith.constant dense<0.000000e+00> : vector<2048xf32>
    %reduce_sum3A_52 = vector.multi_reduction <add>, %add3A_45, %reduce_sum3A [1] : vector<2048x128xf32> to vector<2048xf32>
    %broadcast_in_dim3A_53 = vector.shape_cast %reduce_sum3A_52 : vector<2048xf32> to vector<2048x1xf32>
    %div3A_54 = arith.constant 1.280000e+02 : f32
    %div3A_55 = vector.broadcast %div3A_54 : f32 to vector<2048x1xf32>
    %div3A_56 = arith.divf %broadcast_in_dim3A_53, %div3A_55 : vector<2048x1xf32>
    %sub3A = vector.broadcast %div3A_56 : vector<2048x1xf32> to vector<2048x128xf32>
    %sub3A_57 = arith.subf %add3A_45, %sub3A : vector<2048x128xf32>
    %sub3A_58 = vector.broadcast %div3A_56 : vector<2048x1xf32> to vector<2048x128xf32>
    %sub3A_59 = arith.subf %add3A_45, %sub3A_58 : vector<2048x128xf32>
    %mul3A = arith.mulf %sub3A_57, %sub3A_59 : vector<2048x128xf32>
    %reduce_sum3A_60 = arith.constant dense<0.000000e+00> : vector<2048xf32>
    %reduce_sum3A_61 = vector.multi_reduction <add>, %mul3A, %reduce_sum3A_60 [1] : vector<2048x128xf32> to vector<2048xf32>
    %broadcast_in_dim3A_62 = vector.shape_cast %reduce_sum3A_61 : vector<2048xf32> to vector<2048x1xf32>
    %div3A_63 = arith.constant 1.280000e+02 : f32
    %div3A_64 = vector.broadcast %div3A_63 : f32 to vector<2048x1xf32>
    %div3A_65 = arith.divf %broadcast_in_dim3A_62, %div3A_64 : vector<2048x1xf32>
    %sub3A_66 = vector.broadcast %div3A_56 : vector<2048x1xf32> to vector<2048x128xf32>
    %sub3A_67 = arith.subf %add3A_45, %sub3A_66 : vector<2048x128xf32>
    %add3A_68 = arith.constant 9.99999974E-6 : f32
    %add3A_69 = vector.broadcast %add3A_68 : f32 to vector<2048x1xf32>
    %add3A_70 = arith.addf %div3A_65, %add3A_69 : vector<2048x1xf32>
    %rsqrt3A = math.rsqrt %add3A_70 : vector<2048x1xf32>
    %mul3A_71 = vector.broadcast %rsqrt3A : vector<2048x1xf32> to vector<2048x128xf32>
    %mul3A_72 = arith.mulf %sub3A_67, %mul3A_71 : vector<2048x128xf32>
    %mul3A_73 = vector.broadcast %get3A_48 : vector<1x128xf32> to vector<2048x128xf32>
    %mul3A_74 = arith.mulf %mul3A_72, %mul3A_73 : vector<2048x128xf32>
    %add3A_75 = vector.broadcast %get3A_51 : vector<1x128xf32> to vector<2048x128xf32>
    %add3A_76 = arith.addf %mul3A_74, %add3A_75 : vector<2048x128xf32>
    %get3A_77 = arith.constant 0 : index
    %get3A_78 = arith.constant 0 : index
    %get3A_79 = vector.load %arg8[%get3A_77, %get3A_78] : memref<128x256xf32, #tpu.memory_space<vmem>>, vector<128x256xf32>
    %dot_general3A_80 = arith.constant dense<0.000000e+00> : vector<2048x256xf32>
    %dot_general3A_81 = tpu.matmul %add3A_76, %get3A_79, %dot_general3A_80 {dimension_numbers = #tpu.dot_dimension_numbers<[1], [0], [0], [1], [0, 0, 1, 1], [], []>, transpose_lhs_hint = false} : vector<2048x128xf32>, vector<128x256xf32>, vector<2048x256xf32> -> vector<2048x256xf32>
    %logistic3A = arith.negf %dot_general3A_81 : vector<2048x256xf32>
    %logistic3A_82 = math.exp %logistic3A : vector<2048x256xf32>
    %logistic3A_83 = arith.constant 1.000000e+00 : f32
    %logistic3A_84 = vector.broadcast %logistic3A_83 : f32 to vector<2048x256xf32>
    %logistic3A_85 = arith.addf %logistic3A_84, %logistic3A_82 : vector<2048x256xf32>
    %logistic3A_86 = arith.divf %logistic3A_84, %logistic3A_85 : vector<2048x256xf32>
    %mul3A_87 = arith.mulf %dot_general3A_81, %logistic3A_86 : vector<2048x256xf32>
    %get3A_88 = arith.constant 0 : index
    %get3A_89 = arith.constant 0 : index
    %get3A_90 = vector.load %arg9[%get3A_88, %get3A_89] : memref<256x128xf32, #tpu.memory_space<vmem>>, vector<256x128xf32>
    %dot_general3A_91 = arith.constant dense<0.000000e+00> : vector<2048x128xf32>
    %dot_general3A_92 = tpu.matmul %mul3A_87, %get3A_90, %dot_general3A_91 {dimension_numbers = #tpu.dot_dimension_numbers<[1], [0], [0], [1], [0, 0, 1, 1], [], []>, transpose_lhs_hint = false} : vector<2048x256xf32>, vector<256x128xf32>, vector<2048x128xf32> -> vector<2048x128xf32>
    %add3A_93 = arith.addf %add3A_45, %dot_general3A_92 : vector<2048x128xf32>
    %swap3A = arith.constant 0 : index
    %swap3A_94 = arith.constant 0 : index
    %swap3A_95 = vector.load %arg10[%swap3A, %swap3A_94] : memref<2048x128xf32, #tpu.memory_space<vmem>>, vector<2048x128xf32>
    tpu.vector_store %arg10[%swap3A, %swap3A_94], %add3A_93 {strides = array<i32>} : memref<2048x128xf32, #tpu.memory_space<vmem>>, vector<2048x128xf32>,
    return
  }
  func.func @transform_0(%arg0: i32) -> (i32, i32, i32) {
    %c0_i32 = arith.constant 0 : i32
    %c0_i32_0 = arith.constant 0 : i32
    %c0_i32_1 = arith.constant 0 : i32
    return %c0_i32, %arg0, %c0_i32_0 : i32, i32, i32
  }
  func.func @transform_1(%arg0: i32) -> (i32, i32, i32) {
    %c0_i32 = arith.constant 0 : i32
    %c0_i32_0 = arith.constant 0 : i32
    %c0_i32_1 = arith.constant 0 : i32
    return %c0_i32, %arg0, %c0_i32_0 : i32, i32, i32
  }
  func.func @transform_2(%arg0: i32) -> (i32, i32) {
    %c0_i32 = arith.constant 0 : i32
    %c0_i32_0 = arith.constant 0 : i32
    return %arg0, %c0_i32 : i32, i32
  }
  func.func @transform_3(%arg0: i32) -> (i32, i32) {
    %c0_i32 = arith.constant 0 : i32
    %c0_i32_0 = arith.constant 0 : i32
    %c0_i32_1 = arith.constant 0 : i32
    return %c0_i32, %c0_i32_0 : i32, i32
  }
  func.func @transform_4(%arg0: i32) -> (i32, i32) {
    %c0_i32 = arith.constant 0 : i32
    %c0_i32_0 = arith.constant 0 : i32
    %c0_i32_1 = arith.constant 0 : i32
    return %c0_i32, %c0_i32_0 : i32, i32
  }
  func.func @transform_5(%arg0: i32) -> (i32, i32) {
    %c0_i32 = arith.constant 0 : i32
    %c0_i32_0 = arith.constant 0 : i32
    %c0_i32_1 = arith.constant 0 : i32
    return %c0_i32, %c0_i32_0 : i32, i32
  }
  func.func @transform_6(%arg0: i32) -> (i32, i32) {
    %c0_i32 = arith.constant 0 : i32
    %c0_i32_0 = arith.constant 0 : i32
    %c0_i32_1 = arith.constant 0 : i32
    return %c0_i32, %c0_i32_0 : i32, i32
  }
  func.func @transform_7(%arg0: i32) -> (i32, i32) {
    %c0_i32 = arith.constant 0 : i32
    %c0_i32_0 = arith.constant 0 : i32
    %c0_i32_1 = arith.constant 0 : i32
    return %c0_i32, %c0_i32_0 : i32, i32
  }
  func.func @transform_8(%arg0: i32) -> (i32, i32) {
    %c0_i32 = arith.constant 0 : i32
    %c0_i32_0 = arith.constant 0 : i32
    %c0_i32_1 = arith.constant 0 : i32
    return %c0_i32, %c0_i32_0 : i32, i32
  }
  func.func @transform_9(%arg0: i32) -> (i32, i32) {
    %c0_i32 = arith.constant 0 : i32
    %c0_i32_0 = arith.constant 0 : i32
    return %arg0, %c0_i32 : i32, i32
  }
}

</mosaic_0001>

<sc_bundles>
// kernel: kernel.6.cloned.1.call-start
scs
__scs_entry_jumppad:
0x0: {  	(pc) =	sbr.rel $0x88, $3  }
0x1: {  	(tag) =	ssettag $0x0;
	lr =	simm.s32 $0x1  }
0x2: {  	[smem:$0x3F90] =	sst lr;
	_ =	strace $0xD0000000  }
0x3: {  	_ = 	snop  }
0x4: {  	_ = 	snop  }
0x5: {  	_ = 	snop  }
0x6: {  	_ = 	snop  }
0x7: {  	_ = 	snop  }
__scs_overlays_trampoline_lowered:
0x8: {  	[smem:$0x3F9F] =	sst s0  }
0x9: {  	[smem:$0x3FA0] =	sst s1  }
0xa: {  	[smem:$0x3FA1] =	sst s2  }
0xb: {  	[smem:$0x3FA2] =	sst s3  }
0xc: {  	[smem:$0x3FA3] =	sst s4  }
0xd: {  	[smem:$0x3FA4] =	sst s5  }
0xe: {  	[smem:$0x3FA5] =	sst s6  }
0xf: {  	[smem:$0x3FA6] =	sst s7  }
0x10: {  	[smem:$0x3FA7] =	sst s8  }
0x11: {  	[smem:$0x3FA8] =	sst s9;
	s0 =	simm.s32 @!p0 $0x0  }
0x12: {  	s1 =	sld [smem:$0x3F8E];
	s0 =	simm.s32 @p0 $0x1  }
0x13: {  	[smem:$0x3FA9] =	sst s0;
	s0 =	simm.s32 @!p1 $0x0  }
0x14: {  	s2 =	sld [smem:$0x3F8D];
	s0 =	simm.s32 @p1 $0x1  }
0x15: {  	[smem:$0x3FAA] =	sst s0;
	s0 =	simm.s32 @!p2 $0x0  }
0x16: {  	s3 =	sld [smem:$0x3FDB];
	s0 =	simm.s32 @p2 $0x1  }
0x17: {  	s4 =	simm.s32 $0x1BF5;
	[smem:$0x3FAC] =	sst s0  }
0x18: {  	s0 =	sld [smem:$0x3F8F];
	_ =	swait.ge [sflag:s4], $0x0  }
0x19: {  	s7 =	sld [smem:$0x3F90]  }
0x1a: {  	s8 =	sadd.s32 $0xFFFFE003, lr  }
0x1b: {  	s9 =	sadd.s32 $0xFFFFFEF7, lr;
	s5 =	simm.s32 $0xFFFFFFFF;
	p2 =	slt.u32 s8, $0xFFFFF086  }
0x1c: {  	p1 =	slt.u32 s9, $0xF7A;
	s5 =	simm.s32 @!p2 $0x0  }
0x1d: {  	s5 =	simm.s32 @p1 $0x1;
	p0 =	seq.s32 s7, s2  }
0x1e: {  	s7 =	smul.u32 @!p0 $0xF7A, s2;
	p2 =	seq.s32 @!p0 s5, $0x0  }
0x1f: {  	s9 =	smul.u32 $0xF7A, s1;
	s8 =	simm.s32 @!p0 $0x1BF5;
	p2 =	por !p2, p0  }
0x20: {  	[sflag:s8] =	ssyncset.s32 @!p0 $0xFFFFF086;
	s6 =	sadd.s32 @!p0 s3, s7;
	s7 =	simm.s32 @!p0 $0x108  }
0x21: {  	s3 =	sadd.s32 s3, s9;
	s6 =	sadd.s32 @!p0 $0x88, s6;
	s7 =	simm.s32 @p2 $0x1082  }
0x22: {  	[simem:s7], [sflag:s8] =	dma.local @!p0 [hbm:s6], $0xF7A  }
0x23: {  	s9 =	sor.u32 $0xD0000000, s2;
	s6 =	simm.s32 $0x108;
	_ =	swait.ge @!p0 [sflag:s8], $0x0  }
0x24: {  	s3 =	sadd.s32 $0x88, s3;
	s6 =	simm.s32 @!p1 $0x1082;
	[sflag:s4] =	ssyncset.s32 $0xFFFFF086  }
0x25: {  	[simem:s6], [sflag:s4] =	dma.local [hbm:s3], $0xF7A  }
0x26: {  	[smem:$0x3F90] =	sst s1;
	(tag) =	ssettag s2;
	_ =	strace s9  }
0x27: {  	s1 =	sld [smem:$0x3FA0]  }
0x28: {  	s2 =	sld [smem:$0x3FA1]  }
0x29: {  	s4 =	sld [smem:$0x3FA3]  }
0x2a: {  	p0 =	seq.s32 s5, $0x0;
	s5 =	sld [smem:$0x3FA4]  }
0x2b: {  	s6 =	sld [smem:$0x3FA5]  }
0x2c: {  	s7 =	sld [smem:$0x3FA6]  }
0x2d: {  	s3 =	simm.s32 $0x108;
	s8 =	sld [smem:$0x3FA7]  }
0x2e: {  	s3 =	simm.s32 @!p0 $0x1082;
	s9 =	sld [smem:$0x3FA8]  }
0x2f: {  	lr =	sadd.s32 s0, s3;
	s0 =	sld [smem:$0x3F9F]  }
0x30: {  	s3 =	sld [smem:$0x3FA2]  }
0x31: {  	[smem:$0x3FAB] =	sst s10  }
0x32: {  	s10 =	sld [smem:$0x3FA9];
	_ =	sdelay $0x3  }
0x33: {  	p0 =	seq.s32 s10, $0x1;
	s10 =	sld [smem:$0x3FAB];
	_ =	sdelay $0x3  }
0x34: {  	[smem:$0x3FAB] =	sst s10  }
0x35: {  	s10 =	sld [smem:$0x3FAA];
	_ =	sdelay $0x3  }
0x36: {  	p1 =	seq.s32 s10, $0x1;
	s10 =	sld [smem:$0x3FAB];
	_ =	sdelay $0x3  }
0x37: {  	[smem:$0x3FAB] =	sst s10  }
0x38: {  	s10 =	sld [smem:$0x3FAC]  }
0x39: {  	_ = 	snop;
	(pc) =	sbr.ind lr, $3  }
0x3a: {  	_ = 	snop  }
0x3b: {  	_ = 	snop  }
0x3c: {  	p2 =	seq.s32 s10, $0x1;
	s10 =	sld [smem:$0x3FAB]  }
0x3d: {  	_ =	shalt  }
0x3e: {  	_ =	shalt  }
0x3f: {  	_ =	shalt  }
0x40: {  	_ =	shalt  }
0x41: {  	_ =	shalt  }
0x42: {  	_ =	shalt  }
0x43: {  	_ =	shalt  }
0x44: {  	_ =	shalt  }
0x45: {  	_ =	shalt  }
0x46: {  	_ =	shalt  }
0x47: {  	_ =	shalt  }
0x48: {  	_ =	shalt  }
0x49: {  	_ =	shalt  }
0x4a: {  	_ =	shalt  }
0x4b: {  	_ =	shalt  }
0x4c: {  	_ =	shalt  }
0x4d: {  	_ =	shalt  }
0x4e: {  	_ =	shalt  }
0x4f: {  	_ =	shalt  }
0x50: {  	_ =	shalt  }
0x51: {  	_ =	shalt  }
0x52: {  	_ =	shalt  }
0x53: {  	_ =	shalt  }
0x54: {  	_ =	shalt  }
0x55: {  	_ =	shalt  }
0x56: {  	_ =	shalt  }
0x57: {  	_ =	shalt  }
0x58: {  	_ =	shalt  }
0x59: {  	_ =	shalt  }
0x5a: {  	_ =	shalt  }
0x5b: {  	_ =	shalt  }
0x5c: {  	_ =	shalt  }
0x5d: {  	_ =	shalt  }
0x5e: {  	_ =	shalt  }
0x5f: {  	_ =	shalt  }
0x60: {  	_ =	shalt  }
0x61: {  	_ =	shalt  }
0x62: {  	_ =	shalt  }
0x63: {  	_ =	shalt  }
0x64: {  	_ =	shalt  }
0x65: {  	_ =	shalt  }
0x66: {  	_ =	shalt  }
0x67: {  	_ =	shalt  }
0x68: {  	_ =	shalt  }
0x69: {  	_ =	shalt  }
0x6a: {  	_ =	shalt  }
0x6b: {  	_ =	shalt  }
0x6c: {  	_ =	shalt  }
0x6d: {  	_ =	shalt  }
0x6e: {  	_ =	shalt  }
0x6f: {  	_ =	shalt  }
0x70: {  	_ =	shalt  }
0x71: {  	_ =	shalt  }
0x72: {  	_ =	shalt  }
0x73: {  	_ =	shalt  }
0x74: {  	_ =	shalt  }
0x75: {  	_ =	shalt  }
0x76: {  	_ =	shalt  }
0x77: {  	_ =	shalt  }
0x78: {  	_ =	shalt  }
0x79: {  	_ =	shalt  }
0x7a: {  	_ =	shalt  }
0x7b: {  	_ =	shalt  }
0x7c: {  	_ =	shalt  }
0x7d: {  	_ =	shalt  }
0x7e: {  	_ =	shalt  }
0x7f: {  	_ =	shalt  }
0x80: {  	_ =	shalt  }
0x81: {  	_ =	shalt  }
0x82: {  	_ =	shalt  }
0x83: {  	_ =	shalt  }
0x84: {  	_ =	shalt  }
0x85: {  	_ =	shalt  }
0x86: {  	_ =	shalt  }
0x87: {  	_ =	shalt  }
.Lfunc_end0:
.L_simem_size_0:
called_computation_lowered:
.L_overlay_start_0:
0x88: {  	s2 =	sld [smem:$0x3FD9]  }
0x89: {  	s3 =	sld [smem:$0x3FFE];
	_ =	sdelay $0x1  }
0x8a: {  	s1 =	srdreg.scid  }
0x8b: {  	s0 =	sand.u32 $0x1, s1  }
0x8c: {  	s17 =	sshll.u32 s0, $0xA;
	s2 =	sadd.s32 s3, s2  }
0x8d: {  	s2 =	sadd.s32 s2, s17  }
0x8e: {  	[smem:$0x3FB7] =	sst s2  }
0x8f: {  	_ = 	snop  }
0x90: {  	s2 =	sld [smem:$0x3FD0];
	(tm) =	ssettm $0x1  }
0x91: {  	s18 =	sld [smem:$0x3FFB];
	_ =	sdelay $0x3  }
0x92: {  	_ =	strace s18  }
0x93: {  	s3 =	sld [smem:$0x3FFC];
	_ =	sdelay $0x3  }
0x94: {  	_ =	strace s3  }
0x95: {  	s3 =	sld [smem:$0x3FFD];
	_ =	sdelay $0x3  }
0x96: {  	_ =	strace s3  }
0x97: {  	_ =	strace $0x8FFFFFFF  }
0x98: {  	s19 =	sld [smem:$0x3FDB];
	_ =	sdelay $0x1  }
0x99: {  	s4 =	simm.s32 $_scs_section_size  }
0x9a: {  	s5 =	simm.s32 $_size__tile_overlayer_lowered;
	s6 =	simm.s32 $_tile_overlayer_lowered  }
0x9b: {  	s22 =	simm.s32 $0x1BFF;
	s21 =	sshll.u32 s6, $0x1;
	s3 =	sadd.s32 s4, s19  }
0x9c: {  	s7 =	simm.s32 $0x0;
	s20 =	sshll.u32 s5, $0x1;
	s5 =	sadd.s32 s21, s3  }
0x9d: {  	[timem:s7], [sflag:s22] =	dma.local [hbm:s5], s20  }
0x9e: {  	_ =	swait.ge [sflag:s22], s20  }
0x9f: {  	s4 =	ssub.s32 $0x0, s20;
	[sflag:s22] =	ssyncset.done $0x0  }
0xa0: {  	[sflag:s22] =	ssyncadd.s32 s4;
	_ =	sdelay $0x1  }
0xa1: {  	s23 =	simm.s32 $0x1B8B  }
0xa2: {  	_ =	swait.ge [sflag:s23], $0x1  }
0xa3: {  	[sflag:s23] =	ssyncset.done $0x0  }
0xa4: {  	s25 =	simm.s32 $0x1B8E;
	s24 =	sld [smem:$0x3FFE];
	[sflag:s23] =	ssyncadd.s32 $0xFFFFFFFF  }
0xa5: {  	s26 =	simm.s32 $execute0_lowered;
	[smem:$0x3FD2] =	sst s25  }
0xa6: {  	s5 =	sshll.u32 s26, $0x1;
	_ =	strace $0x80000046;
	[dreg:$0x1] =	wrdreg $0xFFFFFFFF  }
0xa7: {  	s28 =	simm.s32 $_size_execute0_lowered;
	s3 =	sadd.s32 s3, s5;
	[dreg:$0x0] =	wrdreg $0x0  }
0xa8: {  	s5 =	sshll.u32 s28, $0x1;
	[dreg:$0x2] =	wrdreg s3  }
0xa9: {  	[dreg:$0x3] =	wrdreg s5  }
0xaa: {  	[dreg:$0x4] =	wrdreg $0xC0  }
0xab: {  	_ =	task [dreg:s7], $0x5FFFF  }
0xac: {  	[dreg:$0x1] =	wrdreg $0xFFFFFFFF  }
0xad: {  	[dreg:$0x0] =	wrdreg $0x60  }
0xae: {  	[dreg:$0x2] =	wrdreg s2  }
0xaf: {  	[dreg:$0x3] =	wrdreg s24  }
0xb0: {  	[dreg:$0x4] =	wrdreg $0x91800  }
0xb1: {  	[dreg:$0x5] =	wrdreg $0x9  }
0xb2: {  	_ =	task.clear_ibuf [dreg:s7], $0x6FFFF;
	_ =	strace $0x90000046  }
0xb3: {  	s29 =	simm.s32 $0x9;
	_ =	strace $0x80000048  }
0xb4: {  	_ =	swait.ge [sflag:s29], $0x1  }
0xb5: {  	[sflag:s29] =	ssyncadd.s32 $0xFFFFFFFF  }
0xb6: {  	_ =	strace $0x90000048  }
0xb7: {  	_ =	sfence  }
0xb8: {  	s30 =	sld [smem:$0x0];
	_ =	sdelay $0x2  }
0xb9: {  	s31 =	sshll.u32 s1, $0xD;
	s1 =	sshrl.u32 s1, $0x2  }
0xba: {  	s3 =	sand.u32 $0x4000, s31;
	s1 =	sadd.s32 s1, s30  }
0xbb: {  	s0 =	sor.u32 s3, s0;
	s1 =	sshll.u32 s1, $0x11  }
0xbc: {  	s0 =	sor.u32 s1, s0  }
0xbd: {  	s0 =	sadd.s32 $0x8F2B, s0  }
0xbe: {  	[sflag:s0] =	ssyncadd.remote.s32 $0x1  }
0xbf: {  	_ =	sfence.sel $0xFFFF  }
0xc0: {  	[dreg:$0x0] =	wrdreg $0xFFFFFFFF;
	(pc) =	sbr.abs _section_cstart, $3  }
0xc1: {  	[dreg:$0x1] =	wrdreg $0xFFFFFFFF  }
0xc2: {  	_ =	task.clear_ibuf [dreg:s7], $0x2FFFF;
	_ =	strace $0x9FFFFFFF  }
0xc3: {  	(tm) =	ssettm $0x7FFFFFFF  }
tec
execute0_lowered:
.L_overlay_start_1:
0x0: {  	(tag) =	ssettag $0x1  }
0x1: {  	s1 =	rddreg [dreg:$0x0]  }
0x2: {  	s0 =	rddreg [dreg:$0x1]  }
0x3: {  	s3 =	rddreg [dreg:$0x2];
	s2 =	srdreg.scid  }
0x4: {  	s13 =	stileid.u32;
	s4 =	simm.s32 $0x0;
	s2 =	sand.u32 $0x1, s2  }
0x5: {  	s8 =	smul.u32 $0x2A0, s13;
	[smem:$0x7FF] =	sst s4;
	s5 =	sadd.s32 $0x16400, s0  }
0x6: {  	s7 =	sadd.s32 $0x4EE600, s0;
	s12 =	sshll.u32 s13, $0x1;
	s13 =	smul.u32 $0x54000, s13  }
0x7: {  	s6 =	sadd.s32 $0x3D600, s0;
	s9 =	smul.u32 $0x2A00, s2;
	_ =	strace $0x80000047  }
0x8: {  	s11 =	ssub.s32 $0x2, s2;
	s2 =	sor.u32 s2, s12;
	s20 =	sshrl.u32 s13, $0x2  }
0x9: {  	s19 =	sshrl.u32 s11, $0x1;
	s10 =	sadd.s32 s8, s9;
	s28 =	sadd.s32 s20, s3  }
0xa: {  	s8 =	sadd.s32 $0x2800, s0;
	s9 =	sadd.s32 $0xC600, s0;
	s12 =	sadd.s32 $0x6000, s28  }
0xb: {  	s11 =	ssub.s32 s11, s19;
	s29 =	sadd.s32 $0x2000, s28;
	[dreg:$0x1f] =	wrdreg s12  }
0xc: {  	s10 =	sshll.u32 s10, $0x4;
	s30 =	sadd.s32 $0x3000, s28;
	[dreg:$0x1b] =	wrdreg s29  }
0xd: {  	s31 =	sadd.s32 $0x4000, s28;
	s0 =	sadd.s32 s10, s0;
	[dreg:$0x1c] =	wrdreg s30  }
0xe: {  	s10 =	smul.u32 $0x2740, s2;
	s2 =	smax.u32 s11, $0x1;
	[dreg:$0x1d] =	wrdreg s31  }
0xf: {  	s11 =	sadd.s32 $0x5000, s28;
	[dreg:$0x19] =	wrdreg s2  }
0x10: {  	s21 =	sadd.s32 $0x64800, s0;
	[dreg:$0x1e] =	wrdreg s11  }
0x11: {  	s22 =	sadd.s32 $0x64A00, s0;
	[dreg:$0x4] =	wrdreg s21  }
0x12: {  	s23 =	sadd.s32 $0x64C00, s0;
	[dreg:$0x5] =	wrdreg s22  }
0x13: {  	s24 =	sadd.s32 $0x64E00, s0;
	[dreg:$0x6] =	wrdreg s23  }
0x14: {  	s25 =	sadd.s32 $0x65000, s0;
	[dreg:$0x7] =	wrdreg s24  }
0x15: {  	s26 =	sadd.s32 $0x65200, s0;
	[dreg:$0x8] =	wrdreg s25  }
0x16: {  	s13 =	sadd.s32 $0x65400, s0;
	[dreg:$0x9] =	wrdreg s26  }
0x17: {  	s14 =	sadd.s32 $0x65600, s0;
	[dreg:$0xa] =	wrdreg s13  }
0x18: {  	s15 =	sadd.s32 $0x65800, s0;
	[dreg:$0xb] =	wrdreg s14  }
0x19: {  	s16 =	sadd.s32 $0x65A00, s0;
	[dreg:$0xc] =	wrdreg s15  }
0x1a: {  	s17 =	sadd.s32 $0x65C00, s0;
	[dreg:$0xd] =	wrdreg s16  }
0x1b: {  	s18 =	sadd.s32 $0x65E00, s0;
	[dreg:$0xe] =	wrdreg s17  }
0x1c: {  	s19 =	sadd.s32 $0x66000, s0;
	[dreg:$0xf] =	wrdreg s18  }
0x1d: {  	s20 =	sadd.s32 $0x66200, s0;
	[dreg:$0x10] =	wrdreg s19  }
0x1e: {  	s2 =	sadd.s32 $0x1000, s28;
	[dreg:$0x11] =	wrdreg s20  }
0x1f: {  	s21 =	sadd.s32 $0x66400, s0;
	[dreg:$0x1a] =	wrdreg s2  }
0x20: {  	s22 =	sadd.s32 $0x66600, s0;
	[dreg:$0x12] =	wrdreg s21  }
0x21: {  	s23 =	sadd.s32 $0x66800, s0;
	[dreg:$0x13] =	wrdreg s22  }
0x22: {  	s24 =	sadd.s32 $0x66A00, s0;
	[dreg:$0x14] =	wrdreg s23  }
0x23: {  	s25 =	sadd.s32 $0x66C00, s0;
	[dreg:$0x15] =	wrdreg s24  }
0x24: {  	v0 =	vimm.s32 $0xEFCDAB89;
	v1 =	vimm.s32 $0x67452301;
	s26 =	sadd.s32 $0x66E00, s0;
	[dreg:$0x16] =	wrdreg s25  }
0x25: {  	v2 =	vimm.s32 $0xDCFE98BA;
	v3 =	vimm.s32 $0x54761032;
	s0 =	sadd.s32 $0x67000, s0;
	[dreg:$0x17] =	wrdreg s26  }
0x26: {  	v4 =	vimm.s32 $0xBA98FEDC;
	v5 =	vimm.s32 $0x32107654;
	s13 =	sadd.s32 $0x7000, s28;
	[dreg:$0x18] =	wrdreg s0  }
0x27: {  	v6 =	vimm.s32 $0xFEDCBA98;
	v7 =	vimm.s32 $0x76543210;
	vm0 =	vmmov $0x1;
	s14 =	sadd.s32 $0x8000, s28;
	[smem:$0x7F0] =	sst s13  }
0x28: {  	v0 =	vunpack.c.l.s4.s8 v0;
	v2 =	vunpack.c.l.s4.s8 v2;
	v3 =	vunpack.c.l.s4.s8 v3;
	s15 =	sadd.s32 $0x9000, s28;
	[smem:$0x7F1] =	sst s14  }
0x29: {  	v1 =	vunpack.c.l.s4.s8 v1;
	v4 =	vunpack.c.l.s4.s8 v4;
	v5 =	vunpack.c.l.s4.s8 v5;
	s16 =	sadd.s32 $0xA000, s28;
	[smem:$0x7F2] =	sst s15  }
0x2a: {  	v6 =	vunpack.c.l.s4.s8 v6;
	v2 =	vunpack.c.0.s8.s32 v2;
	v3 =	vunpack.c.0.s8.s32 v3;
	s17 =	sadd.s32 $0xB000, s28;
	[smem:$0x7F3] =	sst s16  }
0x2b: {  	v0 =	vunpack.c.0.s8.s32 v0;
	v4 =	vunpack.c.0.s8.s32 v4;
	v5 =	vunpack.c.0.s8.s32 v5;
	s18 =	sadd.s32 $0xC000, s28;
	[smem:$0x7F4] =	sst s17  }
0x2c: {  	v1 =	vunpack.c.0.s8.s32 v1;
	v2 =	vcombine.low v3, v2;
	v3 =	vunpack.c.l.s4.s8 v7;
	s19 =	sadd.s32 $0xD000, s28;
	[smem:$0x7F5] =	sst s18  }
0x2d: {  	vm1 =	vcmask $0x310;
	v4 =	vcombine.low v5, v4;
	v5 =	vunpack.c.0.s8.s32 v6;
	s20 =	sadd.s32 $0xE000, s28;
	[smem:$0x7F6] =	sst s19  }
0x2e: {  	vm2 =	vcmask $0x710;
	v1 =	vcombine.low v1, v0;
	s12 =	simm.s32 $0x5;
	v6 =	vunpack.c.0.s8.s32 v3;
	s11 =	simm.s32 $0x8180;
	[smem:$0x7F7] =	sst s20  }
0x2f: {  	v3 =	vand.u32 $0xF, v4;
	v4 =	vand.u32 $0xF, v5;
	v5 =	vlaneseq.u32;
	s21 =	sadd.s32 $0xF000, s28;
	s22 =	sadd.s32 $0x10000, s28;
	s23 =	sadd.s32 $0x11000, s28  }
0x30: {  	vm3 =	vcmask $0xB10;
	v0 =	vimm.f32 $0.0e+00;
	v5 =	vmul.u32 $0x80, v5;
	s24 =	sadd.s32 $0x12000, s28;
	s25 =	sadd.s32 $0x13000, s28;
	[smem:$0x7F8] =	sst s21  }
0x31: {  	v1 =	vand.u32 $0xF, v1;
	v2 =	vand.u32 $0xF, v2;
	v4 =	vcombine.low v4, v6;
	s26 =	sadd.s32 $0x14000, s28;
	s13 =	simm.s32 $0x80;
	[smem:$0x7F9] =	sst s22  }
0x32: {  	s14 =	simm.s32 $0x40;
	s15 =	simm.s32 $0x180;
	[smem:$0x7FA] =	sst s23;
	v6 =	vor.u32 $0x1, v5;
	v7 =	vor.u32 $0x2, v5;
	v8 =	vor.u32 $0x3, v5  }
0x33: {  	s16 =	simm.s32 $0x2180;
	s17 =	simm.s32 $0x4180;
	[smem:$0x7FB] =	sst s24;
	v9 =	vor.u32 $0x800, v5;
	v10 =	vor.u32 $0x801, v5;
	v11 =	vor.u32 $0x802, v5  }
0x34: {  	s18 =	simm.s32 $0x6180;
	s19 =	simm.s32 $0x1;
	[smem:$0x7FC] =	sst s25;
	v12 =	vor.u32 $0x803, v5;
	v13 =	vor.u32 $0x1000, v5;
	v14 =	vor.u32 $0x1001, v5  }
0x35: {  	[smem:$0x7FD] =	sst s26;
	v15 =	vor.u32 $0x1002, v5;
	v16 =	vor.u32 $0x1003, v5;
	v17 =	vor.u32 $0x1800, v5;
	s21 =	simm.s32 $0x2;
	s22 =	simm.s32 $0x3  }
0x36: {  	v18 =	vor.u32 $0x1801, v5;
	v19 =	vor.u32 $0x1802, v5;
	v20 =	vor.u32 $0x1803, v5;
	s23 =	simm.s32 $0x4;
	s24 =	simm.s32 $0x100;
	s25 =	simm.s32 $0x0  }
.LBB2_1:
0x37: {  	s0 =	simm.s32 $0x0;
	s26 =	simm.s32 $0x200  }
.LBB2_2:
0x38: {  	p0 =	sne.s32 s26, $0x3E00;
	[tilespmem:s0+$0x81F0] =	vst v0  }
0x39: {  	[tilespmem:s0+$0x8180] =	vst v0  }
0x3a: {  	[tilespmem:s0+$0x8190] =	vst v0  }
.Ltmp0:
0x3b: {  	[tilespmem:s0+$0x81A0] =	vst v0;
	(pc) =	sbr.rel @p0 .LBB2_2-.Ltmp0, $4  }
0x3c: {  	[tilespmem:s0+$0x81B0] =	vst v0  }
0x3d: {  	[tilespmem:s0+$0x81C0] =	vst v0  }
0x3e: {  	[tilespmem:s0+$0x81D0] =	vst v0  }
0x3f: {  	[tilespmem:s0+$0x81E0] =	vst v0;
	s0 =	sshra.s32 s26, $0x2;
	s26 =	sadd.s32 $0x200, s26  }
0x40: {  	[tilespmem:s0+$0x81F0] =	vst v0  }
0x41: {  	[tilespmem:s0+$0x8180] =	vst v0  }
0x42: {  	[tilespmem:s0+$0x8190] =	vst v0  }
0x43: {  	[tilespmem:s0+$0x81A0] =	vst v0  }
0x44: {  	[tilespmem:s0+$0x81B0] =	vst v0  }
0x45: {  	[tilespmem:s0+$0x81C0] =	vst v0  }
0x46: {  	[tilespmem:s0+$0x81D0] =	vst v0  }
0x47: {  	[tilespmem:s0+$0x81E0] =	vst v0  }
0x48: {  	[spmem:s28] =	stream.linear.scatter [tilespmem:s11], [sflag:$0x5], $0x1000, $0x38;
	[tilespmem:$0x1E180] =	vst v63  }
0x49: {  	_ =	swait.ge [sflag:s12], $0x1000  }
0x4a: {  	[sflag:s12] =	ssyncset.done $0x0  }
0x4b: {  	[sflag:s12] =	ssyncadd.s32 $0xFFFFF000  }
0x4c: {  	[spmem:s2] =	stream.linear.scatter [tilespmem:s11], [sflag:$0x5], $0x1000, $0x38;
	[tilespmem:$0x1E180] =	vst v63  }
0x4d: {  	_ =	swait.ge [sflag:s12], $0x1000  }
0x4e: {  	[sflag:s12] =	ssyncset.done $0x0  }
0x4f: {  	[sflag:s12] =	ssyncadd.s32 $0xFFFFF000  }
0x50: {  	[spmem:s29] =	stream.linear.scatter [tilespmem:s11], [sflag:$0x5], $0x1000, $0x38;
	[tilespmem:$0x1E180] =	vst v63  }
0x51: {  	_ =	swait.ge [sflag:s12], $0x1000  }
0x52: {  	[sflag:s12] =	ssyncset.done $0x0  }
0x53: {  	[sflag:s12] =	ssyncadd.s32 $0xFFFFF000  }
0x54: {  	[spmem:s30] =	stream.linear.scatter [tilespmem:s11], [sflag:$0x5], $0x1000, $0x38;
	[tilespmem:$0x1E180] =	vst v63  }
0x55: {  	_ =	swait.ge [sflag:s12], $0x1000  }
0x56: {  	[sflag:s12] =	ssyncset.done $0x0  }
0x57: {  	[sflag:s12] =	ssyncadd.s32 $0xFFFFF000  }
0x58: {  	[spmem:s31] =	stream.linear.scatter [tilespmem:s11], [sflag:$0x5], $0x1000, $0x38;
	[tilespmem:$0x1E180] =	vst v63  }
0x59: {  	_ =	swait.ge [sflag:s12], $0x1000  }
0x5a: {  	[sflag:s12] =	ssyncset.done $0x0  }
0x5b: {  	s20 =	smov.u32 s28;
	s28 =	rddreg [dreg:$0x1e];
	[sflag:s12] =	ssyncadd.s32 $0xFFFFF000  }
0x5c: {  	[spmem:s28] =	stream.linear.scatter [tilespmem:s11], [sflag:$0x5], $0x1000, $0x38;
	[tilespmem:$0x1E180] =	vst v63  }
0x5d: {  	_ =	swait.ge [sflag:s12], $0x1000  }
0x5e: {  	[sflag:s12] =	ssyncset.done $0x0  }
0x5f: {  	s29 =	rddreg [dreg:$0x1f];
	[sflag:s12] =	ssyncadd.s32 $0xFFFFF000  }
0x60: {  	[spmem:s29] =	stream.linear.scatter [tilespmem:s11], [sflag:$0x5], $0x1000, $0x38;
	[tilespmem:$0x1E180] =	vst v63  }
0x61: {  	_ =	swait.ge [sflag:s12], $0x1000  }
0x62: {  	s30 =	sld [smem:$0x7F0]  }
0x63: {  	[sflag:s12] =	ssyncset.done $0x0  }
0x64: {  	[sflag:s12] =	ssyncadd.s32 $0xFFFFF000  }
0x65: {  	[spmem:s30] =	stream.linear.scatter [tilespmem:s11], [sflag:$0x5], $0x1000, $0x38;
	[tilespmem:$0x1E180] =	vst v63  }
0x66: {  	_ =	swait.ge [sflag:s12], $0x1000  }
0x67: {  	s31 =	sld [smem:$0x7F1]  }
0x68: {  	[sflag:s12] =	ssyncset.done $0x0  }
0x69: {  	[sflag:s12] =	ssyncadd.s32 $0xFFFFF000  }
0x6a: {  	[spmem:s31] =	stream.linear.scatter [tilespmem:s11], [sflag:$0x5], $0x1000, $0x38;
	[tilespmem:$0x1E180] =	vst v63  }
0x6b: {  	_ =	swait.ge [sflag:s12], $0x1000  }
0x6c: {  	s2 =	sld [smem:$0x7F2]  }
0x6d: {  	[sflag:s12] =	ssyncset.done $0x0  }
0x6e: {  	[sflag:s12] =	ssyncadd.s32 $0xFFFFF000  }
0x6f: {  	[spmem:s2] =	stream.linear.scatter [tilespmem:s11], [sflag:$0x5], $0x1000, $0x38;
	[tilespmem:$0x1E180] =	vst v63  }
0x70: {  	_ =	swait.ge [sflag:s12], $0x1000  }
0x71: {  	s26 =	sld [smem:$0x7F3]  }
0x72: {  	[sflag:s12] =	ssyncset.done $0x0  }
0x73: {  	[sflag:s12] =	ssyncadd.s32 $0xFFFFF000  }
0x74: {  	[spmem:s26] =	stream.linear.scatter [tilespmem:s11], [sflag:$0x5], $0x1000, $0x38;
	[tilespmem:$0x1E180] =	vst v63  }
0x75: {  	_ =	swait.ge [sflag:s12], $0x1000  }
0x76: {  	s28 =	sld [smem:$0x7F4]  }
0x77: {  	[sflag:s12] =	ssyncset.done $0x0  }
0x78: {  	[sflag:s12] =	ssyncadd.s32 $0xFFFFF000  }
0x79: {  	[spmem:s28] =	stream.linear.scatter [tilespmem:s11], [sflag:$0x5], $0x1000, $0x38;
	[tilespmem:$0x1E180] =	vst v63  }
0x7a: {  	_ =	swait.ge [sflag:s12], $0x1000  }
0x7b: {  	s29 =	sld [smem:$0x7F5]  }
0x7c: {  	[sflag:s12] =	ssyncset.done $0x0  }
0x7d: {  	[sflag:s12] =	ssyncadd.s32 $0xFFFFF000  }
0x7e: {  	[spmem:s29] =	stream.linear.scatter [tilespmem:s11], [sflag:$0x5], $0x1000, $0x38;
	[tilespmem:$0x1E180] =	vst v63  }
0x7f: {  	_ =	swait.ge [sflag:s12], $0x1000  }
0x80: {  	s30 =	sld [smem:$0x7F6]  }
0x81: {  	[sflag:s12] =	ssyncset.done $0x0  }
0x82: {  	[sflag:s12] =	ssyncadd.s32 $0xFFFFF000  }
0x83: {  	[spmem:s30] =	stream.linear.scatter [tilespmem:s11], [sflag:$0x5], $0x1000, $0x38;
	[tilespmem:$0x1E180] =	vst v63  }
0x84: {  	_ =	swait.ge [sflag:s12], $0x1000  }
0x85: {  	s31 =	sld [smem:$0x7F7]  }
0x86: {  	[sflag:s12] =	ssyncset.done $0x0  }
0x87: {  	[sflag:s12] =	ssyncadd.s32 $0xFFFFF000  }
0x88: {  	[spmem:s31] =	stream.linear.scatter [tilespmem:s11], [sflag:$0x5], $0x1000, $0x38;
	[tilespmem:$0x1E180] =	vst v63  }
0x89: {  	_ =	swait.ge [sflag:s12], $0x1000  }
0x8a: {  	s2 =	sld [smem:$0x7F8]  }
0x8b: {  	[sflag:s12] =	ssyncset.done $0x0  }
0x8c: {  	[sflag:s12] =	ssyncadd.s32 $0xFFFFF000  }
0x8d: {  	[spmem:s2] =	stream.linear.scatter [tilespmem:s11], [sflag:$0x5], $0x1000, $0x38;
	[tilespmem:$0x1E180] =	vst v63  }
0x8e: {  	_ =	swait.ge [sflag:s12], $0x1000  }
0x8f: {  	s26 =	sld [smem:$0x7F9]  }
0x90: {  	[sflag:s12] =	ssyncset.done $0x0  }
0x91: {  	[sflag:s12] =	ssyncadd.s32 $0xFFFFF000  }
0x92: {  	[spmem:s26] =	stream.linear.scatter [tilespmem:s11], [sflag:$0x5], $0x1000, $0x38;
	[tilespmem:$0x1E180] =	vst v63  }
0x93: {  	_ =	swait.ge [sflag:s12], $0x1000  }
0x94: {  	s28 =	sld [smem:$0x7FA]  }
0x95: {  	[sflag:s12] =	ssyncset.done $0x0  }
0x96: {  	[sflag:s12] =	ssyncadd.s32 $0xFFFFF000  }
0x97: {  	[spmem:s28] =	stream.linear.scatter [tilespmem:s11], [sflag:$0x5], $0x1000, $0x38;
	[tilespmem:$0x1E180] =	vst v63  }
0x98: {  	_ =	swait.ge [sflag:s12], $0x1000  }
0x99: {  	s29 =	sld [smem:$0x7FB]  }
0x9a: {  	[sflag:s12] =	ssyncset.done $0x0  }
0x9b: {  	[sflag:s12] =	ssyncadd.s32 $0xFFFFF000  }
0x9c: {  	[spmem:s29] =	stream.linear.scatter [tilespmem:s11], [sflag:$0x5], $0x1000, $0x38;
	[tilespmem:$0x1E180] =	vst v63  }
0x9d: {  	_ =	swait.ge [sflag:s12], $0x1000  }
0x9e: {  	s30 =	sld [smem:$0x7FC]  }
0x9f: {  	[sflag:s12] =	ssyncset.done $0x0  }
0xa0: {  	[sflag:s12] =	ssyncadd.s32 $0xFFFFF000  }
0xa1: {  	[spmem:s30] =	stream.linear.scatter [tilespmem:s11], [sflag:$0x5], $0x1000, $0x38;
	[tilespmem:$0x1E180] =	vst v63  }
0xa2: {  	_ =	swait.ge [sflag:s12], $0x1000  }
0xa3: {  	s31 =	sld [smem:$0x7FD]  }
0xa4: {  	[sflag:s12] =	ssyncset.done $0x0  }
0xa5: {  	[sflag:s12] =	ssyncadd.s32 $0xFFFFF000  }
0xa6: {  	[spmem:s31] =	stream.linear.scatter [tilespmem:s11], [sflag:$0x5], $0x1000, $0x38;
	[tilespmem:$0x1E180] =	vst v63  }
0xa7: {  	_ =	swait.ge [sflag:s12], $0x1000  }
0xa8: {  	[sflag:s12] =	ssyncset.done $0x0  }
0xa9: {  	[sflag:s12] =	ssyncadd.s32 $0xFFFFF000  }
0xaa: {  	s26 =	simm.s32 $0x0;
	[bflag:$0x0] =	sbarrier.arrive $0xFFFF  }
.LBB2_4:
0xab: {  	p0 =	seq.s32 s26, $0x0  }
0xac: {  	s0 =	simm.s32 @!p0 $0x3  }
0xad: {  	_ =	swait.ge @!p0 [sflag:s0], $0x2000  }
0xae: {  	[sflag:s0] =	ssyncset.done @!p0 $0x0  }
0xaf: {  	s2 =	sshll.u32 s26, $0x6;
	[sflag:s0] =	ssyncadd.s32 @!p0 $0xFFFFE000;
	s0 =	simm.s32 @!p0 $0x4  }
0xb0: {  	s2 =	sadd.s32 s10, s2;
	_ =	swait.ge @!p0 [sflag:s0], $0x2000  }
0xb1: {  	s28 =	sshrl.u32 s2, $0x3;
	[sflag:s0] =	ssyncset.done @!p0 $0x0  }
0xb2: {  	[sflag:s0] =	ssyncadd.s32 @!p0 $0xFFFFE000;
	s0 =	sadd.s32 s8, s28  }
0xb3: {  	[tilespmem:s4], [sflag:$0x5] =	stream.linear.gather [hbm4b:s0+s4], $0x40, $0x38;
	[tilespmem:$0x1E180] =	vst v63  }
0xb4: {  	_ =	swait.ge [sflag:s12], $0x40  }
0xb5: {  	[sflag:s12] =	ssyncset.done $0x0  }
0xb6: {  	s0 =	sadd.s32 s9, s28;
	[sflag:s12] =	ssyncadd.s32 $0xFFFFFFC0  }
0xb7: {  	[tilespmem:s13], [sflag:$0x5] =	stream.linear.gather [hbm4b:s0+s4], $0x40, $0x38;
	[tilespmem:$0x1E180] =	vst v63  }
0xb8: {  	_ =	swait.ge [sflag:s12], $0x40  }
0xb9: {  	[sflag:s12] =	ssyncset.done $0x0  }
0xba: {  	[sflag:s12] =	ssyncadd.s32 $0xFFFFFFC0  }
0xbb: {  	[tilespmem:s15], [sflag:$0x1] =	stream.indirect.gather [hbm4b:s5+s14], $0x80, s4, s14, $0xb8;
	[tilespmem:$0x1E180] =	vst v63  }
0xbc: {  	_ = 	snop  }
0xbd: {  	[tilespmem:s16], [sflag:$0x2] =	stream.indirect.gather [hbm4b:s1+s14], $0x80, s13, s14, $0xb8;
	[tilespmem:$0x1E180] =	vst v63  }
0xbe: {  	s2 =	sshll.u32 s2, $0x4  }
0xbf: {  	[tilespmem:s17], [sflag:$0x3] =	stream.indirect.gather [hbm4b:s6+s14], $0x80, s4, s14, $0xb8;
	[tilespmem:$0x1E180] =	vst v63  }
0xc0: {  	s0 =	sadd.s32 s7, s2  }
0xc1: {  	[tilespmem:s18], [sflag:$0x4] =	stream.linear.gather [hbm4b:s0+s4], $0x2000, $0x38;
	[tilespmem:$0x1E180] =	vst v63  }
0xc2: {  	_ =	swait.ge [sflag:s19], $0x2000  }
0xc3: {  	[sflag:s19] =	ssyncset.done $0x0  }
0xc4: {  	[sflag:s19] =	ssyncadd.s32 $0xFFFFE000  }
0xc5: {  	_ =	swait.ge [sflag:s21], $0x2000  }
0xc6: {  	[sflag:s21] =	ssyncset.done $0x0  }
0xc7: {  	[sflag:s21] =	ssyncadd.s32 $0xFFFFE000  }
0xc8: {  	_ =	swait.ge [sflag:s22], $0x2000  }
0xc9: {  	[sflag:s22] =	ssyncset.done $0x0  }
0xca: {  	[sflag:s22] =	ssyncadd.s32 $0xFFFFE000  }
0xcb: {  	s29 =	simm.s32 $0x4200;
	_ =	swait.ge [sflag:s23], $0x2000  }
0xcc: {  	s30 =	simm.s32 $0x6200;
	s31 =	simm.s32 $0x2200;
	[sflag:s23] =	ssyncset.done $0x0  }
0xcd: {  	s28 =	simm.s32 $0xFFFFFFFE;
	s0 =	simm.s32 $0x200;
	[sflag:s23] =	ssyncadd.s32 $0xFFFFE000  }
.LBB2_5:
0xce: {  	v21 =	vld [tilespmem:s0+$0xFFFFFF80]  }
0xcf: {  	v22 =	vld [tilespmem:s31+$0xFFFFFF80]  }
0xd0: {  	v23 =	vld [tilespmem:s0+$0xFFFFFF90]  }
0xd1: {  	v24 =	vld [tilespmem:s31+$0xFFFFFF90];
	_ =	sdelay $0x2  }
0xd2: {  	v25 =	vld [tilespmem:s30+$0xFFFFFF80]  }
0xd3: {  	v26 =	vld [tilespmem:s30+$0xFFFFFF90]  }
0xd4: {  	v21 =	vmul.f32 v22, v21;
	v22 =	vmul.f32 v24, v23;
	_ =	sdelay $0x1  }
0xd5: {  	v21 =	vmax.f32 v21, $-5.000000000e+00;
	v22 =	vmax.f32 v22, $-5.000000000e+00  }
0xd6: {  	v21 =	vmin.f32 v21, $5.000000000e+00;
	v22 =	vmin.f32 v22, $5.000000000e+00  }
0xd7: {  	v21 =	vmul.f32 v21, v25;
	v22 =	vmul.f32 v22, v26;
	_ =	sdelay $0x1  }
0xd8: {  	v21 =	vadd.f32 v22, v21;
	_ =	sdelay $0x1  }
0xd9: {  	v22 =	vperm.xlane v21, v1;
	_ =	sdelay $0x1  }
0xda: {  	v21 =	vadd.f32 v21, v22;
	_ =	sdelay $0x1  }
0xdb: {  	v22 =	vperm.xlane v21, v2;
	_ =	sdelay $0x1  }
0xdc: {  	v21 =	vadd.f32 v21, v22;
	_ =	sdelay $0x1  }
0xdd: {  	v22 =	vperm.xlane v21, v3;
	_ =	sdelay $0x1  }
0xde: {  	v21 =	vadd.f32 v21, v22;
	_ =	sdelay $0x1  }
0xdf: {  	v22 =	vperm.xlane v21, v4;
	_ =	sdelay $0x1  }
0xe0: {  	v21 =	vadd.f32 v21, v22;
	_ =	sdelay $0x1  }
0xe1: {  	v21 =	vmax.f32 v21, $-5.000000000e+00  }
0xe2: {  	v21 =	vmin.f32 v21, $5.000000000e+00  }
0xe3: {  	v21 =	vmul.f32 $1.442695020e+00, v21;
	_ =	sdelay $0x1  }
0xe4: {  	(erf) = vpow2.f32 v21;
	_ =	sdelay $0x4  }
0xe5: {  	v21 =	vld [tilespmem:s29+$0xFFFFFF80];
	_ =	sdelay $0x3  }
0xe6: {  	v22 =	vpop (erf)  }
0xe7: {  	v21 =	vmul.f32 v22, v21;
	_ =	sdelay $0x1  }
0xe8: {  	[tilespmem:s31+$0xFFFFFF80] =	vst v21  }
0xe9: {  	v21 =	vld [tilespmem:s29+$0xFFFFFF90];
	_ =	sdelay $0x4  }
0xea: {  	v21 =	vmul.f32 v22, v21  }
0xeb: {  	v61 =	vld [tilespmem:s31+$0xFFFFFFB0]  }
0xec: {  	v23 =	vld [tilespmem:s31+$0xFFFFFFA0];
	[tilespmem:s31+$0xFFFFFF90] =	vst v21  }
0xed: {  	v21 =	vld [tilespmem:s0+$0xFFFFFFA0]  }
0xee: {  	v60 =	vld [tilespmem:s0+$0xFFFFFFB0];
	_ =	sdelay $0x2  }
0xef: {  	v62 =	vld [tilespmem:s30+$0xFFFFFFA0]  }
0xf0: {  	v27 =	vld [tilespmem:s30+$0xFFFFFFB0]  }
0xf1: {  	v21 =	vmul.f32 v23, v21;
	v23 =	vmul.f32 v61, v60;
	_ =	sdelay $0x1  }
0xf2: {  	v21 =	vmax.f32 v21, $-5.000000000e+00;
	v23 =	vmax.f32 v23, $-5.000000000e+00  }
0xf3: {  	v21 =	vmin.f32 v21, $5.000000000e+00;
	v23 =	vmin.f32 v23, $5.000000000e+00  }
0xf4: {  	v21 =	vmul.f32 v21, v62;
	v23 =	vmul.f32 v23, v27;
	_ =	sdelay $0x1  }
0xf5: {  	v21 =	vadd.f32 v23, v21;
	_ =	sdelay $0x1  }
0xf6: {  	v23 =	vperm.xlane v21, v1;
	_ =	sdelay $0x1  }
0xf7: {  	v21 =	vadd.f32 v21, v23;
	_ =	sdelay $0x1  }
0xf8: {  	v23 =	vperm.xlane v21, v2;
	_ =	sdelay $0x1  }
0xf9: {  	v21 =	vadd.f32 v21, v23;
	_ =	sdelay $0x1  }
0xfa: {  	v23 =	vperm.xlane v21, v3;
	_ =	sdelay $0x1  }
0xfb: {  	v21 =	vadd.f32 v21, v23;
	_ =	sdelay $0x1  }
0xfc: {  	v23 =	vperm.xlane v21, v4;
	_ =	sdelay $0x1  }
0xfd: {  	v21 =	vadd.f32 v21, v23;
	_ =	sdelay $0x1  }
0xfe: {  	v21 =	vmax.f32 v21, $-5.000000000e+00  }
0xff: {  	v21 =	vmin.f32 v21, $5.000000000e+00  }
0x100: {  	v21 =	vmul.f32 $1.442695020e+00, v21;
	_ =	sdelay $0x1  }
0x101: {  	(erf) = vpow2.f32 v21;
	_ =	sdelay $0x4  }
0x102: {  	v21 =	vld [tilespmem:s29+$0xFFFFFFA0];
	_ =	sdelay $0x3  }
0x103: {  	v23 =	vpop (erf)  }
0x104: {  	v21 =	vmul.f32 v23, v21;
	_ =	sdelay $0x1  }
0x105: {  	[tilespmem:s31+$0xFFFFFFA0] =	vst v21  }
0x106: {  	v21 =	vld [tilespmem:s29+$0xFFFFFFB0];
	_ =	sdelay $0x4  }
0x107: {  	v21 =	vmul.f32 v23, v21  }
0x108: {  	v63 =	vld [tilespmem:s31+$0xFFFFFFC0]  }
0x109: {  	v33 =	vld [tilespmem:s31+$0xFFFFFFD0];
	[tilespmem:s31+$0xFFFFFFB0] =	vst v21  }
0x10a: {  	v21 =	vld [tilespmem:s0+$0xFFFFFFC0]  }
0x10b: {  	v32 =	vld [tilespmem:s0+$0xFFFFFFD0];
	_ =	sdelay $0x2  }
0x10c: {  	v34 =	vld [tilespmem:s30+$0xFFFFFFC0]  }
0x10d: {  	v28 =	vld [tilespmem:s30+$0xFFFFFFD0]  }
0x10e: {  	v21 =	vmul.f32 v63, v21;
	v35 =	vmul.f32 v33, v32;
	_ =	sdelay $0x1  }
0x10f: {  	v21 =	vmax.f32 v21, $-5.000000000e+00;
	v24 =	vmax.f32 v35, $-5.000000000e+00  }
0x110: {  	v21 =	vmin.f32 v21, $5.000000000e+00;
	v24 =	vmin.f32 v24, $5.000000000e+00  }
0x111: {  	v21 =	vmul.f32 v21, v34;
	v24 =	vmul.f32 v24, v28;
	_ =	sdelay $0x1  }
0x112: {  	v21 =	vadd.f32 v24, v21;
	_ =	sdelay $0x1  }
0x113: {  	v24 =	vperm.xlane v21, v1;
	_ =	sdelay $0x1  }
0x114: {  	v21 =	vadd.f32 v21, v24;
	_ =	sdelay $0x1  }
0x115: {  	v24 =	vperm.xlane v21, v2;
	_ =	sdelay $0x1  }
0x116: {  	v21 =	vadd.f32 v21, v24;
	_ =	sdelay $0x1  }
0x117: {  	v24 =	vperm.xlane v21, v3;
	_ =	sdelay $0x1  }
0x118: {  	v21 =	vadd.f32 v21, v24;
	_ =	sdelay $0x1  }
0x119: {  	v24 =	vperm.xlane v21, v4;
	_ =	sdelay $0x1  }
0x11a: {  	v21 =	vadd.f32 v21, v24;
	_ =	sdelay $0x1  }
0x11b: {  	v21 =	vmax.f32 v21, $-5.000000000e+00  }
0x11c: {  	v21 =	vmin.f32 v21, $5.000000000e+00  }
0x11d: {  	v21 =	vmul.f32 $1.442695020e+00, v21;
	_ =	sdelay $0x1  }
0x11e: {  	(erf) = vpow2.f32 v21;
	_ =	sdelay $0x4  }
0x11f: {  	v21 =	vld [tilespmem:s29+$0xFFFFFFC0];
	_ =	sdelay $0x3  }
0x120: {  	v36 =	vpop (erf)  }
0x121: {  	v21 =	vmul.f32 v36, v21;
	_ =	sdelay $0x1  }
0x122: {  	[tilespmem:s31+$0xFFFFFFC0] =	vst v21  }
0x123: {  	v21 =	vld [tilespmem:s29+$0xFFFFFFD0];
	_ =	sdelay $0x4  }
0x124: {  	v21 =	vmul.f32 v36, v21  }
0x125: {  	v37 =	vld [tilespmem:s31+$0xFFFFFFE0]  }
0x126: {  	v39 =	vld [tilespmem:s31+$0xFFFFFFF0];
	[tilespmem:s31+$0xFFFFFFD0] =	vst v21  }
0x127: {  	v21 =	vld [tilespmem:s0+$0xFFFFFFE0]  }
0x128: {  	v38 =	vld [tilespmem:s0+$0xFFFFFFF0];
	_ =	sdelay $0x2  }
0x129: {  	v40 =	vld [tilespmem:s30+$0xFFFFFFE0]  }
0x12a: {  	v29 =	vld [tilespmem:s30+$0xFFFFFFF0]  }
0x12b: {  	v21 =	vmul.f32 v37, v21;
	v41 =	vmul.f32 v39, v38;
	_ =	sdelay $0x1  }
0x12c: {  	v21 =	vmax.f32 v21, $-5.000000000e+00;
	v25 =	vmax.f32 v41, $-5.000000000e+00  }
0x12d: {  	v21 =	vmin.f32 v21, $5.000000000e+00;
	v25 =	vmin.f32 v25, $5.000000000e+00  }
0x12e: {  	v21 =	vmul.f32 v21, v40;
	v25 =	vmul.f32 v25, v29;
	_ =	sdelay $0x1  }
0x12f: {  	v21 =	vadd.f32 v25, v21;
	_ =	sdelay $0x1  }
0x130: {  	v25 =	vperm.xlane v21, v1;
	_ =	sdelay $0x1  }
0x131: {  	v21 =	vadd.f32 v21, v25;
	_ =	sdelay $0x1  }
0x132: {  	v25 =	vperm.xlane v21, v2;
	_ =	sdelay $0x1  }
0x133: {  	v21 =	vadd.f32 v21, v25;
	_ =	sdelay $0x1  }
0x134: {  	v25 =	vperm.xlane v21, v3;
	_ =	sdelay $0x1  }
0x135: {  	v21 =	vadd.f32 v21, v25;
	_ =	sdelay $0x1  }
0x136: {  	v25 =	vperm.xlane v21, v4;
	_ =	sdelay $0x1  }
0x137: {  	v21 =	vadd.f32 v21, v25;
	_ =	sdelay $0x1  }
0x138: {  	v21 =	vmax.f32 v21, $-5.000000000e+00  }
0x139: {  	v21 =	vmin.f32 v21, $5.000000000e+00  }
0x13a: {  	v21 =	vmul.f32 $1.442695020e+00, v21;
	_ =	sdelay $0x1  }
0x13b: {  	(erf) = vpow2.f32 v21;
	_ =	sdelay $0x4  }
0x13c: {  	v21 =	vld [tilespmem:s29+$0xFFFFFFE0];
	_ =	sdelay $0x3  }
0x13d: {  	v42 =	vpop (erf)  }
0x13e: {  	v21 =	vmul.f32 v42, v21;
	_ =	sdelay $0x1  }
0x13f: {  	[tilespmem:s31+$0xFFFFFFE0] =	vst v21  }
0x140: {  	v21 =	vld [tilespmem:s29+$0xFFFFFFF0];
	_ =	sdelay $0x3  }
0x141: {  	v22 =	vnsel vm0, $0x0, v22  }
0x142: {  	v22 =	vsel vm1, v22, v23;
	v21 =	vmul.f32 v42, v21  }
0x143: {  	v22 =	vsel vm2, v22, v36  }
0x144: {  	[tilespmem:s31+$0xFFFFFFF0] =	vst v21;
	v21 =	vsel vm3, v22, v42  }
0x145: {  	[tilespmem:s29+$0xFFFFFF80] =	vst v21  }
0x146: {  	v21 =	vld [tilespmem:s0+$0x0]  }
0x147: {  	v22 =	vld [tilespmem:s31+$0x0]  }
0x148: {  	v23 =	vld [tilespmem:s0+$0x10]  }
0x149: {  	v43 =	vld [tilespmem:s31+$0x10];
	_ =	sdelay $0x2  }
0x14a: {  	v44 =	vld [tilespmem:s30+$0x0]  }
0x14b: {  	v45 =	vld [tilespmem:s30+$0x10]  }
0x14c: {  	v21 =	vmul.f32 v22, v21;
	v22 =	vmul.f32 v43, v23;
	_ =	sdelay $0x1  }
0x14d: {  	v21 =	vmax.f32 v21, $-5.000000000e+00;
	v22 =	vmax.f32 v22, $-5.000000000e+00  }
0x14e: {  	v21 =	vmin.f32 v21, $5.000000000e+00;
	v22 =	vmin.f32 v22, $5.000000000e+00  }
0x14f: {  	v21 =	vmul.f32 v21, v44;
	v22 =	vmul.f32 v22, v45;
	_ =	sdelay $0x1  }
0x150: {  	v21 =	vadd.f32 v22, v21;
	_ =	sdelay $0x1  }
0x151: {  	v22 =	vperm.xlane v21, v1;
	_ =	sdelay $0x1  }
0x152: {  	v21 =	vadd.f32 v21, v22;
	_ =	sdelay $0x1  }
0x153: {  	v22 =	vperm.xlane v21, v2;
	_ =	sdelay $0x1  }
0x154: {  	v21 =	vadd.f32 v21, v22;
	_ =	sdelay $0x1  }
0x155: {  	v22 =	vperm.xlane v21, v3;
	_ =	sdelay $0x1  }
0x156: {  	v21 =	vadd.f32 v21, v22;
	_ =	sdelay $0x1  }
0x157: {  	v22 =	vperm.xlane v21, v4;
	_ =	sdelay $0x1  }
0x158: {  	v21 =	vadd.f32 v21, v22;
	_ =	sdelay $0x1  }
0x159: {  	v21 =	vmax.f32 v21, $-5.000000000e+00  }
0x15a: {  	v21 =	vmin.f32 v21, $5.000000000e+00  }
0x15b: {  	v21 =	vmul.f32 $1.442695020e+00, v21;
	_ =	sdelay $0x1  }
0x15c: {  	(erf) = vpow2.f32 v21;
	_ =	sdelay $0x4  }
0x15d: {  	v21 =	vld [tilespmem:s29+$0x0];
	_ =	sdelay $0x3  }
0x15e: {  	v22 =	vpop (erf)  }
0x15f: {  	v21 =	vmul.f32 v22, v21;
	_ =	sdelay $0x1  }
0x160: {  	[tilespmem:s31+$0x0] =	vst v21  }
0x161: {  	v21 =	vld [tilespmem:s29+$0x10];
	_ =	sdelay $0x4  }
0x162: {  	v21 =	vmul.f32 v22, v21  }
0x163: {  	v47 =	vld [tilespmem:s31+$0x30]  }
0x164: {  	v23 =	vld [tilespmem:s31+$0x20];
	[tilespmem:s31+$0x10] =	vst v21  }
0x165: {  	v21 =	vld [tilespmem:s0+$0x20]  }
0x166: {  	v46 =	vld [tilespmem:s0+$0x30];
	_ =	sdelay $0x2  }
0x167: {  	v48 =	vld [tilespmem:s30+$0x20]  }
0x168: {  	v49 =	vld [tilespmem:s30+$0x30]  }
0x169: {  	v21 =	vmul.f32 v23, v21;
	v23 =	vmul.f32 v47, v46;
	_ =	sdelay $0x1  }
0x16a: {  	v21 =	vmax.f32 v21, $-5.000000000e+00;
	v23 =	vmax.f32 v23, $-5.000000000e+00  }
0x16b: {  	v21 =	vmin.f32 v21, $5.000000000e+00;
	v23 =	vmin.f32 v23, $5.000000000e+00  }
0x16c: {  	v21 =	vmul.f32 v21, v48;
	v23 =	vmul.f32 v23, v49;
	_ =	sdelay $0x1  }
0x16d: {  	v21 =	vadd.f32 v23, v21;
	_ =	sdelay $0x1  }
0x16e: {  	v23 =	vperm.xlane v21, v1;
	_ =	sdelay $0x1  }
0x16f: {  	v21 =	vadd.f32 v21, v23;
	_ =	sdelay $0x1  }
0x170: {  	v23 =	vperm.xlane v21, v2;
	_ =	sdelay $0x1  }
0x171: {  	v21 =	vadd.f32 v21, v23;
	_ =	sdelay $0x1  }
0x172: {  	v23 =	vperm.xlane v21, v3;
	_ =	sdelay $0x1  }
0x173: {  	v21 =	vadd.f32 v21, v23;
	_ =	sdelay $0x1  }
0x174: {  	v23 =	vperm.xlane v21, v4;
	_ =	sdelay $0x1  }
0x175: {  	v21 =	vadd.f32 v21, v23;
	_ =	sdelay $0x1  }
0x176: {  	v21 =	vmax.f32 v21, $-5.000000000e+00  }
0x177: {  	v21 =	vmin.f32 v21, $5.000000000e+00  }
0x178: {  	v21 =	vmul.f32 $1.442695020e+00, v21;
	_ =	sdelay $0x1  }
0x179: {  	(erf) = vpow2.f32 v21;
	_ =	sdelay $0x4  }
0x17a: {  	v21 =	vld [tilespmem:s29+$0x20];
	_ =	sdelay $0x3  }
0x17b: {  	v23 =	vpop (erf)  }
0x17c: {  	v21 =	vmul.f32 v23, v21;
	_ =	sdelay $0x1  }
0x17d: {  	[tilespmem:s31+$0x20] =	vst v21  }
0x17e: {  	v21 =	vld [tilespmem:s29+$0x30];
	_ =	sdelay $0x4  }
0x17f: {  	v21 =	vmul.f32 v23, v21  }
0x180: {  	v50 =	vld [tilespmem:s31+$0x40]  }
0x181: {  	v52 =	vld [tilespmem:s31+$0x50];
	[tilespmem:s31+$0x30] =	vst v21  }
0x182: {  	v21 =	vld [tilespmem:s0+$0x40]  }
0x183: {  	v51 =	vld [tilespmem:s0+$0x50];
	_ =	sdelay $0x2  }
0x184: {  	v53 =	vld [tilespmem:s30+$0x40]  }
0x185: {  	v54 =	vld [tilespmem:s30+$0x50]  }
0x186: {  	v21 =	vmul.f32 v50, v21;
	v55 =	vmul.f32 v52, v51;
	_ =	sdelay $0x1  }
0x187: {  	v21 =	vmax.f32 v21, $-5.000000000e+00;
	v24 =	vmax.f32 v55, $-5.000000000e+00  }
0x188: {  	v21 =	vmin.f32 v21, $5.000000000e+00;
	v24 =	vmin.f32 v24, $5.000000000e+00  }
0x189: {  	v21 =	vmul.f32 v21, v53;
	v24 =	vmul.f32 v24, v54;
	_ =	sdelay $0x1  }
0x18a: {  	v21 =	vadd.f32 v24, v21;
	_ =	sdelay $0x1  }
0x18b: {  	v24 =	vperm.xlane v21, v1;
	_ =	sdelay $0x1  }
0x18c: {  	v21 =	vadd.f32 v21, v24;
	_ =	sdelay $0x1  }
0x18d: {  	v24 =	vperm.xlane v21, v2;
	_ =	sdelay $0x1  }
0x18e: {  	v21 =	vadd.f32 v21, v24;
	_ =	sdelay $0x1  }
0x18f: {  	v24 =	vperm.xlane v21, v3;
	_ =	sdelay $0x1  }
0x190: {  	v21 =	vadd.f32 v21, v24;
	_ =	sdelay $0x1  }
0x191: {  	v24 =	vperm.xlane v21, v4;
	_ =	sdelay $0x1  }
0x192: {  	v21 =	vadd.f32 v21, v24;
	_ =	sdelay $0x1  }
0x193: {  	v21 =	vmax.f32 v21, $-5.000000000e+00  }
0x194: {  	v21 =	vmin.f32 v21, $5.000000000e+00  }
0x195: {  	v21 =	vmul.f32 $1.442695020e+00, v21;
	_ =	sdelay $0x1  }
0x196: {  	(erf) = vpow2.f32 v21;
	_ =	sdelay $0x4  }
0x197: {  	v21 =	vld [tilespmem:s29+$0x40];
	_ =	sdelay $0x3  }
0x198: {  	v56 =	vpop (erf)  }
0x199: {  	v21 =	vmul.f32 v56, v21;
	_ =	sdelay $0x1  }
0x19a: {  	[tilespmem:s31+$0x40] =	vst v21  }
0x19b: {  	v21 =	vld [tilespmem:s29+$0x50];
	_ =	sdelay $0x4  }
0x19c: {  	v21 =	vmul.f32 v56, v21  }
0x19d: {  	v57 =	vld [tilespmem:s31+$0x60]  }
0x19e: {  	v59 =	vld [tilespmem:s31+$0x70];
	[tilespmem:s31+$0x50] =	vst v21  }
0x19f: {  	v21 =	vld [tilespmem:s0+$0x60]  }
0x1a0: {  	v58 =	vld [tilespmem:s0+$0x70];
	_ =	sdelay $0x2  }
0x1a1: {  	v60 =	vld [tilespmem:s30+$0x60]  }
0x1a2: {  	v61 =	vld [tilespmem:s30+$0x70]  }
0x1a3: {  	v21 =	vmul.f32 v57, v21;
	v62 =	vmul.f32 v59, v58;
	_ =	sdelay $0x1  }
0x1a4: {  	v21 =	vmax.f32 v21, $-5.000000000e+00;
	v25 =	vmax.f32 v62, $-5.000000000e+00  }
0x1a5: {  	v21 =	vmin.f32 v21, $5.000000000e+00;
	v25 =	vmin.f32 v25, $5.000000000e+00  }
0x1a6: {  	v21 =	vmul.f32 v21, v60;
	v25 =	vmul.f32 v25, v61;
	_ =	sdelay $0x1  }
0x1a7: {  	v21 =	vadd.f32 v25, v21;
	_ =	sdelay $0x1  }
0x1a8: {  	v25 =	vperm.xlane v21, v1;
	_ =	sdelay $0x1  }
0x1a9: {  	v21 =	vadd.f32 v21, v25;
	_ =	sdelay $0x1  }
0x1aa: {  	v25 =	vperm.xlane v21, v2;
	_ =	sdelay $0x1  }
0x1ab: {  	v21 =	vadd.f32 v21, v25;
	_ =	sdelay $0x1  }
0x1ac: {  	v25 =	vperm.xlane v21, v3;
	_ =	sdelay $0x1  }
0x1ad: {  	v21 =	vadd.f32 v21, v25;
	_ =	sdelay $0x1  }
0x1ae: {  	v25 =	vperm.xlane v21, v4;
	_ =	sdelay $0x1  }
0x1af: {  	v21 =	vadd.f32 v21, v25;
	_ =	sdelay $0x1  }
0x1b0: {  	v21 =	vmax.f32 v21, $-5.000000000e+00  }
0x1b1: {  	v21 =	vmin.f32 v21, $5.000000000e+00  }
0x1b2: {  	v21 =	vmul.f32 $1.442695020e+00, v21;
	_ =	sdelay $0x1  }
0x1b3: {  	(erf) = vpow2.f32 v21;
	_ =	sdelay $0x4  }
0x1b4: {  	v21 =	vld [tilespmem:s29+$0x60];
	_ =	sdelay $0x3  }
0x1b5: {  	v63 =	vpop (erf)  }
0x1b6: {  	v21 =	vmul.f32 v63, v21;
	_ =	sdelay $0x1  }
0x1b7: {  	[tilespmem:s31+$0x60] =	vst v21  }
0x1b8: {  	v21 =	vld [tilespmem:s29+$0x70];
	_ =	sdelay $0x1  }
0x1b9: {  	s28 =	sadd.s32 $0x2, s28  }
0x1ba: {  	p0 =	slt.u32 s28, $0x3E  }
.Ltmp1:
0x1bb: {  	v22 =	vnsel vm0, $0x0, v22;
	(pc) =	sbr.rel @p0 .LBB2_5-.Ltmp1, $4  }
0x1bc: {  	v22 =	vsel vm1, v22, v23;
	v21 =	vmul.f32 v63, v21  }
0x1bd: {  	v22 =	vsel vm2, v22, v56  }
0x1be: {  	s2 =	simm.s32 $0x0;
	s30 =	sadd.s32 $0x100, s30;
	[tilespmem:s31+$0x70] =	vst v21;
	v21 =	vsel vm3, v22, v63  }
0x1bf: {  	s0 =	sadd.s32 $0x100, s0;
	s31 =	sadd.s32 $0x100, s31;
	[tilespmem:s29+$0x0] =	vst v21;
	s29 =	sadd.s32 $0x100, s29  }
0x1c0: {  	s0 =	sshra.s32 s2, $0x2;
	s28 =	sadd.s32 $0x200, s2  }
.LBB2_7:
0x1c1: {  	p0 =	sne.s32 s28, $0x7E00;
	[tilespmem:s0+$0x1F0] =	vst v0  }
0x1c2: {  	[tilespmem:s0+$0x180] =	vst v0  }
0x1c3: {  	[tilespmem:s0+$0x190] =	vst v0  }
.Ltmp2:
0x1c4: {  	[tilespmem:s0+$0x1A0] =	vst v0;
	(pc) =	sbr.rel @p0 .LBB2_7-.Ltmp2, $4  }
0x1c5: {  	[tilespmem:s0+$0x1B0] =	vst v0  }
0x1c6: {  	[tilespmem:s0+$0x1C0] =	vst v0  }
0x1c7: {  	[tilespmem:s0+$0x1D0] =	vst v0  }
0x1c8: {  	[tilespmem:s0+$0x1E0] =	vst v0;
	s0 =	sshra.s32 s28, $0x2;
	s28 =	sadd.s32 $0x200, s28  }
0x1c9: {  	[tilespmem:s0+$0x1F0] =	vst v0  }
0x1ca: {  	[tilespmem:s0+$0x180] =	vst v0  }
0x1cb: {  	[tilespmem:s0+$0x190] =	vst v0  }
0x1cc: {  	[tilespmem:s0+$0x1A0] =	vst v0  }
0x1cd: {  	[tilespmem:s0+$0x1B0] =	vst v0  }
0x1ce: {  	[tilespmem:s0+$0x1C0] =	vst v0  }
0x1cf: {  	[tilespmem:s0+$0x1D0] =	vst v0  }
0x1d0: {  	[tilespmem:s0+$0x1E0] =	vst v0  }
0x1d1: {  	v21 =	vld [tilespmem:$0x80];
	_ =	sdelay $0x4  }
0x1d2: {  	v22 =	vshrl.u32 v21, $0x5  }
0x1d3: {  	v21 =	vshll.u32 v21, $0x2;
	v22 =	vadd.s32 $0x2800, v22  }
0x1d4: {  	v21 =	vand.u32 $0x7C, v21;
	[tilespmem:$0x100] =	vst v22  }
0x1d5: {  	v23 =	vor.u32 v5, v21;
	v22 =	vld.idx.msk [tilespmem:v5+s17+$0x0], $0xffff;
	_ =	sdelay $0x4  }
0x1d6: {  	[tilespmem:v23+s15+$0x0] =	vst.idx.msk $0xffff, v22  }
0x1d7: {  	v23 =	vor.u32 v6, v21;
	v22 =	vld.idx.msk [tilespmem:v6+s17+$0x0], $0xffff;
	_ =	sdelay $0x4  }
0x1d8: {  	[tilespmem:v23+s15+$0x0] =	vst.idx.msk $0xffff, v22  }
0x1d9: {  	v23 =	vor.u32 v7, v21;
	v22 =	vld.idx.msk [tilespmem:v7+s17+$0x0], $0xffff;
	_ =	sdelay $0x4  }
0x1da: {  	[tilespmem:v23+s15+$0x0] =	vst.idx.msk $0xffff, v22  }
0x1db: {  	v21 =	vor.u32 v8, v21;
	v22 =	vld.idx.msk [tilespmem:v8+s17+$0x0], $0xffff;
	_ =	sdelay $0x4  }
0x1dc: {  	[tilespmem:v21+s15+$0x0] =	vst.idx.msk $0xffff, v22  }
0x1dd: {  	v21 =	vld [tilespmem:$0x90];
	_ =	sdelay $0x4  }
0x1de: {  	v22 =	vshrl.u32 v21, $0x5  }
0x1df: {  	v21 =	vshll.u32 v21, $0x2;
	v22 =	vadd.s32 $0x2800, v22  }
0x1e0: {  	v21 =	vand.u32 $0x7C, v21;
	[tilespmem:$0x110] =	vst v22  }
0x1e1: {  	v23 =	vor.u32 v9, v21;
	v22 =	vld.idx.msk [tilespmem:v9+s17+$0x0], $0xffff;
	_ =	sdelay $0x4  }
0x1e2: {  	[tilespmem:v23+s15+$0x0] =	vst.idx.msk $0xffff, v22  }
0x1e3: {  	v23 =	vor.u32 v10, v21;
	v22 =	vld.idx.msk [tilespmem:v10+s17+$0x0], $0xffff;
	_ =	sdelay $0x4  }
0x1e4: {  	[tilespmem:v23+s15+$0x0] =	vst.idx.msk $0xffff, v22  }
0x1e5: {  	v23 =	vor.u32 v11, v21;
	v22 =	vld.idx.msk [tilespmem:v11+s17+$0x0], $0xffff;
	_ =	sdelay $0x4  }
0x1e6: {  	[tilespmem:v23+s15+$0x0] =	vst.idx.msk $0xffff, v22  }
0x1e7: {  	v21 =	vor.u32 v12, v21;
	v22 =	vld.idx.msk [tilespmem:v12+s17+$0x0], $0xffff;
	_ =	sdelay $0x4  }
0x1e8: {  	[tilespmem:v21+s15+$0x0] =	vst.idx.msk $0xffff, v22  }
0x1e9: {  	v21 =	vld [tilespmem:$0xA0];
	_ =	sdelay $0x4  }
0x1ea: {  	v22 =	vshrl.u32 v21, $0x5  }
0x1eb: {  	v21 =	vshll.u32 v21, $0x2;
	v22 =	vadd.s32 $0x2800, v22  }
0x1ec: {  	v21 =	vand.u32 $0x7C, v21;
	[tilespmem:$0x120] =	vst v22  }
0x1ed: {  	v23 =	vor.u32 v13, v21;
	v22 =	vld.idx.msk [tilespmem:v13+s17+$0x0], $0xffff;
	_ =	sdelay $0x4  }
0x1ee: {  	[tilespmem:v23+s15+$0x0] =	vst.idx.msk $0xffff, v22  }
0x1ef: {  	v23 =	vor.u32 v14, v21;
	v22 =	vld.idx.msk [tilespmem:v14+s17+$0x0], $0xffff;
	_ =	sdelay $0x4  }
0x1f0: {  	[tilespmem:v23+s15+$0x0] =	vst.idx.msk $0xffff, v22  }
0x1f1: {  	v23 =	vor.u32 v15, v21;
	v22 =	vld.idx.msk [tilespmem:v15+s17+$0x0], $0xffff;
	_ =	sdelay $0x4  }
0x1f2: {  	[tilespmem:v23+s15+$0x0] =	vst.idx.msk $0xffff, v22  }
0x1f3: {  	v21 =	vor.u32 v16, v21;
	v22 =	vld.idx.msk [tilespmem:v16+s17+$0x0], $0xffff;
	_ =	sdelay $0x4  }
0x1f4: {  	[tilespmem:v21+s15+$0x0] =	vst.idx.msk $0xffff, v22  }
0x1f5: {  	v21 =	vld [tilespmem:$0xB0];
	_ =	sdelay $0x4  }
0x1f6: {  	v22 =	vshrl.u32 v21, $0x5  }
0x1f7: {  	v21 =	vshll.u32 v21, $0x2;
	v22 =	vadd.s32 $0x2800, v22  }
0x1f8: {  	v21 =	vand.u32 $0x7C, v21;
	[tilespmem:$0x130] =	vst v22  }
0x1f9: {  	v23 =	vor.u32 v17, v21;
	v22 =	vld.idx.msk [tilespmem:v17+s17+$0x0], $0xffff;
	_ =	sdelay $0x4  }
0x1fa: {  	[tilespmem:v23+s15+$0x0] =	vst.idx.msk $0xffff, v22  }
0x1fb: {  	v23 =	vor.u32 v18, v21;
	v22 =	vld.idx.msk [tilespmem:v18+s17+$0x0], $0xffff;
	_ =	sdelay $0x4  }
0x1fc: {  	[tilespmem:v23+s15+$0x0] =	vst.idx.msk $0xffff, v22  }
0x1fd: {  	v23 =	vor.u32 v19, v21;
	v22 =	vld.idx.msk [tilespmem:v19+s17+$0x0], $0xffff;
	_ =	sdelay $0x4  }
0x1fe: {  	[tilespmem:v23+s15+$0x0] =	vst.idx.msk $0xffff, v22  }
0x1ff: {  	v21 =	vor.u32 v20, v21;
	v22 =	vld.idx.msk [tilespmem:v20+s17+$0x0], $0xffff;
	_ =	sdelay $0x1  }
0x200: {  	s26 =	sadd.s32 $0x1, s26  }
0x201: {  	p0 =	sne.s32 s26, $0x9D  }
.Ltmp3:
0x202: {  	_ = 	snop;
	(pc) =	sbr.rel @p0 .LBB2_4-.Ltmp3, $4  }
0x203: {  	[tilespmem:v21+s15+$0x0] =	vst.idx.msk $0xffff, v22  }
0x204: {  	[spmem:s3] =	stream.indirect.scatter.add.f32 [tilespmem:s16], [sflag:$0x3], $0x80, s13, s14, $0xb8;
	[tilespmem:$0x1E180] =	vst v63  }
0x205: {  	_ = 	snop  }
0x206: {  	[spmem:s3] =	stream.indirect.scatter.add.f32 [tilespmem:s15], [sflag:$0x4], $0x80, s24, s14, $0xb8;
	[tilespmem:$0x1E180] =	vst v63  }
0x207: {  	_ =	swait.ge [sflag:s22], $0x2000  }
0x208: {  	[sflag:s22] =	ssyncset.done $0x0  }
0x209: {  	[sflag:s22] =	ssyncadd.s32 $0xFFFFE000  }
0x20a: {  	_ =	swait.ge [sflag:s23], $0x2000  }
0x20b: {  	[sflag:s23] =	ssyncset.done $0x0  }
0x20c: {  	[sflag:s23] =	ssyncadd.s32 $0xFFFFE000  }
0x20d: {  	[bflag:$0x0] =	sbarrier.arrive $0xFFFF  }
0x20e: {  	[tilespmem:s11], [sflag:$0x5] =	stream.linear.gather [spmem:s20], $0x1000, $0x38;
	[tilespmem:$0x1E180] =	vst v63  }
0x20f: {  	_ =	swait.ge [sflag:s12], $0x1000  }
0x210: {  	[sflag:s12] =	ssyncset.done $0x0  }
0x211: {  	s0 =	rddreg [dreg:$0x4];
	[sflag:s12] =	ssyncadd.s32 $0xFFFFF000  }
0x212: {  	[hbm4b:s0+s4] =	stream.linear.scatter [tilespmem:s11], [sflag:$0x5], $0x1000, $0x38;
	[tilespmem:$0x1E180] =	vst v63  }
0x213: {  	_ =	swait.ge [sflag:s12], $0x1000  }
0x214: {  	[sflag:s12] =	ssyncset.done $0x0  }
0x215: {  	s2 =	rddreg [dreg:$0x1a];
	[sflag:s12] =	ssyncadd.s32 $0xFFFFF000  }
0x216: {  	[tilespmem:s11], [sflag:$0x5] =	stream.linear.gather [spmem:s2], $0x1000, $0x38;
	[tilespmem:$0x1E180] =	vst v63  }
0x217: {  	_ =	swait.ge [sflag:s12], $0x1000  }
0x218: {  	[sflag:s12] =	ssyncset.done $0x0  }
0x219: {  	s26 =	rddreg [dreg:$0x5];
	[sflag:s12] =	ssyncadd.s32 $0xFFFFF000  }
0x21a: {  	[hbm4b:s26+s4] =	stream.linear.scatter [tilespmem:s11], [sflag:$0x5], $0x1000, $0x38;
	[tilespmem:$0x1E180] =	vst v63  }
0x21b: {  	_ =	swait.ge [sflag:s12], $0x1000  }
0x21c: {  	[sflag:s12] =	ssyncset.done $0x0  }
0x21d: {  	s29 =	rddreg [dreg:$0x1b];
	[sflag:s12] =	ssyncadd.s32 $0xFFFFF000  }
0x21e: {  	[tilespmem:s11], [sflag:$0x5] =	stream.linear.gather [spmem:s29], $0x1000, $0x38;
	[tilespmem:$0x1E180] =	vst v63  }
0x21f: {  	_ =	swait.ge [sflag:s12], $0x1000  }
0x220: {  	[sflag:s12] =	ssyncset.done $0x0  }
0x221: {  	s28 =	smov.u32 s20;
	s20 =	rddreg [dreg:$0x6];
	[sflag:s12] =	ssyncadd.s32 $0xFFFFF000  }
0x222: {  	[hbm4b:s20+s4] =	stream.linear.scatter [tilespmem:s11], [sflag:$0x5], $0x1000, $0x38;
	[tilespmem:$0x1E180] =	vst v63  }
0x223: {  	_ =	swait.ge [sflag:s12], $0x1000  }
0x224: {  	[sflag:s12] =	ssyncset.done $0x0  }
0x225: {  	s30 =	rddreg [dreg:$0x1c];
	[sflag:s12] =	ssyncadd.s32 $0xFFFFF000  }
0x226: {  	[tilespmem:s11], [sflag:$0x5] =	stream.linear.gather [spmem:s30], $0x1000, $0x38;
	[tilespmem:$0x1E180] =	vst v63  }
0x227: {  	_ =	swait.ge [sflag:s12], $0x1000  }
0x228: {  	[sflag:s12] =	ssyncset.done $0x0  }
0x229: {  	s26 =	rddreg [dreg:$0x7];
	[sflag:s12] =	ssyncadd.s32 $0xFFFFF000  }
0x22a: {  	[hbm4b:s26+s4] =	stream.linear.scatter [tilespmem:s11], [sflag:$0x5], $0x1000, $0x38;
	[tilespmem:$0x1E180] =	vst v63  }
0x22b: {  	_ =	swait.ge [sflag:s12], $0x1000  }
0x22c: {  	[sflag:s12] =	ssyncset.done $0x0  }
0x22d: {  	s31 =	rddreg [dreg:$0x1d];
	[sflag:s12] =	ssyncadd.s32 $0xFFFFF000  }
0x22e: {  	[tilespmem:s11], [sflag:$0x5] =	stream.linear.gather [spmem:s31], $0x1000, $0x38;
	[tilespmem:$0x1E180] =	vst v63  }
0x22f: {  	_ =	swait.ge [sflag:s12], $0x1000  }
0x230: {  	[sflag:s12] =	ssyncset.done $0x0  }
0x231: {  	s20 =	rddreg [dreg:$0x8];
	[sflag:s12] =	ssyncadd.s32 $0xFFFFF000  }
0x232: {  	[hbm4b:s20+s4] =	stream.linear.scatter [tilespmem:s11], [sflag:$0x5], $0x1000, $0x38;
	[tilespmem:$0x1E180] =	vst v63  }
0x233: {  	_ =	swait.ge [sflag:s12], $0x1000  }
0x234: {  	[sflag:s12] =	ssyncset.done $0x0  }
0x235: {  	s26 =	rddreg [dreg:$0x1e];
	[sflag:s12] =	ssyncadd.s32 $0xFFFFF000  }
0x236: {  	[tilespmem:s11], [sflag:$0x5] =	stream.linear.gather [spmem:s26], $0x1000, $0x38;
	[tilespmem:$0x1E180] =	vst v63  }
0x237: {  	_ =	swait.ge [sflag:s12], $0x1000  }
0x238: {  	[sflag:s12] =	ssyncset.done $0x0  }
0x239: {  	s20 =	rddreg [dreg:$0x9];
	[sflag:s12] =	ssyncadd.s32 $0xFFFFF000  }
0x23a: {  	[hbm4b:s20+s4] =	stream.linear.scatter [tilespmem:s11], [sflag:$0x5], $0x1000, $0x38;
	[tilespmem:$0x1E180] =	vst v63  }
0x23b: {  	_ =	swait.ge [sflag:s12], $0x1000  }
0x23c: {  	[sflag:s12] =	ssyncset.done $0x0  }
0x23d: {  	s26 =	rddreg [dreg:$0x1f];
	[sflag:s12] =	ssyncadd.s32 $0xFFFFF000  }
0x23e: {  	[tilespmem:s11], [sflag:$0x5] =	stream.linear.gather [spmem:s26], $0x1000, $0x38;
	[tilespmem:$0x1E180] =	vst v63  }
0x23f: {  	_ =	swait.ge [sflag:s12], $0x1000  }
0x240: {  	[sflag:s12] =	ssyncset.done $0x0  }
0x241: {  	s20 =	rddreg [dreg:$0xa];
	[sflag:s12] =	ssyncadd.s32 $0xFFFFF000  }
0x242: {  	[hbm4b:s20+s4] =	stream.linear.scatter [tilespmem:s11], [sflag:$0x5], $0x1000, $0x38;
	[tilespmem:$0x1E180] =	vst v63  }
0x243: {  	_ =	swait.ge [sflag:s12], $0x1000  }
0x244: {  	s26 =	sld [smem:$0x7F0]  }
0x245: {  	[sflag:s12] =	ssyncset.done $0x0  }
0x246: {  	[sflag:s12] =	ssyncadd.s32 $0xFFFFF000  }
0x247: {  	[tilespmem:s11], [sflag:$0x5] =	stream.linear.gather [spmem:s26], $0x1000, $0x38;
	[tilespmem:$0x1E180] =	vst v63  }
0x248: {  	_ =	swait.ge [sflag:s12], $0x1000  }
0x249: {  	[sflag:s12] =	ssyncset.done $0x0  }
0x24a: {  	s20 =	rddreg [dreg:$0xb];
	[sflag:s12] =	ssyncadd.s32 $0xFFFFF000  }
0x24b: {  	[hbm4b:s20+s4] =	stream.linear.scatter [tilespmem:s11], [sflag:$0x5], $0x1000, $0x38;
	[tilespmem:$0x1E180] =	vst v63  }
0x24c: {  	_ =	swait.ge [sflag:s12], $0x1000  }
0x24d: {  	s26 =	sld [smem:$0x7F1]  }
0x24e: {  	[sflag:s12] =	ssyncset.done $0x0  }
0x24f: {  	[sflag:s12] =	ssyncadd.s32 $0xFFFFF000  }
0x250: {  	[tilespmem:s11], [sflag:$0x5] =	stream.linear.gather [spmem:s26], $0x1000, $0x38;
	[tilespmem:$0x1E180] =	vst v63  }
0x251: {  	_ =	swait.ge [sflag:s12], $0x1000  }
0x252: {  	[sflag:s12] =	ssyncset.done $0x0  }
0x253: {  	s20 =	rddreg [dreg:$0xc];
	[sflag:s12] =	ssyncadd.s32 $0xFFFFF000  }
0x254: {  	[hbm4b:s20+s4] =	stream.linear.scatter [tilespmem:s11], [sflag:$0x5], $0x1000, $0x38;
	[tilespmem:$0x1E180] =	vst v63  }
0x255: {  	_ =	swait.ge [sflag:s12], $0x1000  }
0x256: {  	s26 =	sld [smem:$0x7F2]  }
0x257: {  	[sflag:s12] =	ssyncset.done $0x0  }
0x258: {  	[sflag:s12] =	ssyncadd.s32 $0xFFFFF000  }
0x259: {  	[tilespmem:s11], [sflag:$0x5] =	stream.linear.gather [spmem:s26], $0x1000, $0x38;
	[tilespmem:$0x1E180] =	vst v63  }
0x25a: {  	_ =	swait.ge [sflag:s12], $0x1000  }
0x25b: {  	[sflag:s12] =	ssyncset.done $0x0  }
0x25c: {  	s20 =	rddreg [dreg:$0xd];
	[sflag:s12] =	ssyncadd.s32 $0xFFFFF000  }
0x25d: {  	[hbm4b:s20+s4] =	stream.linear.scatter [tilespmem:s11], [sflag:$0x5], $0x1000, $0x38;
	[tilespmem:$0x1E180] =	vst v63  }
0x25e: {  	_ =	swait.ge [sflag:s12], $0x1000  }
0x25f: {  	s26 =	sld [smem:$0x7F3]  }
0x260: {  	[sflag:s12] =	ssyncset.done $0x0  }
0x261: {  	[sflag:s12] =	ssyncadd.s32 $0xFFFFF000  }
0x262: {  	[tilespmem:s11], [sflag:$0x5] =	stream.linear.gather [spmem:s26], $0x1000, $0x38;
	[tilespmem:$0x1E180] =	vst v63  }
0x263: {  	_ =	swait.ge [sflag:s12], $0x1000  }
0x264: {  	[sflag:s12] =	ssyncset.done $0x0  }
0x265: {  	s20 =	rddreg [dreg:$0xe];
	[sflag:s12] =	ssyncadd.s32 $0xFFFFF000  }
0x266: {  	[hbm4b:s20+s4] =	stream.linear.scatter [tilespmem:s11], [sflag:$0x5], $0x1000, $0x38;
	[tilespmem:$0x1E180] =	vst v63  }
0x267: {  	_ =	swait.ge [sflag:s12], $0x1000  }
0x268: {  	s26 =	sld [smem:$0x7F4]  }
0x269: {  	[sflag:s12] =	ssyncset.done $0x0  }
0x26a: {  	[sflag:s12] =	ssyncadd.s32 $0xFFFFF000  }
0x26b: {  	[tilespmem:s11], [sflag:$0x5] =	stream.linear.gather [spmem:s26], $0x1000, $0x38;
	[tilespmem:$0x1E180] =	vst v63  }
0x26c: {  	_ =	swait.ge [sflag:s12], $0x1000  }
0x26d: {  	[sflag:s12] =	ssyncset.done $0x0  }
0x26e: {  	s20 =	rddreg [dreg:$0xf];
	[sflag:s12] =	ssyncadd.s32 $0xFFFFF000  }
0x26f: {  	[hbm4b:s20+s4] =	stream.linear.scatter [tilespmem:s11], [sflag:$0x5], $0x1000, $0x38;
	[tilespmem:$0x1E180] =	vst v63  }
0x270: {  	_ =	swait.ge [sflag:s12], $0x1000  }
0x271: {  	s26 =	sld [smem:$0x7F5]  }
0x272: {  	[sflag:s12] =	ssyncset.done $0x0  }
0x273: {  	[sflag:s12] =	ssyncadd.s32 $0xFFFFF000  }
0x274: {  	[tilespmem:s11], [sflag:$0x5] =	stream.linear.gather [spmem:s26], $0x1000, $0x38;
	[tilespmem:$0x1E180] =	vst v63  }
0x275: {  	_ =	swait.ge [sflag:s12], $0x1000  }
0x276: {  	[sflag:s12] =	ssyncset.done $0x0  }
0x277: {  	s20 =	rddreg [dreg:$0x10];
	[sflag:s12] =	ssyncadd.s32 $0xFFFFF000  }
0x278: {  	[hbm4b:s20+s4] =	stream.linear.scatter [tilespmem:s11], [sflag:$0x5], $0x1000, $0x38;
	[tilespmem:$0x1E180] =	vst v63  }
0x279: {  	_ =	swait.ge [sflag:s12], $0x1000  }
0x27a: {  	s26 =	sld [smem:$0x7F6]  }
0x27b: {  	[sflag:s12] =	ssyncset.done $0x0  }
0x27c: {  	[sflag:s12] =	ssyncadd.s32 $0xFFFFF000  }
0x27d: {  	[tilespmem:s11], [sflag:$0x5] =	stream.linear.gather [spmem:s26], $0x1000, $0x38;
	[tilespmem:$0x1E180] =	vst v63  }
0x27e: {  	_ =	swait.ge [sflag:s12], $0x1000  }
0x27f: {  	[sflag:s12] =	ssyncset.done $0x0  }
0x280: {  	s20 =	rddreg [dreg:$0x11];
	[sflag:s12] =	ssyncadd.s32 $0xFFFFF000  }
0x281: {  	[hbm4b:s20+s4] =	stream.linear.scatter [tilespmem:s11], [sflag:$0x5], $0x1000, $0x38;
	[tilespmem:$0x1E180] =	vst v63  }
0x282: {  	_ =	swait.ge [sflag:s12], $0x1000  }
0x283: {  	s26 =	sld [smem:$0x7F7]  }
0x284: {  	[sflag:s12] =	ssyncset.done $0x0  }
0x285: {  	[sflag:s12] =	ssyncadd.s32 $0xFFFFF000  }
0x286: {  	[tilespmem:s11], [sflag:$0x5] =	stream.linear.gather [spmem:s26], $0x1000, $0x38;
	[tilespmem:$0x1E180] =	vst v63  }
0x287: {  	_ =	swait.ge [sflag:s12], $0x1000  }
0x288: {  	[sflag:s12] =	ssyncset.done $0x0  }
0x289: {  	s20 =	rddreg [dreg:$0x12];
	[sflag:s12] =	ssyncadd.s32 $0xFFFFF000  }
0x28a: {  	[hbm4b:s20+s4] =	stream.linear.scatter [tilespmem:s11], [sflag:$0x5], $0x1000, $0x38;
	[tilespmem:$0x1E180] =	vst v63  }
0x28b: {  	_ =	swait.ge [sflag:s12], $0x1000  }
0x28c: {  	s26 =	sld [smem:$0x7F8]  }
0x28d: {  	[sflag:s12] =	ssyncset.done $0x0  }
0x28e: {  	[sflag:s12] =	ssyncadd.s32 $0xFFFFF000  }
0x28f: {  	[tilespmem:s11], [sflag:$0x5] =	stream.linear.gather [spmem:s26], $0x1000, $0x38;
	[tilespmem:$0x1E180] =	vst v63  }
0x290: {  	_ =	swait.ge [sflag:s12], $0x1000  }
0x291: {  	[sflag:s12] =	ssyncset.done $0x0  }
0x292: {  	s20 =	rddreg [dreg:$0x13];
	[sflag:s12] =	ssyncadd.s32 $0xFFFFF000  }
0x293: {  	[hbm4b:s20+s4] =	stream.linear.scatter [tilespmem:s11], [sflag:$0x5], $0x1000, $0x38;
	[tilespmem:$0x1E180] =	vst v63  }
0x294: {  	_ =	swait.ge [sflag:s12], $0x1000  }
0x295: {  	s26 =	sld [smem:$0x7F9]  }
0x296: {  	[sflag:s12] =	ssyncset.done $0x0  }
0x297: {  	[sflag:s12] =	ssyncadd.s32 $0xFFFFF000  }
0x298: {  	[tilespmem:s11], [sflag:$0x5] =	stream.linear.gather [spmem:s26], $0x1000, $0x38;
	[tilespmem:$0x1E180] =	vst v63  }
0x299: {  	_ =	swait.ge [sflag:s12], $0x1000  }
0x29a: {  	[sflag:s12] =	ssyncset.done $0x0  }
0x29b: {  	s20 =	rddreg [dreg:$0x14];
	[sflag:s12] =	ssyncadd.s32 $0xFFFFF000  }
0x29c: {  	[hbm4b:s20+s4] =	stream.linear.scatter [tilespmem:s11], [sflag:$0x5], $0x1000, $0x38;
	[tilespmem:$0x1E180] =	vst v63  }
0x29d: {  	_ =	swait.ge [sflag:s12], $0x1000  }
0x29e: {  	s26 =	sld [smem:$0x7FA]  }
0x29f: {  	[sflag:s12] =	ssyncset.done $0x0  }
0x2a0: {  	[sflag:s12] =	ssyncadd.s32 $0xFFFFF000  }
0x2a1: {  	[tilespmem:s11], [sflag:$0x5] =	stream.linear.gather [spmem:s26], $0x1000, $0x38;
	[tilespmem:$0x1E180] =	vst v63  }
0x2a2: {  	_ =	swait.ge [sflag:s12], $0x1000  }
0x2a3: {  	[sflag:s12] =	ssyncset.done $0x0  }
0x2a4: {  	s20 =	rddreg [dreg:$0x15];
	[sflag:s12] =	ssyncadd.s32 $0xFFFFF000  }
0x2a5: {  	[hbm4b:s20+s4] =	stream.linear.scatter [tilespmem:s11], [sflag:$0x5], $0x1000, $0x38;
	[tilespmem:$0x1E180] =	vst v63  }
0x2a6: {  	_ =	swait.ge [sflag:s12], $0x1000  }
0x2a7: {  	s26 =	sld [smem:$0x7FB]  }
0x2a8: {  	[sflag:s12] =	ssyncset.done $0x0  }
0x2a9: {  	[sflag:s12] =	ssyncadd.s32 $0xFFFFF000  }
0x2aa: {  	[tilespmem:s11], [sflag:$0x5] =	stream.linear.gather [spmem:s26], $0x1000, $0x38;
	[tilespmem:$0x1E180] =	vst v63  }
0x2ab: {  	_ =	swait.ge [sflag:s12], $0x1000  }
0x2ac: {  	[sflag:s12] =	ssyncset.done $0x0  }
0x2ad: {  	s20 =	rddreg [dreg:$0x16];
	[sflag:s12] =	ssyncadd.s32 $0xFFFFF000  }
0x2ae: {  	[hbm4b:s20+s4] =	stream.linear.scatter [tilespmem:s11], [sflag:$0x5], $0x1000, $0x38;
	[tilespmem:$0x1E180] =	vst v63  }
0x2af: {  	_ =	swait.ge [sflag:s12], $0x1000  }
0x2b0: {  	s26 =	sld [smem:$0x7FC]  }
0x2b1: {  	[sflag:s12] =	ssyncset.done $0x0  }
0x2b2: {  	[sflag:s12] =	ssyncadd.s32 $0xFFFFF000  }
0x2b3: {  	[tilespmem:s11], [sflag:$0x5] =	stream.linear.gather [spmem:s26], $0x1000, $0x38;
	[tilespmem:$0x1E180] =	vst v63  }
0x2b4: {  	_ =	swait.ge [sflag:s12], $0x1000  }
0x2b5: {  	[sflag:s12] =	ssyncset.done $0x0  }
0x2b6: {  	s20 =	rddreg [dreg:$0x17];
	[sflag:s12] =	ssyncadd.s32 $0xFFFFF000  }
0x2b7: {  	[hbm4b:s20+s4] =	stream.linear.scatter [tilespmem:s11], [sflag:$0x5], $0x1000, $0x38;
	[tilespmem:$0x1E180] =	vst v63  }
0x2b8: {  	_ =	swait.ge [sflag:s12], $0x1000  }
0x2b9: {  	s26 =	sld [smem:$0x7FD]  }
0x2ba: {  	[sflag:s12] =	ssyncset.done $0x0  }
0x2bb: {  	[sflag:s12] =	ssyncadd.s32 $0xFFFFF000  }
0x2bc: {  	[tilespmem:s11], [sflag:$0x5] =	stream.linear.gather [spmem:s26], $0x1000, $0x38;
	[tilespmem:$0x1E180] =	vst v63  }
0x2bd: {  	_ =	swait.ge [sflag:s12], $0x1000  }
0x2be: {  	[sflag:s12] =	ssyncset.done $0x0  }
0x2bf: {  	s20 =	rddreg [dreg:$0x18];
	[sflag:s12] =	ssyncadd.s32 $0xFFFFF000  }
0x2c0: {  	[hbm4b:s20+s4] =	stream.linear.scatter [tilespmem:s11], [sflag:$0x5], $0x1000, $0x38;
	[tilespmem:$0x1E180] =	vst v63  }
0x2c1: {  	_ =	swait.ge [sflag:s12], $0x1000  }
0x2c2: {  	s25 =	sadd.s32 $0x1, s25;
	s26 =	rddreg [dreg:$0x19]  }
0x2c3: {  	p0 =	sne.s32 s25, s26  }
.Ltmp4:
0x2c4: {  	_ = 	snop;
	(pc) =	sbr.rel @p0 .LBB2_1-.Ltmp4, $3  }
0x2c5: {  	_ =	sdelay $0x1  }
0x2c6: {  	[sflag:s12] =	ssyncset.done $0x0  }
0x2c7: {  	[sflag:s12] =	ssyncadd.s32 $0xFFFFF000  }
0x2c8: {  	_ =	sfence.sel $0x180000  }
0x2c9: {  	[bflag:$0x0] =	sbarrier.arrive $0xFFFF  }
0x2ca: {  	_ =	strace $0x90000047  }
0x2cb: {  	s0 =	stileid.u32;
	[bflag:$0x2] =	sbarrier.arrive $0xFFFF  }
0x2cc: {  	p0 =	sne.s32 s0, $0x0;
	s0 =	rddreg [dreg:$0x3]  }
0x2cd: {  	s0 =	sadd.s32 @!p0 $0x100000, s0  }
0x2ce: {  	[sflag:s0] =	ssyncadd.tile.s32 @!p0 $0x1;
	_ =	shalt  }
.Lfunc_end2:
_tile_overlayer_lowered:
.L_overlay_start_2:
0x2cf: {  	(tag) =	ssettag $0x2  }
0x2d0: {  	s0 =	rddreg [dreg:$0x0];
	s2 =	stileid.u32  }
0x2d1: {  	s1 =	rddreg [dreg:$0x1];
	p0 =	sne.s32 s2, $0x0  }
0x2d2: {  	s3 =	rddreg [dreg:$0x2];
	[bflag:$0x3] =	sbarrier.arrive $0xFFFF;
	s2 =	simm.s32 @!p0 $0x1C05  }
0x2d3: {  	[timem:s3], [sflag:s2] =	dma.local @!p0 [hbm:s0], s1  }
0x2d4: {  	s0 =	simm.s32 @!p0 $0x5  }
0x2d5: {  	_ =	swait.ge @!p0 [sflag:s0], s1  }
0x2d6: {  	s1 =	ssub.s32 @!p0 $0x0, s1;
	[sflag:s0] =	ssyncset.done @!p0 $0x0  }
0x2d7: {  	[sflag:s0] =	ssyncadd.s32 @!p0 s1  }
0x2d8: {  	[bflag:$0x3] =	sbarrier.arrive $0xFFFF  }
0x2d9: {  	_ =	shalt  }

</sc_bundles>
